<compile_context>
chip_gen: v7x
topology: tpu7x:2x2x1
jax: 0.10.2.dev20260603
libtpu: 0.0.44.dev20260713+nightly
codegen_flags: <defaults>
</compile_context>

<pallas_src>
import functools

import jax
import jax.numpy as jnp
from jax import lax
from jax.experimental import pallas as pl
from jax.experimental.pallas import tpu as pltpu
from jax.experimental.pallas import tpu_sc as plsc

_NUM_CLASSES = 1000
_MULT = 26
_ROWS = 1024
_LANES = 16


def _make_sc_kernel():
    info = plsc.get_sparse_core_info()
    nc, ns = info.num_cores, info.num_subcores
    nw = nc * ns
    rows_per_w = _ROWS // nw
    mesh = plsc.VectorSubcoreMesh(core_axis_name="c", subcore_axis_name="s")

    @functools.partial(
        pl.kernel,
        out_type=jax.ShapeDtypeStruct((_ROWS, _MULT, _NUM_CLASSES), jnp.int32),
        mesh=mesh,
        scratch_types=[
            pltpu.VMEM((rows_per_w, _MULT), jnp.int32),
            pltpu.VMEM((_MULT, _NUM_CLASSES), jnp.int32),
            pltpu.VMEM((_MULT, _NUM_CLASSES), jnp.int32),
            pltpu.SemaphoreType.DMA,
            pltpu.SemaphoreType.DMA,
        ],
        compiler_params=pltpu.CompilerParams(
            use_tc_tiling_on_sc=False, needs_layout_passes=False
        ),
    )
    def k(feat_hbm, out_hbm, feat_v, buf0, buf1, sem0, sem1):
        wid = lax.axis_index("s") * nc + lax.axis_index("c")
        base = wid * rows_per_w
        pltpu.sync_copy(feat_hbm.at[pl.ds(base, rows_per_w)], feat_v)

        iota = lax.iota(jnp.int32, _LANES)
        ones = jnp.full((_LANES,), 1, jnp.int32)
        zeros = jnp.zeros((_LANES,), jnp.int32)
        bufs = (buf0, buf1)
        sems = (sem0, sem1)

        def zero_row(j, carry):
            for b in range(2):
                for c in range(62):
                    bufs[b][j, pl.ds(c * _LANES, _LANES)] = zeros
                bufs[b][j, pl.ds(_NUM_CLASSES - _LANES, _LANES)] = zeros
            return carry

        lax.fori_loop(0, _MULT, zero_row, 0)

        def scatter_row(buf, r, val):
            f0 = feat_v[r, pl.ds(0, _LANES)]
            f1 = feat_v[r, pl.ds(_MULT - _LANES, _LANES)]
            plsc.store_scatter(buf, [iota, f0], val)
            plsc.store_scatter(buf, [iota + (_MULT - _LANES), f1], val)

        pend = [None, None]
        for r in range(rows_per_w):
            b = r & 1
            if pend[b] is not None:
                pend[b].wait()
                scatter_row(bufs[b], r - 2, zeros)
            scatter_row(bufs[b], r, ones)
            pend[b] = pltpu.async_copy(bufs[b], out_hbm.at[base + r], sems[b])
        for b in range(2):
            if pend[b] is not None:
                pend[b].wait()

    return k


_sc_onehot = _make_sc_kernel()


def kernel(feat):
    return _sc_onehot(feat)

# --- scband reference (transcript-rebuilt; emitter-appended) ---
"""Pipeline reference for scband-feat-one-hot-encoding-26293789786373 (READ-ONLY COPY).

The authoritative reference and input builder live on the scoring server;
editing this copy changes nothing except your own understanding.
"""

import jax, jax.numpy as jnp
import numpy as np

NUM_CLASSES = 1000
MULT = 26

def setup_inputs(seed: int = 0) -> dict:
    key = jax.random.key(seed)
    feat = jax.random.randint(key, (1024, MULT), 0, NUM_CLASSES, dtype=jnp.int32)
    return {"feat": feat}

def reference(feat):
    # Faithful translation of torch.nn.functional.one_hot:
    # assert last dim equals mult, then one-hot encode to integer tensor
    assert feat.shape[-1] == MULT
    # torch one_hot returns int64; use int32 here (jax default int) with identical values
    out = (feat[..., None] == jnp.arange(NUM_CLASSES, dtype=feat.dtype)[None, None, :]).astype(jnp.int32)
    return out

if __name__ == "__main__":
    import jax
    _d = setup_inputs()
    print(jax.jit(kernel)(*tuple(_d.values())))

</pallas_src>

<mosaic_0001>
#map = affine_map<(d0, d1) -> (0, 0)>
#map1 = affine_map<(d0, d1) -> (0, 0, 0)>
module attributes {stable_mosaic.version = 14 : i64} {
  func.func @k(%arg0: i32, %arg1: i32, %arg2: memref<1024x26xi32, #tpu.memory_space<hbm>>, %arg3: memref<1024x26x1000xi32, #tpu.memory_space<hbm>>, %arg4: memref<32x26xi32, #tpu.memory_space<vmem>>, %arg5: memref<26x1000xi32, #tpu.memory_space<vmem>>, %arg6: memref<26x1000xi32, #tpu.memory_space<vmem>>, %arg7: memref<!tpu.dma_semaphore, #tpu.memory_space<semaphore_mem>>, %arg8: memref<!tpu.dma_semaphore, #tpu.memory_space<semaphore_mem>>) attributes {dimension_semantics = [#tpu.dimension_semantics<core_parallel>, #tpu.dimension_semantics<subcore_parallel>], iteration_bounds = array<i64: 2, 16>, scalar_prefetch = 0 : i64, scratch_operands = 5 : i64, tpu.core_type = #tpu.core_type<sc_vector_subcore>, window_params = [{transform_indices = #map}, {transform_indices = #map1}]} {
    %mul3A = arith.constant 2 : i32
    %mul3A_0 = arith.muli %arg1, %mul3A : i32
    %add3A = arith.addi %mul3A_0, %arg0 : i32
    %mul3A_1 = arith.constant 32 : i32
    %mul3A_2 = arith.muli %add3A, %mul3A_1 : i32
    "tpu.region"() ({
      %run_scoped3A = tpu.sem_alloc : memref<!tpu.dma_semaphore, #tpu.memory_space<semaphore_mem>>
      %dma_start3A_1266 = arith.constant 0 : i32
      %dma_start3A_1267 = tpu.memref_slice %arg2[%mul3A_2, %dma_start3A_1266] : memref<1024x26xi32, #tpu.memory_space<hbm>> -> memref<32x26xi32, #tpu.memory_space<hbm>>
      %dma_start3A_1268 = arith.constant 0 : i32
      %dma_start3A_1269 = tpu.memref_slice %arg2[%mul3A_2, %dma_start3A_1268] : memref<1024x26xi32, #tpu.memory_space<hbm>> -> memref<32x26xi32, #tpu.memory_space<hbm>>
      tpu.enqueue_dma source(%dma_start3A_1269 : memref<32x26xi32, #tpu.memory_space<hbm>>) target(%arg4 : memref<32x26xi32, #tpu.memory_space<vmem>>) target_semaphore(%run_scoped3A : memref<!tpu.dma_semaphore, #tpu.memory_space<semaphore_mem>>)
      %dma_wait3A_1270 = arith.constant 0 : i32
      %dma_wait3A_1271 = tpu.memref_slice %arg2[%mul3A_2, %dma_wait3A_1270] : memref<1024x26xi32, #tpu.memory_space<hbm>> -> memref<32x26xi32, #tpu.memory_space<hbm>>
      %dma_wait3A_1272 = arith.constant 0 : i32
      %dma_wait3A_1273 = tpu.memref_slice %arg2[%mul3A_2, %dma_wait3A_1272] : memref<1024x26xi32, #tpu.memory_space<hbm>> -> memref<32x26xi32, #tpu.memory_space<hbm>>
      tpu.wait_dma2 semaphore(%run_scoped3A : memref<!tpu.dma_semaphore, #tpu.memory_space<semaphore_mem>>) src(%dma_wait3A_1273 : memref<32x26xi32, #tpu.memory_space<hbm>>) dst(%arg4 : memref<32x26xi32, #tpu.memory_space<vmem>>)
      tpu.yield
    }) : () -> ()
    %iota3A = tpu.iota {dimensions = array<i32: 0>} : vector<16xi32>
    %broadcast_in_dim3A = arith.constant 1 : i32
    %broadcast_in_dim3A_3 = vector.broadcast %broadcast_in_dim3A : i32 to vector<16xi32>
    %broadcast_in_dim3A_4 = arith.constant 0 : i32
    %broadcast_in_dim3A_5 = vector.broadcast %broadcast_in_dim3A_4 : i32 to vector<16xi32>
    %scan3A = arith.constant 0 : i32
    %scan3A_6 = arith.constant 0 : i32
    %scan3A_7 = arith.constant 26 : i32
    %scan3A_8 = arith.addi %scan3A_6, %scan3A_7 : i32
    %scan3A_9 = arith.constant 1 : i32
    scf.for %scan3A_1266 = %scan3A_6 to %scan3A_8 step %scan3A_9  : i32 {
      %swap3A = arith.index_cast %scan3A_1266 : i32 to index
      %swap3A_1267 = arith.constant 0 : index
      %swap3A_1268 = tpu.vector_load %arg5[%swap3A, %swap3A_1267] {strides = array<i32>} : memref<26x1000xi32, #tpu.memory_space<vmem>>, vector<16xi32>,
      tpu.vector_store %arg5[%swap3A, %swap3A_1267], %broadcast_in_dim3A_5 {strides = array<i32>} : memref<26x1000xi32, #tpu.memory_space<vmem>>, vector<16xi32>,
      %swap3A_1269 = arith.index_cast %scan3A_1266 : i32 to index
      %swap3A_1270 = arith.constant 16 : index
      %swap3A_1271 = tpu.vector_load %arg5[%swap3A_1269, %swap3A_1270] {strides = array<i32>} : memref<26x1000xi32, #tpu.memory_space<vmem>>, vector<16xi32>,
      tpu.vector_store %arg5[%swap3A_1269, %swap3A_1270], %broadcast_in_dim3A_5 {strides = array<i32>} : memref<26x1000xi32, #tpu.memory_space<vmem>>, vector<16xi32>,
      %swap3A_1272 = arith.index_cast %scan3A_1266 : i32 to index
      %swap3A_1273 = arith.constant 32 : index
      %swap3A_1274 = tpu.vector_load %arg5[%swap3A_1272, %swap3A_1273] {strides = array<i32>} : memref<26x1000xi32, #tpu.memory_space<vmem>>, vector<16xi32>,
      tpu.vector_store %arg5[%swap3A_1272, %swap3A_1273], %broadcast_in_dim3A_5 {strides = array<i32>} : memref<26x1000xi32, #tpu.memory_space<vmem>>, vector<16xi32>,
      %swap3A_1275 = arith.index_cast %scan3A_1266 : i32 to index
      %swap3A_1276 = arith.constant 48 : index
      %swap3A_1277 = tpu.vector_load %arg5[%swap3A_1275, %swap3A_1276] {strides = array<i32>} : memref<26x1000xi32, #tpu.memory_space<vmem>>, vector<16xi32>,
      tpu.vector_store %arg5[%swap3A_1275, %swap3A_1276], %broadcast_in_dim3A_5 {strides = array<i32>} : memref<26x1000xi32, #tpu.memory_space<vmem>>, vector<16xi32>,
      %swap3A_1278 = arith.index_cast %scan3A_1266 : i32 to index
      %swap3A_1279 = arith.constant 64 : index
      %swap3A_1280 = tpu.vector_load %arg5[%swap3A_1278, %swap3A_1279] {strides = array<i32>} : memref<26x1000xi32, #tpu.memory_space<vmem>>, vector<16xi32>,
      tpu.vector_store %arg5[%swap3A_1278, %swap3A_1279], %broadcast_in_dim3A_5 {strides = array<i32>} : memref<26x1000xi32, #tpu.memory_space<vmem>>, vector<16xi32>,
      %swap3A_1281 = arith.index_cast %scan3A_1266 : i32 to index
      %swap3A_1282 = arith.constant 80 : index
      %swap3A_1283 = tpu.vector_load %arg5[%swap3A_1281, %swap3A_1282] {strides = array<i32>} : memref<26x1000xi32, #tpu.memory_space<vmem>>, vector<16xi32>,
      tpu.vector_store %arg5[%swap3A_1281, %swap3A_1282], %broadcast_in_dim3A_5 {strides = array<i32>} : memref<26x1000xi32, #tpu.memory_space<vmem>>, vector<16xi32>,
      %swap3A_1284 = arith.index_cast %scan3A_1266 : i32 to index
      %swap3A_1285 = arith.constant 96 : index
      %swap3A_1286 = tpu.vector_load %arg5[%swap3A_1284, %swap3A_1285] {strides = array<i32>} : memref<26x1000xi32, #tpu.memory_space<vmem>>, vector<16xi32>,
      tpu.vector_store %arg5[%swap3A_1284, %swap3A_1285], %broadcast_in_dim3A_5 {strides = array<i32>} : memref<26x1000xi32, #tpu.memory_space<vmem>>, vector<16xi32>,
      %swap3A_1287 = arith.index_cast %scan3A_1266 : i32 to index
      %swap3A_1288 = arith.constant 112 : index
      %swap3A_1289 = tpu.vector_load %arg5[%swap3A_1287, %swap3A_1288] {strides = array<i32>} : memref<26x1000xi32, #tpu.memory_space<vmem>>, vector<16xi32>,
      tpu.vector_store %arg5[%swap3A_1287, %swap3A_1288], %broadcast_in_dim3A_5 {strides = array<i32>} : memref<26x1000xi32, #tpu.memory_space<vmem>>, vector<16xi32>,
      %swap3A_1290 = arith.index_cast %scan3A_1266 : i32 to index
      %swap3A_1291 = arith.constant 128 : index
      %swap3A_1292 = tpu.vector_load %arg5[%swap3A_1290, %swap3A_1291] {strides = array<i32>} : memref<26x1000xi32, #tpu.memory_space<vmem>>, vector<16xi32>,
      tpu.vector_store %arg5[%swap3A_1290, %swap3A_1291], %broadcast_in_dim3A_5 {strides = array<i32>} : memref<26x1000xi32, #tpu.memory_space<vmem>>, vector<16xi32>,
      %swap3A_1293 = arith.index_cast %scan3A_1266 : i32 to index
      %swap3A_1294 = arith.constant 144 : index
      %swap3A_1295 = tpu.vector_load %arg5[%swap3A_1293, %swap3A_1294] {strides = array<i32>} : memref<26x1000xi32, #tpu.memory_space<vmem>>, vector<16xi32>,
      tpu.vector_store %arg5[%swap3A_1293, %swap3A_1294], %broadcast_in_dim3A_5 {strides = array<i32>} : memref<26x1000xi32, #tpu.memory_space<vmem>>, vector<16xi32>,
      %swap3A_1296 = arith.index_cast %scan3A_1266 : i32 to index
      %swap3A_1297 = arith.constant 160 : index
      %swap3A_1298 = tpu.vector_load %arg5[%swap3A_1296, %swap3A_1297] {strides = array<i32>} : memref<26x1000xi32, #tpu.memory_space<vmem>>, vector<16xi32>,
      tpu.vector_store %arg5[%swap3A_1296, %swap3A_1297], %broadcast_in_dim3A_5 {strides = array<i32>} : memref<26x1000xi32, #tpu.memory_space<vmem>>, vector<16xi32>,
      %swap3A_1299 = arith.index_cast %scan3A_1266 : i32 to index
      %swap3A_1300 = arith.constant 176 : index
      %swap3A_1301 = tpu.vector_load %arg5[%swap3A_1299, %swap3A_1300] {strides = array<i32>} : memref<26x1000xi32, #tpu.memory_space<vmem>>, vector<16xi32>,
      tpu.vector_store %arg5[%swap3A_1299, %swap3A_1300], %broadcast_in_dim3A_5 {strides = array<i32>} : memref<26x1000xi32, #tpu.memory_space<vmem>>, vector<16xi32>,
      %swap3A_1302 = arith.index_cast %scan3A_1266 : i32 to index
      %swap3A_1303 = arith.constant 192 : index
      %swap3A_1304 = tpu.vector_load %arg5[%swap3A_1302, %swap3A_1303] {strides = array<i32>} : memref<26x1000xi32, #tpu.memory_space<vmem>>, vector<16xi32>,
      tpu.vector_store %arg5[%swap3A_1302, %swap3A_1303], %broadcast_in_dim3A_5 {strides = array<i32>} : memref<26x1000xi32, #tpu.memory_space<vmem>>, vector<16xi32>,
      %swap3A_1305 = arith.index_cast %scan3A_1266 : i32 to index
      %swap3A_1306 = arith.constant 208 : index
      %swap3A_1307 = tpu.vector_load %arg5[%swap3A_1305, %swap3A_1306] {strides = array<i32>} : memref<26x1000xi32, #tpu.memory_space<vmem>>, vector<16xi32>,
      tpu.vector_store %arg5[%swap3A_1305, %swap3A_1306], %broadcast_in_dim3A_5 {strides = array<i32>} : memref<26x1000xi32, #tpu.memory_space<vmem>>, vector<16xi32>,
      %swap3A_1308 = arith.index_cast %scan3A_1266 : i32 to index
      %swap3A_1309 = arith.constant 224 : index
      %swap3A_1310 = tpu.vector_load %arg5[%swap3A_1308, %swap3A_1309] {strides = array<i32>} : memref<26x1000xi32, #tpu.memory_space<vmem>>, vector<16xi32>,
      tpu.vector_store %arg5[%swap3A_1308, %swap3A_1309], %broadcast_in_dim3A_5 {strides = array<i32>} : memref<26x1000xi32, #tpu.memory_space<vmem>>, vector<16xi32>,
      %swap3A_1311 = arith.index_cast %scan3A_1266 : i32 to index
      %swap3A_1312 = arith.constant 240 : index
      %swap3A_1313 = tpu.vector_load %arg5[%swap3A_1311, %swap3A_1312] {strides = array<i32>} : memref<26x1000xi32, #tpu.memory_space<vmem>>, vector<16xi32>,
      tpu.vector_store %arg5[%swap3A_1311, %swap3A_1312], %broadcast_in_dim3A_5 {strides = array<i32>} : memref<26x1000xi32, #tpu.memory_space<vmem>>, vector<16xi32>,
      %swap3A_1314 = arith.index_cast %scan3A_1266 : i32 to index
      %swap3A_1315 = arith.constant 256 : index
      %swap3A_1316 = tpu.vector_load %arg5[%swap3A_1314, %swap3A_1315] {strides = array<i32>} : memref<26x1000xi32, #tpu.memory_space<vmem>>, vector<16xi32>,
      tpu.vector_store %arg5[%swap3A_1314, %swap3A_1315], %broadcast_in_dim3A_5 {strides = array<i32>} : memref<26x1000xi32, #tpu.memory_space<vmem>>, vector<16xi32>,
      %swap3A_1317 = arith.index_cast %scan3A_1266 : i32 to index
      %swap3A_1318 = arith.constant 272 : index
      %swap3A_1319 = tpu.vector_load %arg5[%swap3A_1317, %swap3A_1318] {strides = array<i32>} : memref<26x1000xi32, #tpu.memory_space<vmem>>, vector<16xi32>,
      tpu.vector_store %arg5[%swap3A_1317, %swap3A_1318], %broadcast_in_dim3A_5 {strides = array<i32>} : memref<26x1000xi32, #tpu.memory_space<vmem>>, vector<16xi32>,
      %swap3A_1320 = arith.index_cast %scan3A_1266 : i32 to index
      %swap3A_1321 = arith.constant 288 : index
      %swap3A_1322 = tpu.vector_load %arg5[%swap3A_1320, %swap3A_1321] {strides = array<i32>} : memref<26x1000xi32, #tpu.memory_space<vmem>>, vector<16xi32>,
      tpu.vector_store %arg5[%swap3A_1320, %swap3A_1321], %broadcast_in_dim3A_5 {strides = array<i32>} : memref<26x1000xi32, #tpu.memory_space<vmem>>, vector<16xi32>,
      %swap3A_1323 = arith.index_cast %scan3A_1266 : i32 to index
      %swap3A_1324 = arith.constant 304 : index
      %swap3A_1325 = tpu.vector_load %arg5[%swap3A_1323, %swap3A_1324] {strides = array<i32>} : memref<26x1000xi32, #tpu.memory_space<vmem>>, vector<16xi32>,
      tpu.vector_store %arg5[%swap3A_1323, %swap3A_1324], %broadcast_in_dim3A_5 {strides = array<i32>} : memref<26x1000xi32, #tpu.memory_space<vmem>>, vector<16xi32>,
      %swap3A_1326 = arith.index_cast %scan3A_1266 : i32 to index
      %swap3A_1327 = arith.constant 320 : index
      %swap3A_1328 = tpu.vector_load %arg5[%swap3A_1326, %swap3A_1327] {strides = array<i32>} : memref<26x1000xi32, #tpu.memory_space<vmem>>, vector<16xi32>,
      tpu.vector_store %arg5[%swap3A_1326, %swap3A_1327], %broadcast_in_dim3A_5 {strides = array<i32>} : memref<26x1000xi32, #tpu.memory_space<vmem>>, vector<16xi32>,
      %swap3A_1329 = arith.index_cast %scan3A_1266 : i32 to index
      %swap3A_1330 = arith.constant 336 : index
      %swap3A_1331 = tpu.vector_load %arg5[%swap3A_1329, %swap3A_1330] {strides = array<i32>} : memref<26x1000xi32, #tpu.memory_space<vmem>>, vector<16xi32>,
      tpu.vector_store %arg5[%swap3A_1329, %swap3A_1330], %broadcast_in_dim3A_5 {strides = array<i32>} : memref<26x1000xi32, #tpu.memory_space<vmem>>, vector<16xi32>,
      %swap3A_1332 = arith.index_cast %scan3A_1266 : i32 to index
      %swap3A_1333 = arith.constant 352 : index
      %swap3A_1334 = tpu.vector_load %arg5[%swap3A_1332, %swap3A_1333] {strides = array<i32>} : memref<26x1000xi32, #tpu.memory_space<vmem>>, vector<16xi32>,
      tpu.vector_store %arg5[%swap3A_1332, %swap3A_1333], %broadcast_in_dim3A_5 {strides = array<i32>} : memref<26x1000xi32, #tpu.memory_space<vmem>>, vector<16xi32>,
      %swap3A_1335 = arith.index_cast %scan3A_1266 : i32 to index
      %swap3A_1336 = arith.constant 368 : index
      %swap3A_1337 = tpu.vector_load %arg5[%swap3A_1335, %swap3A_1336] {strides = array<i32>} : memref<26x1000xi32, #tpu.memory_space<vmem>>, vector<16xi32>,
      tpu.vector_store %arg5[%swap3A_1335, %swap3A_1336], %broadcast_in_dim3A_5 {strides = array<i32>} : memref<26x1000xi32, #tpu.memory_space<vmem>>, vector<16xi32>,
      %swap3A_1338 = arith.index_cast %scan3A_1266 : i32 to index
      %swap3A_1339 = arith.constant 384 : index
      %swap3A_1340 = tpu.vector_load %arg5[%swap3A_1338, %swap3A_1339] {strides = array<i32>} : memref<26x1000xi32, #tpu.memory_space<vmem>>, vector<16xi32>,
      tpu.vector_store %arg5[%swap3A_1338, %swap3A_1339], %broadcast_in_dim3A_5 {strides = array<i32>} : memref<26x1000xi32, #tpu.memory_space<vmem>>, vector<16xi32>,
      %swap3A_1341 = arith.index_cast %scan3A_1266 : i32 to index
      %swap3A_1342 = arith.constant 400 : index
      %swap3A_1343 = tpu.vector_load %arg5[%swap3A_1341, %swap3A_1342] {strides = array<i32>} : memref<26x1000xi32, #tpu.memory_space<vmem>>, vector<16xi32>,
      tpu.vector_store %arg5[%swap3A_1341, %swap3A_1342], %broadcast_in_dim3A_5 {strides = array<i32>} : memref<26x1000xi32, #tpu.memory_space<vmem>>, vector<16xi32>,
      %swap3A_1344 = arith.index_cast %scan3A_1266 : i32 to index
      %swap3A_1345 = arith.constant 416 : index
      %swap3A_1346 = tpu.vector_load %arg5[%swap3A_1344, %swap3A_1345] {strides = array<i32>} : memref<26x1000xi32, #tpu.memory_space<vmem>>, vector<16xi32>,
      tpu.vector_store %arg5[%swap3A_1344, %swap3A_1345], %broadcast_in_dim3A_5 {strides = array<i32>} : memref<26x1000xi32, #tpu.memory_space<vmem>>, vector<16xi32>,
      %swap3A_1347 = arith.index_cast %scan3A_1266 : i32 to index
      %swap3A_1348 = arith.constant 432 : index
      %swap3A_1349 = tpu.vector_load %arg5[%swap3A_1347, %swap3A_1348] {strides = array<i32>} : memref<26x1000xi32, #tpu.memory_space<vmem>>, vector<16xi32>,
      tpu.vector_store %arg5[%swap3A_1347, %swap3A_1348], %broadcast_in_dim3A_5 {strides = array<i32>} : memref<26x1000xi32, #tpu.memory_space<vmem>>, vector<16xi32>,
      %swap3A_1350 = arith.index_cast %scan3A_1266 : i32 to index
      %swap3A_1351 = arith.constant 448 : index
      %swap3A_1352 = tpu.vector_load %arg5[%swap3A_1350, %swap3A_1351] {strides = array<i32>} : memref<26x1000xi32, #tpu.memory_space<vmem>>, vector<16xi32>,
      tpu.vector_store %arg5[%swap3A_1350, %swap3A_1351], %broadcast_in_dim3A_5 {strides = array<i32>} : memref<26x1000xi32, #tpu.memory_space<vmem>>, vector<16xi32>,
      %swap3A_1353 = arith.index_cast %scan3A_1266 : i32 to index
      %swap3A_1354 = arith.constant 464 : index
      %swap3A_1355 = tpu.vector_load %arg5[%swap3A_1353, %swap3A_1354] {strides = array<i32>} : memref<26x1000xi32, #tpu.memory_space<vmem>>, vector<16xi32>,
      tpu.vector_store %arg5[%swap3A_1353, %swap3A_1354], %broadcast_in_dim3A_5 {strides = array<i32>} : memref<26x1000xi32, #tpu.memory_space<vmem>>, vector<16xi32>,
      %swap3A_1356 = arith.index_cast %scan3A_1266 : i32 to index
      %swap3A_1357 = arith.constant 480 : index
      %swap3A_1358 = tpu.vector_load %arg5[%swap3A_1356, %swap3A_1357] {strides = array<i32>} : memref<26x1000xi32, #tpu.memory_space<vmem>>, vector<16xi32>,
      tpu.vector_store %arg5[%swap3A_1356, %swap3A_1357], %broadcast_in_dim3A_5 {strides = array<i32>} : memref<26x1000xi32, #tpu.memory_space<vmem>>, vector<16xi32>,
      %swap3A_1359 = arith.index_cast %scan3A_1266 : i32 to index
      %swap3A_1360 = arith.constant 496 : index
      %swap3A_1361 = tpu.vector_load %arg5[%swap3A_1359, %swap3A_1360] {strides = array<i32>} : memref<26x1000xi32, #tpu.memory_space<vmem>>, vector<16xi32>,
      tpu.vector_store %arg5[%swap3A_1359, %swap3A_1360], %broadcast_in_dim3A_5 {strides = array<i32>} : memref<26x1000xi32, #tpu.memory_space<vmem>>, vector<16xi32>,
      %swap3A_1362 = arith.index_cast %scan3A_1266 : i32 to index
      %swap3A_1363 = arith.constant 512 : index
      %swap3A_1364 = tpu.vector_load %arg5[%swap3A_1362, %swap3A_1363] {strides = array<i32>} : memref<26x1000xi32, #tpu.memory_space<vmem>>, vector<16xi32>,
      tpu.vector_store %arg5[%swap3A_1362, %swap3A_1363], %broadcast_in_dim3A_5 {strides = array<i32>} : memref<26x1000xi32, #tpu.memory_space<vmem>>, vector<16xi32>,
      %swap3A_1365 = arith.index_cast %scan3A_1266 : i32 to index
      %swap3A_1366 = arith.constant 528 : index
      %swap3A_1367 = tpu.vector_load %arg5[%swap3A_1365, %swap3A_1366] {strides = array<i32>} : memref<26x1000xi32, #tpu.memory_space<vmem>>, vector<16xi32>,
      tpu.vector_store %arg5[%swap3A_1365, %swap3A_1366], %broadcast_in_dim3A_5 {strides = array<i32>} : memref<26x1000xi32, #tpu.memory_space<vmem>>, vector<16xi32>,
      %swap3A_1368 = arith.index_cast %scan3A_1266 : i32 to index
      %swap3A_1369 = arith.constant 544 : index
      %swap3A_1370 = tpu.vector_load %arg5[%swap3A_1368, %swap3A_1369] {strides = array<i32>} : memref<26x1000xi32, #tpu.memory_space<vmem>>, vector<16xi32>,
      tpu.vector_store %arg5[%swap3A_1368, %swap3A_1369], %broadcast_in_dim3A_5 {strides = array<i32>} : memref<26x1000xi32, #tpu.memory_space<vmem>>, vector<16xi32>,
      %swap3A_1371 = arith.index_cast %scan3A_1266 : i32 to index
      %swap3A_1372 = arith.constant 560 : index
      %swap3A_1373 = tpu.vector_load %arg5[%swap3A_1371, %swap3A_1372] {strides = array<i32>} : memref<26x1000xi32, #tpu.memory_space<vmem>>, vector<16xi32>,
      tpu.vector_store %arg5[%swap3A_1371, %swap3A_1372], %broadcast_in_dim3A_5 {strides = array<i32>} : memref<26x1000xi32, #tpu.memory_space<vmem>>, vector<16xi32>,
      %swap3A_1374 = arith.index_cast %scan3A_1266 : i32 to index
      %swap3A_1375 = arith.constant 576 : index
      %swap3A_1376 = tpu.vector_load %arg5[%swap3A_1374, %swap3A_1375] {strides = array<i32>} : memref<26x1000xi32, #tpu.memory_space<vmem>>, vector<16xi32>,
      tpu.vector_store %arg5[%swap3A_1374, %swap3A_1375], %broadcast_in_dim3A_5 {strides = array<i32>} : memref<26x1000xi32, #tpu.memory_space<vmem>>, vector<16xi32>,
      %swap3A_1377 = arith.index_cast %scan3A_1266 : i32 to index
      %swap3A_1378 = arith.constant 592 : index
      %swap3A_1379 = tpu.vector_load %arg5[%swap3A_1377, %swap3A_1378] {strides = array<i32>} : memref<26x1000xi32, #tpu.memory_space<vmem>>, vector<16xi32>,
      tpu.vector_store %arg5[%swap3A_1377, %swap3A_1378], %broadcast_in_dim3A_5 {strides = array<i32>} : memref<26x1000xi32, #tpu.memory_space<vmem>>, vector<16xi32>,
      %swap3A_1380 = arith.index_cast %scan3A_1266 : i32 to index
      %swap3A_1381 = arith.constant 608 : index
      %swap3A_1382 = tpu.vector_load %arg5[%swap3A_1380, %swap3A_1381] {strides = array<i32>} : memref<26x1000xi32, #tpu.memory_space<vmem>>, vector<16xi32>,
      tpu.vector_store %arg5[%swap3A_1380, %swap3A_1381], %broadcast_in_dim3A_5 {strides = array<i32>} : memref<26x1000xi32, #tpu.memory_space<vmem>>, vector<16xi32>,
      %swap3A_1383 = arith.index_cast %scan3A_1266 : i32 to index
      %swap3A_1384 = arith.constant 624 : index
      %swap3A_1385 = tpu.vector_load %arg5[%swap3A_1383, %swap3A_1384] {strides = array<i32>} : memref<26x1000xi32, #tpu.memory_space<vmem>>, vector<16xi32>,
      tpu.vector_store %arg5[%swap3A_1383, %swap3A_1384], %broadcast_in_dim3A_5 {strides = array<i32>} : memref<26x1000xi32, #tpu.memory_space<vmem>>, vector<16xi32>,
      %swap3A_1386 = arith.index_cast %scan3A_1266 : i32 to index
      %swap3A_1387 = arith.constant 640 : index
      %swap3A_1388 = tpu.vector_load %arg5[%swap3A_1386, %swap3A_1387] {strides = array<i32>} : memref<26x1000xi32, #tpu.memory_space<vmem>>, vector<16xi32>,
      tpu.vector_store %arg5[%swap3A_1386, %swap3A_1387], %broadcast_in_dim3A_5 {strides = array<i32>} : memref<26x1000xi32, #tpu.memory_space<vmem>>, vector<16xi32>,
      %swap3A_1389 = arith.index_cast %scan3A_1266 : i32 to index
      %swap3A_1390 = arith.constant 656 : index
      %swap3A_1391 = tpu.vector_load %arg5[%swap3A_1389, %swap3A_1390] {strides = array<i32>} : memref<26x1000xi32, #tpu.memory_space<vmem>>, vector<16xi32>,
      tpu.vector_store %arg5[%swap3A_1389, %swap3A_1390], %broadcast_in_dim3A_5 {strides = array<i32>} : memref<26x1000xi32, #tpu.memory_space<vmem>>, vector<16xi32>,
      %swap3A_1392 = arith.index_cast %scan3A_1266 : i32 to index
      %swap3A_1393 = arith.constant 672 : index
      %swap3A_1394 = tpu.vector_load %arg5[%swap3A_1392, %swap3A_1393] {strides = array<i32>} : memref<26x1000xi32, #tpu.memory_space<vmem>>, vector<16xi32>,
      tpu.vector_store %arg5[%swap3A_1392, %swap3A_1393], %broadcast_in_dim3A_5 {strides = array<i32>} : memref<26x1000xi32, #tpu.memory_space<vmem>>, vector<16xi32>,
      %swap3A_1395 = arith.index_cast %scan3A_1266 : i32 to index
      %swap3A_1396 = arith.constant 688 : index
      %swap3A_1397 = tpu.vector_load %arg5[%swap3A_1395, %swap3A_1396] {strides = array<i32>} : memref<26x1000xi32, #tpu.memory_space<vmem>>, vector<16xi32>,
      tpu.vector_store %arg5[%swap3A_1395, %swap3A_1396], %broadcast_in_dim3A_5 {strides = array<i32>} : memref<26x1000xi32, #tpu.memory_space<vmem>>, vector<16xi32>,
      %swap3A_1398 = arith.index_cast %scan3A_1266 : i32 to index
      %swap3A_1399 = arith.constant 704 : index
      %swap3A_1400 = tpu.vector_load %arg5[%swap3A_1398, %swap3A_1399] {strides = array<i32>} : memref<26x1000xi32, #tpu.memory_space<vmem>>, vector<16xi32>,
      tpu.vector_store %arg5[%swap3A_1398, %swap3A_1399], %broadcast_in_dim3A_5 {strides = array<i32>} : memref<26x1000xi32, #tpu.memory_space<vmem>>, vector<16xi32>,
      %swap3A_1401 = arith.index_cast %scan3A_1266 : i32 to index
      %swap3A_1402 = arith.constant 720 : index
      %swap3A_1403 = tpu.vector_load %arg5[%swap3A_1401, %swap3A_1402] {strides = array<i32>} : memref<26x1000xi32, #tpu.memory_space<vmem>>, vector<16xi32>,
      tpu.vector_store %arg5[%swap3A_1401, %swap3A_1402], %broadcast_in_dim3A_5 {strides = array<i32>} : memref<26x1000xi32, #tpu.memory_space<vmem>>, vector<16xi32>,
      %swap3A_1404 = arith.index_cast %scan3A_1266 : i32 to index
      %swap3A_1405 = arith.constant 736 : index
      %swap3A_1406 = tpu.vector_load %arg5[%swap3A_1404, %swap3A_1405] {strides = array<i32>} : memref<26x1000xi32, #tpu.memory_space<vmem>>, vector<16xi32>,
      tpu.vector_store %arg5[%swap3A_1404, %swap3A_1405], %broadcast_in_dim3A_5 {strides = array<i32>} : memref<26x1000xi32, #tpu.memory_space<vmem>>, vector<16xi32>,
      %swap3A_1407 = arith.index_cast %scan3A_1266 : i32 to index
      %swap3A_1408 = arith.constant 752 : index
      %swap3A_1409 = tpu.vector_load %arg5[%swap3A_1407, %swap3A_1408] {strides = array<i32>} : memref<26x1000xi32, #tpu.memory_space<vmem>>, vector<16xi32>,
      tpu.vector_store %arg5[%swap3A_1407, %swap3A_1408], %broadcast_in_dim3A_5 {strides = array<i32>} : memref<26x1000xi32, #tpu.memory_space<vmem>>, vector<16xi32>,
      %swap3A_1410 = arith.index_cast %scan3A_1266 : i32 to index
      %swap3A_1411 = arith.constant 768 : index
      %swap3A_1412 = tpu.vector_load %arg5[%swap3A_1410, %swap3A_1411] {strides = array<i32>} : memref<26x1000xi32, #tpu.memory_space<vmem>>, vector<16xi32>,
      tpu.vector_store %arg5[%swap3A_1410, %swap3A_1411], %broadcast_in_dim3A_5 {strides = array<i32>} : memref<26x1000xi32, #tpu.memory_space<vmem>>, vector<16xi32>,
      %swap3A_1413 = arith.index_cast %scan3A_1266 : i32 to index
      %swap3A_1414 = arith.constant 784 : index
      %swap3A_1415 = tpu.vector_load %arg5[%swap3A_1413, %swap3A_1414] {strides = array<i32>} : memref<26x1000xi32, #tpu.memory_space<vmem>>, vector<16xi32>,
      tpu.vector_store %arg5[%swap3A_1413, %swap3A_1414], %broadcast_in_dim3A_5 {strides = array<i32>} : memref<26x1000xi32, #tpu.memory_space<vmem>>, vector<16xi32>,
      %swap3A_1416 = arith.index_cast %scan3A_1266 : i32 to index
      %swap3A_1417 = arith.constant 800 : index
      %swap3A_1418 = tpu.vector_load %arg5[%swap3A_1416, %swap3A_1417] {strides = array<i32>} : memref<26x1000xi32, #tpu.memory_space<vmem>>, vector<16xi32>,
      tpu.vector_store %arg5[%swap3A_1416, %swap3A_1417], %broadcast_in_dim3A_5 {strides = array<i32>} : memref<26x1000xi32, #tpu.memory_space<vmem>>, vector<16xi32>,
      %swap3A_1419 = arith.index_cast %scan3A_1266 : i32 to index
      %swap3A_1420 = arith.constant 816 : index
      %swap3A_1421 = tpu.vector_load %arg5[%swap3A_1419, %swap3A_1420] {strides = array<i32>} : memref<26x1000xi32, #tpu.memory_space<vmem>>, vector<16xi32>,
      tpu.vector_store %arg5[%swap3A_1419, %swap3A_1420], %broadcast_in_dim3A_5 {strides = array<i32>} : memref<26x1000xi32, #tpu.memory_space<vmem>>, vector<16xi32>,
      %swap3A_1422 = arith.index_cast %scan3A_1266 : i32 to index
      %swap3A_1423 = arith.constant 832 : index
      %swap3A_1424 = tpu.vector_load %arg5[%swap3A_1422, %swap3A_1423] {strides = array<i32>} : memref<26x1000xi32, #tpu.memory_space<vmem>>, vector<16xi32>,
      tpu.vector_store %arg5[%swap3A_1422, %swap3A_1423], %broadcast_in_dim3A_5 {strides = array<i32>} : memref<26x1000xi32, #tpu.memory_space<vmem>>, vector<16xi32>,
      %swap3A_1425 = arith.index_cast %scan3A_1266 : i32 to index
      %swap3A_1426 = arith.constant 848 : index
      %swap3A_1427 = tpu.vector_load %arg5[%swap3A_1425, %swap3A_1426] {strides = array<i32>} : memref<26x1000xi32, #tpu.memory_space<vmem>>, vector<16xi32>,
      tpu.vector_store %arg5[%swap3A_1425, %swap3A_1426], %broadcast_in_dim3A_5 {strides = array<i32>} : memref<26x1000xi32, #tpu.memory_space<vmem>>, vector<16xi32>,
      %swap3A_1428 = arith.index_cast %scan3A_1266 : i32 to index
      %swap3A_1429 = arith.constant 864 : index
      %swap3A_1430 = tpu.vector_load %arg5[%swap3A_1428, %swap3A_1429] {strides = array<i32>} : memref<26x1000xi32, #tpu.memory_space<vmem>>, vector<16xi32>,
      tpu.vector_store %arg5[%swap3A_1428, %swap3A_1429], %broadcast_in_dim3A_5 {strides = array<i32>} : memref<26x1000xi32, #tpu.memory_space<vmem>>, vector<16xi32>,
      %swap3A_1431 = arith.index_cast %scan3A_1266 : i32 to index
      %swap3A_1432 = arith.constant 880 : index
      %swap3A_1433 = tpu.vector_load %arg5[%swap3A_1431, %swap3A_1432] {strides = array<i32>} : memref<26x1000xi32, #tpu.memory_space<vmem>>, vector<16xi32>,
      tpu.vector_store %arg5[%swap3A_1431, %swap3A_1432], %broadcast_in_dim3A_5 {strides = array<i32>} : memref<26x1000xi32, #tpu.memory_space<vmem>>, vector<16xi32>,
      %swap3A_1434 = arith.index_cast %scan3A_1266 : i32 to index
      %swap3A_1435 = arith.constant 896 : index
      %swap3A_1436 = tpu.vector_load %arg5[%swap3A_1434, %swap3A_1435] {strides = array<i32>} : memref<26x1000xi32, #tpu.memory_space<vmem>>, vector<16xi32>,
      tpu.vector_store %arg5[%swap3A_1434, %swap3A_1435], %broadcast_in_dim3A_5 {strides = array<i32>} : memref<26x1000xi32, #tpu.memory_space<vmem>>, vector<16xi32>,
      %swap3A_1437 = arith.index_cast %scan3A_1266 : i32 to index
      %swap3A_1438 = arith.constant 912 : index
      %swap3A_1439 = tpu.vector_load %arg5[%swap3A_1437, %swap3A_1438] {strides = array<i32>} : memref<26x1000xi32, #tpu.memory_space<vmem>>, vector<16xi32>,
      tpu.vector_store %arg5[%swap3A_1437, %swap3A_1438], %broadcast_in_dim3A_5 {strides = array<i32>} : memref<26x1000xi32, #tpu.memory_space<vmem>>, vector<16xi32>,
      %swap3A_1440 = arith.index_cast %scan3A_1266 : i32 to index
      %swap3A_1441 = arith.constant 928 : index
      %swap3A_1442 = tpu.vector_load %arg5[%swap3A_1440, %swap3A_1441] {strides = array<i32>} : memref<26x1000xi32, #tpu.memory_space<vmem>>, vector<16xi32>,
      tpu.vector_store %arg5[%swap3A_1440, %swap3A_1441], %broadcast_in_dim3A_5 {strides = array<i32>} : memref<26x1000xi32, #tpu.memory_space<vmem>>, vector<16xi32>,
      %swap3A_1443 = arith.index_cast %scan3A_1266 : i32 to index
      %swap3A_1444 = arith.constant 944 : index
      %swap3A_1445 = tpu.vector_load %arg5[%swap3A_1443, %swap3A_1444] {strides = array<i32>} : memref<26x1000xi32, #tpu.memory_space<vmem>>, vector<16xi32>,
      tpu.vector_store %arg5[%swap3A_1443, %swap3A_1444], %broadcast_in_dim3A_5 {strides = array<i32>} : memref<26x1000xi32, #tpu.memory_space<vmem>>, vector<16xi32>,
      %swap3A_1446 = arith.index_cast %scan3A_1266 : i32 to index
      %swap3A_1447 = arith.constant 960 : index
      %swap3A_1448 = tpu.vector_load %arg5[%swap3A_1446, %swap3A_1447] {strides = array<i32>} : memref<26x1000xi32, #tpu.memory_space<vmem>>, vector<16xi32>,
      tpu.vector_store %arg5[%swap3A_1446, %swap3A_1447], %broadcast_in_dim3A_5 {strides = array<i32>} : memref<26x1000xi32, #tpu.memory_space<vmem>>, vector<16xi32>,
      %swap3A_1449 = arith.index_cast %scan3A_1266 : i32 to index
      %swap3A_1450 = arith.constant 976 : index
      %swap3A_1451 = tpu.vector_load %arg5[%swap3A_1449, %swap3A_1450] {strides = array<i32>} : memref<26x1000xi32, #tpu.memory_space<vmem>>, vector<16xi32>,
      tpu.vector_store %arg5[%swap3A_1449, %swap3A_1450], %broadcast_in_dim3A_5 {strides = array<i32>} : memref<26x1000xi32, #tpu.memory_space<vmem>>, vector<16xi32>,
      %swap3A_1452 = arith.index_cast %scan3A_1266 : i32 to index
      %swap3A_1453 = arith.constant 984 : index
      %swap3A_1454 = tpu.vector_load %arg5[%swap3A_1452, %swap3A_1453] {strides = array<i32>} : memref<26x1000xi32, #tpu.memory_space<vmem>>, vector<16xi32>,
      tpu.vector_store %arg5[%swap3A_1452, %swap3A_1453], %broadcast_in_dim3A_5 {strides = array<i32>} : memref<26x1000xi32, #tpu.memory_space<vmem>>, vector<16xi32>,
      %swap3A_1455 = arith.index_cast %scan3A_1266 : i32 to index
      %swap3A_1456 = arith.constant 0 : index
      %swap3A_1457 = tpu.vector_load %arg6[%swap3A_1455, %swap3A_1456] {strides = array<i32>} : memref<26x1000xi32, #tpu.memory_space<vmem>>, vector<16xi32>,
      tpu.vector_store %arg6[%swap3A_1455, %swap3A_1456], %broadcast_in_dim3A_5 {strides = array<i32>} : memref<26x1000xi32, #tpu.memory_space<vmem>>, vector<16xi32>,
      %swap3A_1458 = arith.index_cast %scan3A_1266 : i32 to index
      %swap3A_1459 = arith.constant 16 : index
      %swap3A_1460 = tpu.vector_load %arg6[%swap3A_1458, %swap3A_1459] {strides = array<i32>} : memref<26x1000xi32, #tpu.memory_space<vmem>>, vector<16xi32>,
      tpu.vector_store %arg6[%swap3A_1458, %swap3A_1459], %broadcast_in_dim3A_5 {strides = array<i32>} : memref<26x1000xi32, #tpu.memory_space<vmem>>, vector<16xi32>,
      %swap3A_1461 = arith.index_cast %scan3A_1266 : i32 to index
      %swap3A_1462 = arith.constant 32 : index
      %swap3A_1463 = tpu.vector_load %arg6[%swap3A_1461, %swap3A_1462] {strides = array<i32>} : memref<26x1000xi32, #tpu.memory_space<vmem>>, vector<16xi32>,
      tpu.vector_store %arg6[%swap3A_1461, %swap3A_1462], %broadcast_in_dim3A_5 {strides = array<i32>} : memref<26x1000xi32, #tpu.memory_space<vmem>>, vector<16xi32>,
      %swap3A_1464 = arith.index_cast %scan3A_1266 : i32 to index
      %swap3A_1465 = arith.constant 48 : index
      %swap3A_1466 = tpu.vector_load %arg6[%swap3A_1464, %swap3A_1465] {strides = array<i32>} : memref<26x1000xi32, #tpu.memory_space<vmem>>, vector<16xi32>,
      tpu.vector_store %arg6[%swap3A_1464, %swap3A_1465], %broadcast_in_dim3A_5 {strides = array<i32>} : memref<26x1000xi32, #tpu.memory_space<vmem>>, vector<16xi32>,
      %swap3A_1467 = arith.index_cast %scan3A_1266 : i32 to index
      %swap3A_1468 = arith.constant 64 : index
      %swap3A_1469 = tpu.vector_load %arg6[%swap3A_1467, %swap3A_1468] {strides = array<i32>} : memref<26x1000xi32, #tpu.memory_space<vmem>>, vector<16xi32>,
      tpu.vector_store %arg6[%swap3A_1467, %swap3A_1468], %broadcast_in_dim3A_5 {strides = array<i32>} : memref<26x1000xi32, #tpu.memory_space<vmem>>, vector<16xi32>,
      %swap3A_1470 = arith.index_cast %scan3A_1266 : i32 to index
      %swap3A_1471 = arith.constant 80 : index
      %swap3A_1472 = tpu.vector_load %arg6[%swap3A_1470, %swap3A_1471] {strides = array<i32>} : memref<26x1000xi32, #tpu.memory_space<vmem>>, vector<16xi32>,
      tpu.vector_store %arg6[%swap3A_1470, %swap3A_1471], %broadcast_in_dim3A_5 {strides = array<i32>} : memref<26x1000xi32, #tpu.memory_space<vmem>>, vector<16xi32>,
      %swap3A_1473 = arith.index_cast %scan3A_1266 : i32 to index
      %swap3A_1474 = arith.constant 96 : index
      %swap3A_1475 = tpu.vector_load %arg6[%swap3A_1473, %swap3A_1474] {strides = array<i32>} : memref<26x1000xi32, #tpu.memory_space<vmem>>, vector<16xi32>,
      tpu.vector_store %arg6[%swap3A_1473, %swap3A_1474], %broadcast_in_dim3A_5 {strides = array<i32>} : memref<26x1000xi32, #tpu.memory_space<vmem>>, vector<16xi32>,
      %swap3A_1476 = arith.index_cast %scan3A_1266 : i32 to index
      %swap3A_1477 = arith.constant 112 : index
      %swap3A_1478 = tpu.vector_load %arg6[%swap3A_1476, %swap3A_1477] {strides = array<i32>} : memref<26x1000xi32, #tpu.memory_space<vmem>>, vector<16xi32>,
      tpu.vector_store %arg6[%swap3A_1476, %swap3A_1477], %broadcast_in_dim3A_5 {strides = array<i32>} : memref<26x1000xi32, #tpu.memory_space<vmem>>, vector<16xi32>,
      %swap3A_1479 = arith.index_cast %scan3A_1266 : i32 to index
      %swap3A_1480 = arith.constant 128 : index
      %swap3A_1481 = tpu.vector_load %arg6[%swap3A_1479, %swap3A_1480] {strides = array<i32>} : memref<26x1000xi32, #tpu.memory_space<vmem>>, vector<16xi32>,
      tpu.vector_store %arg6[%swap3A_1479, %swap3A_1480], %broadcast_in_dim3A_5 {strides = array<i32>} : memref<26x1000xi32, #tpu.memory_space<vmem>>, vector<16xi32>,
      %swap3A_1482 = arith.index_cast %scan3A_1266 : i32 to index
      %swap3A_1483 = arith.constant 144 : index
      %swap3A_1484 = tpu.vector_load %arg6[%swap3A_1482, %swap3A_1483] {strides = array<i32>} : memref<26x1000xi32, #tpu.memory_space<vmem>>, vector<16xi32>,
      tpu.vector_store %arg6[%swap3A_1482, %swap3A_1483], %broadcast_in_dim3A_5 {strides = array<i32>} : memref<26x1000xi32, #tpu.memory_space<vmem>>, vector<16xi32>,
      %swap3A_1485 = arith.index_cast %scan3A_1266 : i32 to index
      %swap3A_1486 = arith.constant 160 : index
      %swap3A_1487 = tpu.vector_load %arg6[%swap3A_1485, %swap3A_1486] {strides = array<i32>} : memref<26x1000xi32, #tpu.memory_space<vmem>>, vector<16xi32>,
      tpu.vector_store %arg6[%swap3A_1485, %swap3A_1486], %broadcast_in_dim3A_5 {strides = array<i32>} : memref<26x1000xi32, #tpu.memory_space<vmem>>, vector<16xi32>,
      %swap3A_1488 = arith.index_cast %scan3A_1266 : i32 to index
      %swap3A_1489 = arith.constant 176 : index
      %swap3A_1490 = tpu.vector_load %arg6[%swap3A_1488, %swap3A_1489] {strides = array<i32>} : memref<26x1000xi32, #tpu.memory_space<vmem>>, vector<16xi32>,
      tpu.vector_store %arg6[%swap3A_1488, %swap3A_1489], %broadcast_in_dim3A_5 {strides = array<i32>} : memref<26x1000xi32, #tpu.memory_space<vmem>>, vector<16xi32>,
      %swap3A_1491 = arith.index_cast %scan3A_1266 : i32 to index
      %swap3A_1492 = arith.constant 192 : index
      %swap3A_1493 = tpu.vector_load %arg6[%swap3A_1491, %swap3A_1492] {strides = array<i32>} : memref<26x1000xi32, #tpu.memory_space<vmem>>, vector<16xi32>,
      tpu.vector_store %arg6[%swap3A_1491, %swap3A_1492], %broadcast_in_dim3A_5 {strides = array<i32>} : memref<26x1000xi32, #tpu.memory_space<vmem>>, vector<16xi32>,
      %swap3A_1494 = arith.index_cast %scan3A_1266 : i32 to index
      %swap3A_1495 = arith.constant 208 : index
      %swap3A_1496 = tpu.vector_load %arg6[%swap3A_1494, %swap3A_1495] {strides = array<i32>} : memref<26x1000xi32, #tpu.memory_space<vmem>>, vector<16xi32>,
      tpu.vector_store %arg6[%swap3A_1494, %swap3A_1495], %broadcast_in_dim3A_5 {strides = array<i32>} : memref<26x1000xi32, #tpu.memory_space<vmem>>, vector<16xi32>,
      %swap3A_1497 = arith.index_cast %scan3A_1266 : i32 to index
      %swap3A_1498 = arith.constant 224 : index
      %swap3A_1499 = tpu.vector_load %arg6[%swap3A_1497, %swap3A_1498] {strides = array<i32>} : memref<26x1000xi32, #tpu.memory_space<vmem>>, vector<16xi32>,
      tpu.vector_store %arg6[%swap3A_1497, %swap3A_1498], %broadcast_in_dim3A_5 {strides = array<i32>} : memref<26x1000xi32, #tpu.memory_space<vmem>>, vector<16xi32>,
      %swap3A_1500 = arith.index_cast %scan3A_1266 : i32 to index
      %swap3A_1501 = arith.constant 240 : index
      %swap3A_1502 = tpu.vector_load %arg6[%swap3A_1500, %swap3A_1501] {strides = array<i32>} : memref<26x1000xi32, #tpu.memory_space<vmem>>, vector<16xi32>,
      tpu.vector_store %arg6[%swap3A_1500, %swap3A_1501], %broadcast_in_dim3A_5 {strides = array<i32>} : memref<26x1000xi32, #tpu.memory_space<vmem>>, vector<16xi32>,
      %swap3A_1503 = arith.index_cast %scan3A_1266 : i32 to index
      %swap3A_1504 = arith.constant 256 : index
      %swap3A_1505 = tpu.vector_load %arg6[%swap3A_1503, %swap3A_1504] {strides = array<i32>} : memref<26x1000xi32, #tpu.memory_space<vmem>>, vector<16xi32>,
      tpu.vector_store %arg6[%swap3A_1503, %swap3A_1504], %broadcast_in_dim3A_5 {strides = array<i32>} : memref<26x1000xi32, #tpu.memory_space<vmem>>, vector<16xi32>,
      %swap3A_1506 = arith.index_cast %scan3A_1266 : i32 to index
      %swap3A_1507 = arith.constant 272 : index
      %swap3A_1508 = tpu.vector_load %arg6[%swap3A_1506, %swap3A_1507] {strides = array<i32>} : memref<26x1000xi32, #tpu.memory_space<vmem>>, vector<16xi32>,
      tpu.vector_store %arg6[%swap3A_1506, %swap3A_1507], %broadcast_in_dim3A_5 {strides = array<i32>} : memref<26x1000xi32, #tpu.memory_space<vmem>>, vector<16xi32>,
      %swap3A_1509 = arith.index_cast %scan3A_1266 : i32 to index
      %swap3A_1510 = arith.constant 288 : index
      %swap3A_1511 = tpu.vector_load %arg6[%swap3A_1509, %swap3A_1510] {strides = array<i32>} : memref<26x1000xi32, #tpu.memory_space<vmem>>, vector<16xi32>,
      tpu.vector_store %arg6[%swap3A_1509, %swap3A_1510], %broadcast_in_dim3A_5 {strides = array<i32>} : memref<26x1000xi32, #tpu.memory_space<vmem>>, vector<16xi32>,
      %swap3A_1512 = arith.index_cast %scan3A_1266 : i32 to index
      %swap3A_1513 = arith.constant 304 : index
      %swap3A_1514 = tpu.vector_load %arg6[%swap3A_1512, %swap3A_1513] {strides = array<i32>} : memref<26x1000xi32, #tpu.memory_space<vmem>>, vector<16xi32>,
      tpu.vector_store %arg6[%swap3A_1512, %swap3A_1513], %broadcast_in_dim3A_5 {strides = array<i32>} : memref<26x1000xi32, #tpu.memory_space<vmem>>, vector<16xi32>,
      %swap3A_1515 = arith.index_cast %scan3A_1266 : i32 to index
      %swap3A_1516 = arith.constant 320 : index
      %swap3A_1517 = tpu.vector_load %arg6[%swap3A_1515, %swap3A_1516] {strides = array<i32>} : memref<26x1000xi32, #tpu.memory_space<vmem>>, vector<16xi32>,
      tpu.vector_store %arg6[%swap3A_1515, %swap3A_1516], %broadcast_in_dim3A_5 {strides = array<i32>} : memref<26x1000xi32, #tpu.memory_space<vmem>>, vector<16xi32>,
      %swap3A_1518 = arith.index_cast %scan3A_1266 : i32 to index
      %swap3A_1519 = arith.constant 336 : index
      %swap3A_1520 = tpu.vector_load %arg6[%swap3A_1518, %swap3A_1519] {strides = array<i32>} : memref<26x1000xi32, #tpu.memory_space<vmem>>, vector<16xi32>,
      tpu.vector_store %arg6[%swap3A_1518, %swap3A_1519], %broadcast_in_dim3A_5 {strides = array<i32>} : memref<26x1000xi32, #tpu.memory_space<vmem>>, vector<16xi32>,
      %swap3A_1521 = arith.index_cast %scan3A_1266 : i32 to index
      %swap3A_1522 = arith.constant 352 : index
      %swap3A_1523 = tpu.vector_load %arg6[%swap3A_1521, %swap3A_1522] {strides = array<i32>} : memref<26x1000xi32, #tpu.memory_space<vmem>>, vector<16xi32>,
      tpu.vector_store %arg6[%swap3A_1521, %swap3A_1522], %broadcast_in_dim3A_5 {strides = array<i32>} : memref<26x1000xi32, #tpu.memory_space<vmem>>, vector<16xi32>,
      %swap3A_1524 = arith.index_cast %scan3A_1266 : i32 to index
      %swap3A_1525 = arith.constant 368 : index
      %swap3A_1526 = tpu.vector_load %arg6[%swap3A_1524, %swap3A_1525] {strides = array<i32>} : memref<26x1000xi32, #tpu.memory_space<vmem>>, vector<16xi32>,
      tpu.vector_store %arg6[%swap3A_1524, %swap3A_1525], %broadcast_in_dim3A_5 {strides = array<i32>} : memref<26x1000xi32, #tpu.memory_space<vmem>>, vector<16xi32>,
      %swap3A_1527 = arith.index_cast %scan3A_1266 : i32 to index
      %swap3A_1528 = arith.constant 384 : index
      %swap3A_1529 = tpu.vector_load %arg6[%swap3A_1527, %swap3A_1528] {strides = array<i32>} : memref<26x1000xi32, #tpu.memory_space<vmem>>, vector<16xi32>,
      tpu.vector_store %arg6[%swap3A_1527, %swap3A_1528], %broadcast_in_dim3A_5 {strides = array<i32>} : memref<26x1000xi32, #tpu.memory_space<vmem>>, vector<16xi32>,
      %swap3A_1530 = arith.index_cast %scan3A_1266 : i32 to index
      %swap3A_1531 = arith.constant 400 : index
      %swap3A_1532 = tpu.vector_load %arg6[%swap3A_1530, %swap3A_1531] {strides = array<i32>} : memref<26x1000xi32, #tpu.memory_space<vmem>>, vector<16xi32>,
      tpu.vector_store %arg6[%swap3A_1530, %swap3A_1531], %broadcast_in_dim3A_5 {strides = array<i32>} : memref<26x1000xi32, #tpu.memory_space<vmem>>, vector<16xi32>,
      %swap3A_1533 = arith.index_cast %scan3A_1266 : i32 to index
      %swap3A_1534 = arith.constant 416 : index
      %swap3A_1535 = tpu.vector_load %arg6[%swap3A_1533, %swap3A_1534] {strides = array<i32>} : memref<26x1000xi32, #tpu.memory_space<vmem>>, vector<16xi32>,
      tpu.vector_store %arg6[%swap3A_1533, %swap3A_1534], %broadcast_in_dim3A_5 {strides = array<i32>} : memref<26x1000xi32, #tpu.memory_space<vmem>>, vector<16xi32>,
      %swap3A_1536 = arith.index_cast %scan3A_1266 : i32 to index
      %swap3A_1537 = arith.constant 432 : index
      %swap3A_1538 = tpu.vector_load %arg6[%swap3A_1536, %swap3A_1537] {strides = array<i32>} : memref<26x1000xi32, #tpu.memory_space<vmem>>, vector<16xi32>,
      tpu.vector_store %arg6[%swap3A_1536, %swap3A_1537], %broadcast_in_dim3A_5 {strides = array<i32>} : memref<26x1000xi32, #tpu.memory_space<vmem>>, vector<16xi32>,
      %swap3A_1539 = arith.index_cast %scan3A_1266 : i32 to index
      %swap3A_1540 = arith.constant 448 : index
      %swap3A_1541 = tpu.vector_load %arg6[%swap3A_1539, %swap3A_1540] {strides = array<i32>} : memref<26x1000xi32, #tpu.memory_space<vmem>>, vector<16xi32>,
      tpu.vector_store %arg6[%swap3A_1539, %swap3A_1540], %broadcast_in_dim3A_5 {strides = array<i32>} : memref<26x1000xi32, #tpu.memory_space<vmem>>, vector<16xi32>,
      %swap3A_1542 = arith.index_cast %scan3A_1266 : i32 to index
      %swap3A_1543 = arith.constant 464 : index
      %swap3A_1544 = tpu.vector_load %arg6[%swap3A_1542, %swap3A_1543] {strides = array<i32>} : memref<26x1000xi32, #tpu.memory_space<vmem>>, vector<16xi32>,
      tpu.vector_store %arg6[%swap3A_1542, %swap3A_1543], %broadcast_in_dim3A_5 {strides = array<i32>} : memref<26x1000xi32, #tpu.memory_space<vmem>>, vector<16xi32>,
      %swap3A_1545 = arith.index_cast %scan3A_1266 : i32 to index
      %swap3A_1546 = arith.constant 480 : index
      %swap3A_1547 = tpu.vector_load %arg6[%swap3A_1545, %swap3A_1546] {strides = array<i32>} : memref<26x1000xi32, #tpu.memory_space<vmem>>, vector<16xi32>,
      tpu.vector_store %arg6[%swap3A_1545, %swap3A_1546], %broadcast_in_dim3A_5 {strides = array<i32>} : memref<26x1000xi32, #tpu.memory_space<vmem>>, vector<16xi32>,
      %swap3A_1548 = arith.index_cast %scan3A_1266 : i32 to index
      %swap3A_1549 = arith.constant 496 : index
      %swap3A_1550 = tpu.vector_load %arg6[%swap3A_1548, %swap3A_1549] {strides = array<i32>} : memref<26x1000xi32, #tpu.memory_space<vmem>>, vector<16xi32>,
      tpu.vector_store %arg6[%swap3A_1548, %swap3A_1549], %broadcast_in_dim3A_5 {strides = array<i32>} : memref<26x1000xi32, #tpu.memory_space<vmem>>, vector<16xi32>,
      %swap3A_1551 = arith.index_cast %scan3A_1266 : i32 to index
      %swap3A_1552 = arith.constant 512 : index
      %swap3A_1553 = tpu.vector_load %arg6[%swap3A_1551, %swap3A_1552] {strides = array<i32>} : memref<26x1000xi32, #tpu.memory_space<vmem>>, vector<16xi32>,
      tpu.vector_store %arg6[%swap3A_1551, %swap3A_1552], %broadcast_in_dim3A_5 {strides = array<i32>} : memref<26x1000xi32, #tpu.memory_space<vmem>>, vector<16xi32>,
      %swap3A_1554 = arith.index_cast %scan3A_1266 : i32 to index
      %swap3A_1555 = arith.constant 528 : index
      %swap3A_1556 = tpu.vector_load %arg6[%swap3A_1554, %swap3A_1555] {strides = array<i32>} : memref<26x1000xi32, #tpu.memory_space<vmem>>, vector<16xi32>,
      tpu.vector_store %arg6[%swap3A_1554, %swap3A_1555], %broadcast_in_dim3A_5 {strides = array<i32>} : memref<26x1000xi32, #tpu.memory_space<vmem>>, vector<16xi32>,
      %swap3A_1557 = arith.index_cast %scan3A_1266 : i32 to index
      %swap3A_1558 = arith.constant 544 : index
      %swap3A_1559 = tpu.vector_load %arg6[%swap3A_1557, %swap3A_1558] {strides = array<i32>} : memref<26x1000xi32, #tpu.memory_space<vmem>>, vector<16xi32>,
      tpu.vector_store %arg6[%swap3A_1557, %swap3A_1558], %broadcast_in_dim3A_5 {strides = array<i32>} : memref<26x1000xi32, #tpu.memory_space<vmem>>, vector<16xi32>,
      %swap3A_1560 = arith.index_cast %scan3A_1266 : i32 to index
      %swap3A_1561 = arith.constant 560 : index
      %swap3A_1562 = tpu.vector_load %arg6[%swap3A_1560, %swap3A_1561] {strides = array<i32>} : memref<26x1000xi32, #tpu.memory_space<vmem>>, vector<16xi32>,
      tpu.vector_store %arg6[%swap3A_1560, %swap3A_1561], %broadcast_in_dim3A_5 {strides = array<i32>} : memref<26x1000xi32, #tpu.memory_space<vmem>>, vector<16xi32>,
      %swap3A_1563 = arith.index_cast %scan3A_1266 : i32 to index
      %swap3A_1564 = arith.constant 576 : index
      %swap3A_1565 = tpu.vector_load %arg6[%swap3A_1563, %swap3A_1564] {strides = array<i32>} : memref<26x1000xi32, #tpu.memory_space<vmem>>, vector<16xi32>,
      tpu.vector_store %arg6[%swap3A_1563, %swap3A_1564], %broadcast_in_dim3A_5 {strides = array<i32>} : memref<26x1000xi32, #tpu.memory_space<vmem>>, vector<16xi32>,
      %swap3A_1566 = arith.index_cast %scan3A_1266 : i32 to index
      %swap3A_1567 = arith.constant 592 : index
      %swap3A_1568 = tpu.vector_load %arg6[%swap3A_1566, %swap3A_1567] {strides = array<i32>} : memref<26x1000xi32, #tpu.memory_space<vmem>>, vector<16xi32>,
      tpu.vector_store %arg6[%swap3A_1566, %swap3A_1567], %broadcast_in_dim3A_5 {strides = array<i32>} : memref<26x1000xi32, #tpu.memory_space<vmem>>, vector<16xi32>,
      %swap3A_1569 = arith.index_cast %scan3A_1266 : i32 to index
      %swap3A_1570 = arith.constant 608 : index
      %swap3A_1571 = tpu.vector_load %arg6[%swap3A_1569, %swap3A_1570] {strides = array<i32>} : memref<26x1000xi32, #tpu.memory_space<vmem>>, vector<16xi32>,
      tpu.vector_store %arg6[%swap3A_1569, %swap3A_1570], %broadcast_in_dim3A_5 {strides = array<i32>} : memref<26x1000xi32, #tpu.memory_space<vmem>>, vector<16xi32>,
      %swap3A_1572 = arith.index_cast %scan3A_1266 : i32 to index
      %swap3A_1573 = arith.constant 624 : index
      %swap3A_1574 = tpu.vector_load %arg6[%swap3A_1572, %swap3A_1573] {strides = array<i32>} : memref<26x1000xi32, #tpu.memory_space<vmem>>, vector<16xi32>,
      tpu.vector_store %arg6[%swap3A_1572, %swap3A_1573], %broadcast_in_dim3A_5 {strides = array<i32>} : memref<26x1000xi32, #tpu.memory_space<vmem>>, vector<16xi32>,
      %swap3A_1575 = arith.index_cast %scan3A_1266 : i32 to index
      %swap3A_1576 = arith.constant 640 : index
      %swap3A_1577 = tpu.vector_load %arg6[%swap3A_1575, %swap3A_1576] {strides = array<i32>} : memref<26x1000xi32, #tpu.memory_space<vmem>>, vector<16xi32>,
      tpu.vector_store %arg6[%swap3A_1575, %swap3A_1576], %broadcast_in_dim3A_5 {strides = array<i32>} : memref<26x1000xi32, #tpu.memory_space<vmem>>, vector<16xi32>,
      %swap3A_1578 = arith.index_cast %scan3A_1266 : i32 to index
      %swap3A_1579 = arith.constant 656 : index
      %swap3A_1580 = tpu.vector_load %arg6[%swap3A_1578, %swap3A_1579] {strides = array<i32>} : memref<26x1000xi32, #tpu.memory_space<vmem>>, vector<16xi32>,
      tpu.vector_store %arg6[%swap3A_1578, %swap3A_1579], %broadcast_in_dim3A_5 {strides = array<i32>} : memref<26x1000xi32, #tpu.memory_space<vmem>>, vector<16xi32>,
      %swap3A_1581 = arith.index_cast %scan3A_1266 : i32 to index
      %swap3A_1582 = arith.constant 672 : index
      %swap3A_1583 = tpu.vector_load %arg6[%swap3A_1581, %swap3A_1582] {strides = array<i32>} : memref<26x1000xi32, #tpu.memory_space<vmem>>, vector<16xi32>,
      tpu.vector_store %arg6[%swap3A_1581, %swap3A_1582], %broadcast_in_dim3A_5 {strides = array<i32>} : memref<26x1000xi32, #tpu.memory_space<vmem>>, vector<16xi32>,
      %swap3A_1584 = arith.index_cast %scan3A_1266 : i32 to index
      %swap3A_1585 = arith.constant 688 : index
      %swap3A_1586 = tpu.vector_load %arg6[%swap3A_1584, %swap3A_1585] {strides = array<i32>} : memref<26x1000xi32, #tpu.memory_space<vmem>>, vector<16xi32>,
      tpu.vector_store %arg6[%swap3A_1584, %swap3A_1585], %broadcast_in_dim3A_5 {strides = array<i32>} : memref<26x1000xi32, #tpu.memory_space<vmem>>, vector<16xi32>,
      %swap3A_1587 = arith.index_cast %scan3A_1266 : i32 to index
      %swap3A_1588 = arith.constant 704 : index
      %swap3A_1589 = tpu.vector_load %arg6[%swap3A_1587, %swap3A_1588] {strides = array<i32>} : memref<26x1000xi32, #tpu.memory_space<vmem>>, vector<16xi32>,
      tpu.vector_store %arg6[%swap3A_1587, %swap3A_1588], %broadcast_in_dim3A_5 {strides = array<i32>} : memref<26x1000xi32, #tpu.memory_space<vmem>>, vector<16xi32>,
      %swap3A_1590 = arith.index_cast %scan3A_1266 : i32 to index
      %swap3A_1591 = arith.constant 720 : index
      %swap3A_1592 = tpu.vector_load %arg6[%swap3A_1590, %swap3A_1591] {strides = array<i32>} : memref<26x1000xi32, #tpu.memory_space<vmem>>, vector<16xi32>,
      tpu.vector_store %arg6[%swap3A_1590, %swap3A_1591], %broadcast_in_dim3A_5 {strides = array<i32>} : memref<26x1000xi32, #tpu.memory_space<vmem>>, vector<16xi32>,
      %swap3A_1593 = arith.index_cast %scan3A_1266 : i32 to index
      %swap3A_1594 = arith.constant 736 : index
      %swap3A_1595 = tpu.vector_load %arg6[%swap3A_1593, %swap3A_1594] {strides = array<i32>} : memref<26x1000xi32, #tpu.memory_space<vmem>>, vector<16xi32>,
      tpu.vector_store %arg6[%swap3A_1593, %swap3A_1594], %broadcast_in_dim3A_5 {strides = array<i32>} : memref<26x1000xi32, #tpu.memory_space<vmem>>, vector<16xi32>,
      %swap3A_1596 = arith.index_cast %scan3A_1266 : i32 to index
      %swap3A_1597 = arith.constant 752 : index
      %swap3A_1598 = tpu.vector_load %arg6[%swap3A_1596, %swap3A_1597] {strides = array<i32>} : memref<26x1000xi32, #tpu.memory_space<vmem>>, vector<16xi32>,
      tpu.vector_store %arg6[%swap3A_1596, %swap3A_1597], %broadcast_in_dim3A_5 {strides = array<i32>} : memref<26x1000xi32, #tpu.memory_space<vmem>>, vector<16xi32>,
      %swap3A_1599 = arith.index_cast %scan3A_1266 : i32 to index
      %swap3A_1600 = arith.constant 768 : index
      %swap3A_1601 = tpu.vector_load %arg6[%swap3A_1599, %swap3A_1600] {strides = array<i32>} : memref<26x1000xi32, #tpu.memory_space<vmem>>, vector<16xi32>,
      tpu.vector_store %arg6[%swap3A_1599, %swap3A_1600], %broadcast_in_dim3A_5 {strides = array<i32>} : memref<26x1000xi32, #tpu.memory_space<vmem>>, vector<16xi32>,
      %swap3A_1602 = arith.index_cast %scan3A_1266 : i32 to index
      %swap3A_1603 = arith.constant 784 : index
      %swap3A_1604 = tpu.vector_load %arg6[%swap3A_1602, %swap3A_1603] {strides = array<i32>} : memref<26x1000xi32, #tpu.memory_space<vmem>>, vector<16xi32>,
      tpu.vector_store %arg6[%swap3A_1602, %swap3A_1603], %broadcast_in_dim3A_5 {strides = array<i32>} : memref<26x1000xi32, #tpu.memory_space<vmem>>, vector<16xi32>,
      %swap3A_1605 = arith.index_cast %scan3A_1266 : i32 to index
      %swap3A_1606 = arith.constant 800 : index
      %swap3A_1607 = tpu.vector_load %arg6[%swap3A_1605, %swap3A_1606] {strides = array<i32>} : memref<26x1000xi32, #tpu.memory_space<vmem>>, vector<16xi32>,
      tpu.vector_store %arg6[%swap3A_1605, %swap3A_1606], %broadcast_in_dim3A_5 {strides = array<i32>} : memref<26x1000xi32, #tpu.memory_space<vmem>>, vector<16xi32>,
      %swap3A_1608 = arith.index_cast %scan3A_1266 : i32 to index
      %swap3A_1609 = arith.constant 816 : index
      %swap3A_1610 = tpu.vector_load %arg6[%swap3A_1608, %swap3A_1609] {strides = array<i32>} : memref<26x1000xi32, #tpu.memory_space<vmem>>, vector<16xi32>,
      tpu.vector_store %arg6[%swap3A_1608, %swap3A_1609], %broadcast_in_dim3A_5 {strides = array<i32>} : memref<26x1000xi32, #tpu.memory_space<vmem>>, vector<16xi32>,
      %swap3A_1611 = arith.index_cast %scan3A_1266 : i32 to index
      %swap3A_1612 = arith.constant 832 : index
      %swap3A_1613 = tpu.vector_load %arg6[%swap3A_1611, %swap3A_1612] {strides = array<i32>} : memref<26x1000xi32, #tpu.memory_space<vmem>>, vector<16xi32>,
      tpu.vector_store %arg6[%swap3A_1611, %swap3A_1612], %broadcast_in_dim3A_5 {strides = array<i32>} : memref<26x1000xi32, #tpu.memory_space<vmem>>, vector<16xi32>,
      %swap3A_1614 = arith.index_cast %scan3A_1266 : i32 to index
      %swap3A_1615 = arith.constant 848 : index
      %swap3A_1616 = tpu.vector_load %arg6[%swap3A_1614, %swap3A_1615] {strides = array<i32>} : memref<26x1000xi32, #tpu.memory_space<vmem>>, vector<16xi32>,
      tpu.vector_store %arg6[%swap3A_1614, %swap3A_1615], %broadcast_in_dim3A_5 {strides = array<i32>} : memref<26x1000xi32, #tpu.memory_space<vmem>>, vector<16xi32>,
      %swap3A_1617 = arith.index_cast %scan3A_1266 : i32 to index
      %swap3A_1618 = arith.constant 864 : index
      %swap3A_1619 = tpu.vector_load %arg6[%swap3A_1617, %swap3A_1618] {strides = array<i32>} : memref<26x1000xi32, #tpu.memory_space<vmem>>, vector<16xi32>,
      tpu.vector_store %arg6[%swap3A_1617, %swap3A_1618], %broadcast_in_dim3A_5 {strides = array<i32>} : memref<26x1000xi32, #tpu.memory_space<vmem>>, vector<16xi32>,
      %swap3A_1620 = arith.index_cast %scan3A_1266 : i32 to index
      %swap3A_1621 = arith.constant 880 : index
      %swap3A_1622 = tpu.vector_load %arg6[%swap3A_1620, %swap3A_1621] {strides = array<i32>} : memref<26x1000xi32, #tpu.memory_space<vmem>>, vector<16xi32>,
      tpu.vector_store %arg6[%swap3A_1620, %swap3A_1621], %broadcast_in_dim3A_5 {strides = array<i32>} : memref<26x1000xi32, #tpu.memory_space<vmem>>, vector<16xi32>,
      %swap3A_1623 = arith.index_cast %scan3A_1266 : i32 to index
      %swap3A_1624 = arith.constant 896 : index
      %swap3A_1625 = tpu.vector_load %arg6[%swap3A_1623, %swap3A_1624] {strides = array<i32>} : memref<26x1000xi32, #tpu.memory_space<vmem>>, vector<16xi32>,
      tpu.vector_store %arg6[%swap3A_1623, %swap3A_1624], %broadcast_in_dim3A_5 {strides = array<i32>} : memref<26x1000xi32, #tpu.memory_space<vmem>>, vector<16xi32>,
      %swap3A_1626 = arith.index_cast %scan3A_1266 : i32 to index
      %swap3A_1627 = arith.constant 912 : index
      %swap3A_1628 = tpu.vector_load %arg6[%swap3A_1626, %swap3A_1627] {strides = array<i32>} : memref<26x1000xi32, #tpu.memory_space<vmem>>, vector<16xi32>,
      tpu.vector_store %arg6[%swap3A_1626, %swap3A_1627], %broadcast_in_dim3A_5 {strides = array<i32>} : memref<26x1000xi32, #tpu.memory_space<vmem>>, vector<16xi32>,
      %swap3A_1629 = arith.index_cast %scan3A_1266 : i32 to index
      %swap3A_1630 = arith.constant 928 : index
      %swap3A_1631 = tpu.vector_load %arg6[%swap3A_1629, %swap3A_1630] {strides = array<i32>} : memref<26x1000xi32, #tpu.memory_space<vmem>>, vector<16xi32>,
      tpu.vector_store %arg6[%swap3A_1629, %swap3A_1630], %broadcast_in_dim3A_5 {strides = array<i32>} : memref<26x1000xi32, #tpu.memory_space<vmem>>, vector<16xi32>,
      %swap3A_1632 = arith.index_cast %scan3A_1266 : i32 to index
      %swap3A_1633 = arith.constant 944 : index
      %swap3A_1634 = tpu.vector_load %arg6[%swap3A_1632, %swap3A_1633] {strides = array<i32>} : memref<26x1000xi32, #tpu.memory_space<vmem>>, vector<16xi32>,
      tpu.vector_store %arg6[%swap3A_1632, %swap3A_1633], %broadcast_in_dim3A_5 {strides = array<i32>} : memref<26x1000xi32, #tpu.memory_space<vmem>>, vector<16xi32>,
      %swap3A_1635 = arith.index_cast %scan3A_1266 : i32 to index
      %swap3A_1636 = arith.constant 960 : index
      %swap3A_1637 = tpu.vector_load %arg6[%swap3A_1635, %swap3A_1636] {strides = array<i32>} : memref<26x1000xi32, #tpu.memory_space<vmem>>, vector<16xi32>,
      tpu.vector_store %arg6[%swap3A_1635, %swap3A_1636], %broadcast_in_dim3A_5 {strides = array<i32>} : memref<26x1000xi32, #tpu.memory_space<vmem>>, vector<16xi32>,
      %swap3A_1638 = arith.index_cast %scan3A_1266 : i32 to index
      %swap3A_1639 = arith.constant 976 : index
      %swap3A_1640 = tpu.vector_load %arg6[%swap3A_1638, %swap3A_1639] {strides = array<i32>} : memref<26x1000xi32, #tpu.memory_space<vmem>>, vector<16xi32>,
      tpu.vector_store %arg6[%swap3A_1638, %swap3A_1639], %broadcast_in_dim3A_5 {strides = array<i32>} : memref<26x1000xi32, #tpu.memory_space<vmem>>, vector<16xi32>,
      %swap3A_1641 = arith.index_cast %scan3A_1266 : i32 to index
      %swap3A_1642 = arith.constant 984 : index
      %swap3A_1643 = tpu.vector_load %arg6[%swap3A_1641, %swap3A_1642] {strides = array<i32>} : memref<26x1000xi32, #tpu.memory_space<vmem>>, vector<16xi32>,
      tpu.vector_store %arg6[%swap3A_1641, %swap3A_1642], %broadcast_in_dim3A_5 {strides = array<i32>} : memref<26x1000xi32, #tpu.memory_space<vmem>>, vector<16xi32>,
    }
    %scan3A_10 = arith.constant 26 : i32
    %get3A = arith.constant 0 : i32
    %get3A_11 = arith.index_cast %get3A : i32 to index
    %get3A_12 = arith.constant 0 : index
    %get3A_13 = tpu.vector_load %arg4[%get3A_11, %get3A_12] {strides = array<i32>} : memref<32x26xi32, #tpu.memory_space<vmem>>, vector<16xi32>,
    %get3A_14 = arith.constant 0 : i32
    %get3A_15 = arith.index_cast %get3A_14 : i32 to index
    %get3A_16 = arith.constant 10 : index
    %get3A_17 = tpu.vector_load %arg4[%get3A_15, %get3A_16] {strides = array<i32>} : memref<32x26xi32, #tpu.memory_space<vmem>>, vector<16xi32>,
    tpu.vector_store_idx %arg5[%iota3A, %get3A_13], %broadcast_in_dim3A_3 : memref<26x1000xi32, #tpu.memory_space<vmem>>[vector<16xi32>, vector<16xi32>], vector<16xi32>,
    %add3A_18 = arith.constant 10 : i32
    %add3A_19 = vector.broadcast %add3A_18 : i32 to vector<16xi32>
    %add3A_20 = arith.addi %iota3A, %add3A_19 : vector<16xi32>
    tpu.vector_store_idx %arg5[%add3A_20, %get3A_17], %broadcast_in_dim3A_3 : memref<26x1000xi32, #tpu.memory_space<vmem>>[vector<16xi32>, vector<16xi32>], vector<16xi32>,
    %add3A_21 = arith.constant 0 : i32
    %add3A_22 = arith.addi %mul3A_2, %add3A_21 : i32
    %dma_start3A = arith.constant 0 : i32
    %dma_start3A_23 = arith.constant 0 : i32
    %dma_start3A_24 = tpu.memref_slice %arg3[%add3A_22, %dma_start3A, %dma_start3A_23] : memref<1024x26x1000xi32, #tpu.memory_space<hbm>> -> memref<1x26x1000xi32, #tpu.memory_space<hbm>>
    %dma_start3A_25 = tpu.memref_squeeze %dma_start3A_24 : memref<1x26x1000xi32, #tpu.memory_space<hbm>> -> memref<26x1000xi32, #tpu.memory_space<hbm>>
    %dma_start3A_26 = arith.constant 0 : i32
    %dma_start3A_27 = arith.constant 0 : i32
    %dma_start3A_28 = tpu.memref_slice %arg3[%add3A_22, %dma_start3A_26, %dma_start3A_27] : memref<1024x26x1000xi32, #tpu.memory_space<hbm>> -> memref<1x26x1000xi32, #tpu.memory_space<hbm>>
    %dma_start3A_29 = tpu.memref_squeeze %dma_start3A_28 : memref<1x26x1000xi32, #tpu.memory_space<hbm>> -> memref<26x1000xi32, #tpu.memory_space<hbm>>
    tpu.enqueue_dma source(%arg5 : memref<26x1000xi32, #tpu.memory_space<vmem>>) target(%dma_start3A_29 : memref<26x1000xi32, #tpu.memory_space<hbm>>) target_semaphore(%arg7 : memref<!tpu.dma_semaphore, #tpu.memory_space<semaphore_mem>>)
    %get3A_30 = arith.constant 1 : i32
    %get3A_31 = arith.index_cast %get3A_30 : i32 to index
    %get3A_32 = arith.constant 0 : index
    %get3A_33 = tpu.vector_load %arg4[%get3A_31, %get3A_32] {strides = array<i32>} : memref<32x26xi32, #tpu.memory_space<vmem>>, vector<16xi32>,
    %get3A_34 = arith.constant 1 : i32
    %get3A_35 = arith.index_cast %get3A_34 : i32 to index
    %get3A_36 = arith.constant 10 : index
    %get3A_37 = tpu.vector_load %arg4[%get3A_35, %get3A_36] {strides = array<i32>} : memref<32x26xi32, #tpu.memory_space<vmem>>, vector<16xi32>,
    tpu.vector_store_idx %arg6[%iota3A, %get3A_33], %broadcast_in_dim3A_3 : memref<26x1000xi32, #tpu.memory_space<vmem>>[vector<16xi32>, vector<16xi32>], vector<16xi32>,
    %add3A_38 = arith.constant 10 : i32
    %add3A_39 = vector.broadcast %add3A_38 : i32 to vector<16xi32>
    %add3A_40 = arith.addi %iota3A, %add3A_39 : vector<16xi32>
    tpu.vector_store_idx %arg6[%add3A_40, %get3A_37], %broadcast_in_dim3A_3 : memref<26x1000xi32, #tpu.memory_space<vmem>>[vector<16xi32>, vector<16xi32>], vector<16xi32>,
    %add3A_41 = arith.constant 1 : i32
    %add3A_42 = arith.addi %mul3A_2, %add3A_41 : i32
    %dma_start3A_43 = arith.constant 0 : i32
    %dma_start3A_44 = arith.constant 0 : i32
    %dma_start3A_45 = tpu.memref_slice %arg3[%add3A_42, %dma_start3A_43, %dma_start3A_44] : memref<1024x26x1000xi32, #tpu.memory_space<hbm>> -> memref<1x26x1000xi32, #tpu.memory_space<hbm>>
    %dma_start3A_46 = tpu.memref_squeeze %dma_start3A_45 : memref<1x26x1000xi32, #tpu.memory_space<hbm>> -> memref<26x1000xi32, #tpu.memory_space<hbm>>
    %dma_start3A_47 = arith.constant 0 : i32
    %dma_start3A_48 = arith.constant 0 : i32
    %dma_start3A_49 = tpu.memref_slice %arg3[%add3A_42, %dma_start3A_47, %dma_start3A_48] : memref<1024x26x1000xi32, #tpu.memory_space<hbm>> -> memref<1x26x1000xi32, #tpu.memory_space<hbm>>
    %dma_start3A_50 = tpu.memref_squeeze %dma_start3A_49 : memref<1x26x1000xi32, #tpu.memory_space<hbm>> -> memref<26x1000xi32, #tpu.memory_space<hbm>>
    tpu.enqueue_dma source(%arg6 : memref<26x1000xi32, #tpu.memory_space<vmem>>) target(%dma_start3A_50 : memref<26x1000xi32, #tpu.memory_space<hbm>>) target_semaphore(%arg8 : memref<!tpu.dma_semaphore, #tpu.memory_space<semaphore_mem>>)
    %dma_wait3A = arith.constant 0 : i32
    %dma_wait3A_51 = arith.constant 0 : i32
    %dma_wait3A_52 = tpu.memref_slice %arg3[%add3A_22, %dma_wait3A, %dma_wait3A_51] : memref<1024x26x1000xi32, #tpu.memory_space<hbm>> -> memref<1x26x1000xi32, #tpu.memory_space<hbm>>
    %dma_wait3A_53 = tpu.memref_squeeze %dma_wait3A_52 : memref<1x26x1000xi32, #tpu.memory_space<hbm>> -> memref<26x1000xi32, #tpu.memory_space<hbm>>
    %dma_wait3A_54 = arith.constant 0 : i32
    %dma_wait3A_55 = arith.constant 0 : i32
    %dma_wait3A_56 = tpu.memref_slice %arg3[%add3A_22, %dma_wait3A_54, %dma_wait3A_55] : memref<1024x26x1000xi32, #tpu.memory_space<hbm>> -> memref<1x26x1000xi32, #tpu.memory_space<hbm>>
    %dma_wait3A_57 = tpu.memref_squeeze %dma_wait3A_56 : memref<1x26x1000xi32, #tpu.memory_space<hbm>> -> memref<26x1000xi32, #tpu.memory_space<hbm>>
    tpu.wait_dma2 semaphore(%arg7 : memref<!tpu.dma_semaphore, #tpu.memory_space<semaphore_mem>>) src(%arg5 : memref<26x1000xi32, #tpu.memory_space<vmem>>) dst(%dma_wait3A_57 : memref<26x1000xi32, #tpu.memory_space<hbm>>)
    %get3A_58 = arith.constant 0 : i32
    %get3A_59 = arith.index_cast %get3A_58 : i32 to index
    %get3A_60 = arith.constant 0 : index
    %get3A_61 = tpu.vector_load %arg4[%get3A_59, %get3A_60] {strides = array<i32>} : memref<32x26xi32, #tpu.memory_space<vmem>>, vector<16xi32>,
    %get3A_62 = arith.constant 0 : i32
    %get3A_63 = arith.index_cast %get3A_62 : i32 to index
    %get3A_64 = arith.constant 10 : index
    %get3A_65 = tpu.vector_load %arg4[%get3A_63, %get3A_64] {strides = array<i32>} : memref<32x26xi32, #tpu.memory_space<vmem>>, vector<16xi32>,
    tpu.vector_store_idx %arg5[%iota3A, %get3A_61], %broadcast_in_dim3A_5 : memref<26x1000xi32, #tpu.memory_space<vmem>>[vector<16xi32>, vector<16xi32>], vector<16xi32>,
    %add3A_66 = arith.constant 10 : i32
    %add3A_67 = vector.broadcast %add3A_66 : i32 to vector<16xi32>
    %add3A_68 = arith.addi %iota3A, %add3A_67 : vector<16xi32>
    tpu.vector_store_idx %arg5[%add3A_68, %get3A_65], %broadcast_in_dim3A_5 : memref<26x1000xi32, #tpu.memory_space<vmem>>[vector<16xi32>, vector<16xi32>], vector<16xi32>,
    %get3A_69 = arith.constant 2 : i32
    %get3A_70 = arith.index_cast %get3A_69 : i32 to index
    %get3A_71 = arith.constant 0 : index
    %get3A_72 = tpu.vector_load %arg4[%get3A_70, %get3A_71] {strides = array<i32>} : memref<32x26xi32, #tpu.memory_space<vmem>>, vector<16xi32>,
    %get3A_73 = arith.constant 2 : i32
    %get3A_74 = arith.index_cast %get3A_73 : i32 to index
    %get3A_75 = arith.constant 10 : index
    %get3A_76 = tpu.vector_load %arg4[%get3A_74, %get3A_75] {strides = array<i32>} : memref<32x26xi32, #tpu.memory_space<vmem>>, vector<16xi32>,
    tpu.vector_store_idx %arg5[%iota3A, %get3A_72], %broadcast_in_dim3A_3 : memref<26x1000xi32, #tpu.memory_space<vmem>>[vector<16xi32>, vector<16xi32>], vector<16xi32>,
    %add3A_77 = arith.constant 10 : i32
    %add3A_78 = vector.broadcast %add3A_77 : i32 to vector<16xi32>
    %add3A_79 = arith.addi %iota3A, %add3A_78 : vector<16xi32>
    tpu.vector_store_idx %arg5[%add3A_79, %get3A_76], %broadcast_in_dim3A_3 : memref<26x1000xi32, #tpu.memory_space<vmem>>[vector<16xi32>, vector<16xi32>], vector<16xi32>,
    %add3A_80 = arith.constant 2 : i32
    %add3A_81 = arith.addi %mul3A_2, %add3A_80 : i32
    %dma_start3A_82 = arith.constant 0 : i32
    %dma_start3A_83 = arith.constant 0 : i32
    %dma_start3A_84 = tpu.memref_slice %arg3[%add3A_81, %dma_start3A_82, %dma_start3A_83] : memref<1024x26x1000xi32, #tpu.memory_space<hbm>> -> memref<1x26x1000xi32, #tpu.memory_space<hbm>>
    %dma_start3A_85 = tpu.memref_squeeze %dma_start3A_84 : memref<1x26x1000xi32, #tpu.memory_space<hbm>> -> memref<26x1000xi32, #tpu.memory_space<hbm>>
    %dma_start3A_86 = arith.constant 0 : i32
    %dma_start3A_87 = arith.constant 0 : i32
    %dma_start3A_88 = tpu.memref_slice %arg3[%add3A_81, %dma_start3A_86, %dma_start3A_87] : memref<1024x26x1000xi32, #tpu.memory_space<hbm>> -> memref<1x26x1000xi32, #tpu.memory_space<hbm>>
    %dma_start3A_89 = tpu.memref_squeeze %dma_start3A_88 : memref<1x26x1000xi32, #tpu.memory_space<hbm>> -> memref<26x1000xi32, #tpu.memory_space<hbm>>
    tpu.enqueue_dma source(%arg5 : memref<26x1000xi32, #tpu.memory_space<vmem>>) target(%dma_start3A_89 : memref<26x1000xi32, #tpu.memory_space<hbm>>) target_semaphore(%arg7 : memref<!tpu.dma_semaphore, #tpu.memory_space<semaphore_mem>>)
    %dma_wait3A_90 = arith.constant 0 : i32
    %dma_wait3A_91 = arith.constant 0 : i32
    %dma_wait3A_92 = tpu.memref_slice %arg3[%add3A_42, %dma_wait3A_90, %dma_wait3A_91] : memref<1024x26x1000xi32, #tpu.memory_space<hbm>> -> memref<1x26x1000xi32, #tpu.memory_space<hbm>>
    %dma_wait3A_93 = tpu.memref_squeeze %dma_wait3A_92 : memref<1x26x1000xi32, #tpu.memory_space<hbm>> -> memref<26x1000xi32, #tpu.memory_space<hbm>>
    %dma_wait3A_94 = arith.constant 0 : i32
    %dma_wait3A_95 = arith.constant 0 : i32
    %dma_wait3A_96 = tpu.memref_slice %arg3[%add3A_42, %dma_wait3A_94, %dma_wait3A_95] : memref<1024x26x1000xi32, #tpu.memory_space<hbm>> -> memref<1x26x1000xi32, #tpu.memory_space<hbm>>
    %dma_wait3A_97 = tpu.memref_squeeze %dma_wait3A_96 : memref<1x26x1000xi32, #tpu.memory_space<hbm>> -> memref<26x1000xi32, #tpu.memory_space<hbm>>
    tpu.wait_dma2 semaphore(%arg8 : memref<!tpu.dma_semaphore, #tpu.memory_space<semaphore_mem>>) src(%arg6 : memref<26x1000xi32, #tpu.memory_space<vmem>>) dst(%dma_wait3A_97 : memref<26x1000xi32, #tpu.memory_space<hbm>>)
    %get3A_98 = arith.constant 1 : i32
    %get3A_99 = arith.index_cast %get3A_98 : i32 to index
    %get3A_100 = arith.constant 0 : index
    %get3A_101 = tpu.vector_load %arg4[%get3A_99, %get3A_100] {strides = array<i32>} : memref<32x26xi32, #tpu.memory_space<vmem>>, vector<16xi32>,
    %get3A_102 = arith.constant 1 : i32
    %get3A_103 = arith.index_cast %get3A_102 : i32 to index
    %get3A_104 = arith.constant 10 : index
    %get3A_105 = tpu.vector_load %arg4[%get3A_103, %get3A_104] {strides = array<i32>} : memref<32x26xi32, #tpu.memory_space<vmem>>, vector<16xi32>,
    tpu.vector_store_idx %arg6[%iota3A, %get3A_101], %broadcast_in_dim3A_5 : memref<26x1000xi32, #tpu.memory_space<vmem>>[vector<16xi32>, vector<16xi32>], vector<16xi32>,
    %add3A_106 = arith.constant 10 : i32
    %add3A_107 = vector.broadcast %add3A_106 : i32 to vector<16xi32>
    %add3A_108 = arith.addi %iota3A, %add3A_107 : vector<16xi32>
    tpu.vector_store_idx %arg6[%add3A_108, %get3A_105], %broadcast_in_dim3A_5 : memref<26x1000xi32, #tpu.memory_space<vmem>>[vector<16xi32>, vector<16xi32>], vector<16xi32>,
    %get3A_109 = arith.constant 3 : i32
    %get3A_110 = arith.index_cast %get3A_109 : i32 to index
    %get3A_111 = arith.constant 0 : index
    %get3A_112 = tpu.vector_load %arg4[%get3A_110, %get3A_111] {strides = array<i32>} : memref<32x26xi32, #tpu.memory_space<vmem>>, vector<16xi32>,
    %get3A_113 = arith.constant 3 : i32
    %get3A_114 = arith.index_cast %get3A_113 : i32 to index
    %get3A_115 = arith.constant 10 : index
    %get3A_116 = tpu.vector_load %arg4[%get3A_114, %get3A_115] {strides = array<i32>} : memref<32x26xi32, #tpu.memory_space<vmem>>, vector<16xi32>,
    tpu.vector_store_idx %arg6[%iota3A, %get3A_112], %broadcast_in_dim3A_3 : memref<26x1000xi32, #tpu.memory_space<vmem>>[vector<16xi32>, vector<16xi32>], vector<16xi32>,
    %add3A_117 = arith.constant 10 : i32
    %add3A_118 = vector.broadcast %add3A_117 : i32 to vector<16xi32>
    %add3A_119 = arith.addi %iota3A, %add3A_118 : vector<16xi32>
    tpu.vector_store_idx %arg6[%add3A_119, %get3A_116], %broadcast_in_dim3A_3 : memref<26x1000xi32, #tpu.memory_space<vmem>>[vector<16xi32>, vector<16xi32>], vector<16xi32>,
    %add3A_120 = arith.constant 3 : i32
    %add3A_121 = arith.addi %mul3A_2, %add3A_120 : i32
    %dma_start3A_122 = arith.constant 0 : i32
    %dma_start3A_123 = arith.constant 0 : i32
    %dma_start3A_124 = tpu.memref_slice %arg3[%add3A_121, %dma_start3A_122, %dma_start3A_123] : memref<1024x26x1000xi32, #tpu.memory_space<hbm>> -> memref<1x26x1000xi32, #tpu.memory_space<hbm>>
    %dma_start3A_125 = tpu.memref_squeeze %dma_start3A_124 : memref<1x26x1000xi32, #tpu.memory_space<hbm>> -> memref<26x1000xi32, #tpu.memory_space<hbm>>
    %dma_start3A_126 = arith.constant 0 : i32
    %dma_start3A_127 = arith.constant 0 : i32
    %dma_start3A_128 = tpu.memref_slice %arg3[%add3A_121, %dma_start3A_126, %dma_start3A_127] : memref<1024x26x1000xi32, #tpu.memory_space<hbm>> -> memref<1x26x1000xi32, #tpu.memory_space<hbm>>
    %dma_start3A_129 = tpu.memref_squeeze %dma_start3A_128 : memref<1x26x1000xi32, #tpu.memory_space<hbm>> -> memref<26x1000xi32, #tpu.memory_space<hbm>>
    tpu.enqueue_dma source(%arg6 : memref<26x1000xi32, #tpu.memory_space<vmem>>) target(%dma_start3A_129 : memref<26x1000xi32, #tpu.memory_space<hbm>>) target_semaphore(%arg8 : memref<!tpu.dma_semaphore, #tpu.memory_space<semaphore_mem>>)
    %dma_wait3A_130 = arith.constant 0 : i32
    %dma_wait3A_131 = arith.constant 0 : i32
    %dma_wait3A_132 = tpu.memref_slice %arg3[%add3A_81, %dma_wait3A_130, %dma_wait3A_131] : memref<1024x26x1000xi32, #tpu.memory_space<hbm>> -> memref<1x26x1000xi32, #tpu.memory_space<hbm>>
    %dma_wait3A_133 = tpu.memref_squeeze %dma_wait3A_132 : memref<1x26x1000xi32, #tpu.memory_space<hbm>> -> memref<26x1000xi32, #tpu.memory_space<hbm>>
    %dma_wait3A_134 = arith.constant 0 : i32
    %dma_wait3A_135 = arith.constant 0 : i32
    %dma_wait3A_136 = tpu.memref_slice %arg3[%add3A_81, %dma_wait3A_134, %dma_wait3A_135] : memref<1024x26x1000xi32, #tpu.memory_space<hbm>> -> memref<1x26x1000xi32, #tpu.memory_space<hbm>>
    %dma_wait3A_137 = tpu.memref_squeeze %dma_wait3A_136 : memref<1x26x1000xi32, #tpu.memory_space<hbm>> -> memref<26x1000xi32, #tpu.memory_space<hbm>>
    tpu.wait_dma2 semaphore(%arg7 : memref<!tpu.dma_semaphore, #tpu.memory_space<semaphore_mem>>) src(%arg5 : memref<26x1000xi32, #tpu.memory_space<vmem>>) dst(%dma_wait3A_137 : memref<26x1000xi32, #tpu.memory_space<hbm>>)
    %get3A_138 = arith.constant 2 : i32
    %get3A_139 = arith.index_cast %get3A_138 : i32 to index
    %get3A_140 = arith.constant 0 : index
    %get3A_141 = tpu.vector_load %arg4[%get3A_139, %get3A_140] {strides = array<i32>} : memref<32x26xi32, #tpu.memory_space<vmem>>, vector<16xi32>,
    %get3A_142 = arith.constant 2 : i32
    %get3A_143 = arith.index_cast %get3A_142 : i32 to index
    %get3A_144 = arith.constant 10 : index
    %get3A_145 = tpu.vector_load %arg4[%get3A_143, %get3A_144] {strides = array<i32>} : memref<32x26xi32, #tpu.memory_space<vmem>>, vector<16xi32>,
    tpu.vector_store_idx %arg5[%iota3A, %get3A_141], %broadcast_in_dim3A_5 : memref<26x1000xi32, #tpu.memory_space<vmem>>[vector<16xi32>, vector<16xi32>], vector<16xi32>,
    %add3A_146 = arith.constant 10 : i32
    %add3A_147 = vector.broadcast %add3A_146 : i32 to vector<16xi32>
    %add3A_148 = arith.addi %iota3A, %add3A_147 : vector<16xi32>
    tpu.vector_store_idx %arg5[%add3A_148, %get3A_145], %broadcast_in_dim3A_5 : memref<26x1000xi32, #tpu.memory_space<vmem>>[vector<16xi32>, vector<16xi32>], vector<16xi32>,
    %get3A_149 = arith.constant 4 : i32
    %get3A_150 = arith.index_cast %get3A_149 : i32 to index
    %get3A_151 = arith.constant 0 : index
    %get3A_152 = tpu.vector_load %arg4[%get3A_150, %get3A_151] {strides = array<i32>} : memref<32x26xi32, #tpu.memory_space<vmem>>, vector<16xi32>,
    %get3A_153 = arith.constant 4 : i32
    %get3A_154 = arith.index_cast %get3A_153 : i32 to index
    %get3A_155 = arith.constant 10 : index
    %get3A_156 = tpu.vector_load %arg4[%get3A_154, %get3A_155] {strides = array<i32>} : memref<32x26xi32, #tpu.memory_space<vmem>>, vector<16xi32>,
    tpu.vector_store_idx %arg5[%iota3A, %get3A_152], %broadcast_in_dim3A_3 : memref<26x1000xi32, #tpu.memory_space<vmem>>[vector<16xi32>, vector<16xi32>], vector<16xi32>,
    %add3A_157 = arith.constant 10 : i32
    %add3A_158 = vector.broadcast %add3A_157 : i32 to vector<16xi32>
    %add3A_159 = arith.addi %iota3A, %add3A_158 : vector<16xi32>
    tpu.vector_store_idx %arg5[%add3A_159, %get3A_156], %broadcast_in_dim3A_3 : memref<26x1000xi32, #tpu.memory_space<vmem>>[vector<16xi32>, vector<16xi32>], vector<16xi32>,
    %add3A_160 = arith.constant 4 : i32
    %add3A_161 = arith.addi %mul3A_2, %add3A_160 : i32
    %dma_start3A_162 = arith.constant 0 : i32
    %dma_start3A_163 = arith.constant 0 : i32
    %dma_start3A_164 = tpu.memref_slice %arg3[%add3A_161, %dma_start3A_162, %dma_start3A_163] : memref<1024x26x1000xi32, #tpu.memory_space<hbm>> -> memref<1x26x1000xi32, #tpu.memory_space<hbm>>
    %dma_start3A_165 = tpu.memref_squeeze %dma_start3A_164 : memref<1x26x1000xi32, #tpu.memory_space<hbm>> -> memref<26x1000xi32, #tpu.memory_space<hbm>>
    %dma_start3A_166 = arith.constant 0 : i32
    %dma_start3A_167 = arith.constant 0 : i32
    %dma_start3A_168 = tpu.memref_slice %arg3[%add3A_161, %dma_start3A_166, %dma_start3A_167] : memref<1024x26x1000xi32, #tpu.memory_space<hbm>> -> memref<1x26x1000xi32, #tpu.memory_space<hbm>>
    %dma_start3A_169 = tpu.memref_squeeze %dma_start3A_168 : memref<1x26x1000xi32, #tpu.memory_space<hbm>> -> memref<26x1000xi32, #tpu.memory_space<hbm>>
    tpu.enqueue_dma source(%arg5 : memref<26x1000xi32, #tpu.memory_space<vmem>>) target(%dma_start3A_169 : memref<26x1000xi32, #tpu.memory_space<hbm>>) target_semaphore(%arg7 : memref<!tpu.dma_semaphore, #tpu.memory_space<semaphore_mem>>)
    %dma_wait3A_170 = arith.constant 0 : i32
    %dma_wait3A_171 = arith.constant 0 : i32
    %dma_wait3A_172 = tpu.memref_slice %arg3[%add3A_121, %dma_wait3A_170, %dma_wait3A_171] : memref<1024x26x1000xi32, #tpu.memory_space<hbm>> -> memref<1x26x1000xi32, #tpu.memory_space<hbm>>
    %dma_wait3A_173 = tpu.memref_squeeze %dma_wait3A_172 : memref<1x26x1000xi32, #tpu.memory_space<hbm>> -> memref<26x1000xi32, #tpu.memory_space<hbm>>
    %dma_wait3A_174 = arith.constant 0 : i32
    %dma_wait3A_175 = arith.constant 0 : i32
    %dma_wait3A_176 = tpu.memref_slice %arg3[%add3A_121, %dma_wait3A_174, %dma_wait3A_175] : memref<1024x26x1000xi32, #tpu.memory_space<hbm>> -> memref<1x26x1000xi32, #tpu.memory_space<hbm>>
    %dma_wait3A_177 = tpu.memref_squeeze %dma_wait3A_176 : memref<1x26x1000xi32, #tpu.memory_space<hbm>> -> memref<26x1000xi32, #tpu.memory_space<hbm>>
    tpu.wait_dma2 semaphore(%arg8 : memref<!tpu.dma_semaphore, #tpu.memory_space<semaphore_mem>>) src(%arg6 : memref<26x1000xi32, #tpu.memory_space<vmem>>) dst(%dma_wait3A_177 : memref<26x1000xi32, #tpu.memory_space<hbm>>)
    %get3A_178 = arith.constant 3 : i32
    %get3A_179 = arith.index_cast %get3A_178 : i32 to index
    %get3A_180 = arith.constant 0 : index
    %get3A_181 = tpu.vector_load %arg4[%get3A_179, %get3A_180] {strides = array<i32>} : memref<32x26xi32, #tpu.memory_space<vmem>>, vector<16xi32>,
    %get3A_182 = arith.constant 3 : i32
    %get3A_183 = arith.index_cast %get3A_182 : i32 to index
    %get3A_184 = arith.constant 10 : index
    %get3A_185 = tpu.vector_load %arg4[%get3A_183, %get3A_184] {strides = array<i32>} : memref<32x26xi32, #tpu.memory_space<vmem>>, vector<16xi32>,
    tpu.vector_store_idx %arg6[%iota3A, %get3A_181], %broadcast_in_dim3A_5 : memref<26x1000xi32, #tpu.memory_space<vmem>>[vector<16xi32>, vector<16xi32>], vector<16xi32>,
    %add3A_186 = arith.constant 10 : i32
    %add3A_187 = vector.broadcast %add3A_186 : i32 to vector<16xi32>
    %add3A_188 = arith.addi %iota3A, %add3A_187 : vector<16xi32>
    tpu.vector_store_idx %arg6[%add3A_188, %get3A_185], %broadcast_in_dim3A_5 : memref<26x1000xi32, #tpu.memory_space<vmem>>[vector<16xi32>, vector<16xi32>], vector<16xi32>,
    %get3A_189 = arith.constant 5 : i32
    %get3A_190 = arith.index_cast %get3A_189 : i32 to index
    %get3A_191 = arith.constant 0 : index
    %get3A_192 = tpu.vector_load %arg4[%get3A_190, %get3A_191] {strides = array<i32>} : memref<32x26xi32, #tpu.memory_space<vmem>>, vector<16xi32>,
    %get3A_193 = arith.constant 5 : i32
    %get3A_194 = arith.index_cast %get3A_193 : i32 to index
    %get3A_195 = arith.constant 10 : index
    %get3A_196 = tpu.vector_load %arg4[%get3A_194, %get3A_195] {strides = array<i32>} : memref<32x26xi32, #tpu.memory_space<vmem>>, vector<16xi32>,
    tpu.vector_store_idx %arg6[%iota3A, %get3A_192], %broadcast_in_dim3A_3 : memref<26x1000xi32, #tpu.memory_space<vmem>>[vector<16xi32>, vector<16xi32>], vector<16xi32>,
    %add3A_197 = arith.constant 10 : i32
    %add3A_198 = vector.broadcast %add3A_197 : i32 to vector<16xi32>
    %add3A_199 = arith.addi %iota3A, %add3A_198 : vector<16xi32>
    tpu.vector_store_idx %arg6[%add3A_199, %get3A_196], %broadcast_in_dim3A_3 : memref<26x1000xi32, #tpu.memory_space<vmem>>[vector<16xi32>, vector<16xi32>], vector<16xi32>,
    %add3A_200 = arith.constant 5 : i32
    %add3A_201 = arith.addi %mul3A_2, %add3A_200 : i32
    %dma_start3A_202 = arith.constant 0 : i32
    %dma_start3A_203 = arith.constant 0 : i32
    %dma_start3A_204 = tpu.memref_slice %arg3[%add3A_201, %dma_start3A_202, %dma_start3A_203] : memref<1024x26x1000xi32, #tpu.memory_space<hbm>> -> memref<1x26x1000xi32, #tpu.memory_space<hbm>>
    %dma_start3A_205 = tpu.memref_squeeze %dma_start3A_204 : memref<1x26x1000xi32, #tpu.memory_space<hbm>> -> memref<26x1000xi32, #tpu.memory_space<hbm>>
    %dma_start3A_206 = arith.constant 0 : i32
    %dma_start3A_207 = arith.constant 0 : i32
    %dma_start3A_208 = tpu.memref_slice %arg3[%add3A_201, %dma_start3A_206, %dma_start3A_207] : memref<1024x26x1000xi32, #tpu.memory_space<hbm>> -> memref<1x26x1000xi32, #tpu.memory_space<hbm>>
    %dma_start3A_209 = tpu.memref_squeeze %dma_start3A_208 : memref<1x26x1000xi32, #tpu.memory_space<hbm>> -> memref<26x1000xi32, #tpu.memory_space<hbm>>
    tpu.enqueue_dma source(%arg6 : memref<26x1000xi32, #tpu.memory_space<vmem>>) target(%dma_start3A_209 : memref<26x1000xi32, #tpu.memory_space<hbm>>) target_semaphore(%arg8 : memref<!tpu.dma_semaphore, #tpu.memory_space<semaphore_mem>>)
    %dma_wait3A_210 = arith.constant 0 : i32
    %dma_wait3A_211 = arith.constant 0 : i32
    %dma_wait3A_212 = tpu.memref_slice %arg3[%add3A_161, %dma_wait3A_210, %dma_wait3A_211] : memref<1024x26x1000xi32, #tpu.memory_space<hbm>> -> memref<1x26x1000xi32, #tpu.memory_space<hbm>>
    %dma_wait3A_213 = tpu.memref_squeeze %dma_wait3A_212 : memref<1x26x1000xi32, #tpu.memory_space<hbm>> -> memref<26x1000xi32, #tpu.memory_space<hbm>>
    %dma_wait3A_214 = arith.constant 0 : i32
    %dma_wait3A_215 = arith.constant 0 : i32
    %dma_wait3A_216 = tpu.memref_slice %arg3[%add3A_161, %dma_wait3A_214, %dma_wait3A_215] : memref<1024x26x1000xi32, #tpu.memory_space<hbm>> -> memref<1x26x1000xi32, #tpu.memory_space<hbm>>
    %dma_wait3A_217 = tpu.memref_squeeze %dma_wait3A_216 : memref<1x26x1000xi32, #tpu.memory_space<hbm>> -> memref<26x1000xi32, #tpu.memory_space<hbm>>
    tpu.wait_dma2 semaphore(%arg7 : memref<!tpu.dma_semaphore, #tpu.memory_space<semaphore_mem>>) src(%arg5 : memref<26x1000xi32, #tpu.memory_space<vmem>>) dst(%dma_wait3A_217 : memref<26x1000xi32, #tpu.memory_space<hbm>>)
    %get3A_218 = arith.constant 4 : i32
    %get3A_219 = arith.index_cast %get3A_218 : i32 to index
    %get3A_220 = arith.constant 0 : index
    %get3A_221 = tpu.vector_load %arg4[%get3A_219, %get3A_220] {strides = array<i32>} : memref<32x26xi32, #tpu.memory_space<vmem>>, vector<16xi32>,
    %get3A_222 = arith.constant 4 : i32
    %get3A_223 = arith.index_cast %get3A_222 : i32 to index
    %get3A_224 = arith.constant 10 : index
    %get3A_225 = tpu.vector_load %arg4[%get3A_223, %get3A_224] {strides = array<i32>} : memref<32x26xi32, #tpu.memory_space<vmem>>, vector<16xi32>,
    tpu.vector_store_idx %arg5[%iota3A, %get3A_221], %broadcast_in_dim3A_5 : memref<26x1000xi32, #tpu.memory_space<vmem>>[vector<16xi32>, vector<16xi32>], vector<16xi32>,
    %add3A_226 = arith.constant 10 : i32
    %add3A_227 = vector.broadcast %add3A_226 : i32 to vector<16xi32>
    %add3A_228 = arith.addi %iota3A, %add3A_227 : vector<16xi32>
    tpu.vector_store_idx %arg5[%add3A_228, %get3A_225], %broadcast_in_dim3A_5 : memref<26x1000xi32, #tpu.memory_space<vmem>>[vector<16xi32>, vector<16xi32>], vector<16xi32>,
    %get3A_229 = arith.constant 6 : i32
    %get3A_230 = arith.index_cast %get3A_229 : i32 to index
    %get3A_231 = arith.constant 0 : index
    %get3A_232 = tpu.vector_load %arg4[%get3A_230, %get3A_231] {strides = array<i32>} : memref<32x26xi32, #tpu.memory_space<vmem>>, vector<16xi32>,
    %get3A_233 = arith.constant 6 : i32
    %get3A_234 = arith.index_cast %get3A_233 : i32 to index
    %get3A_235 = arith.constant 10 : index
    %get3A_236 = tpu.vector_load %arg4[%get3A_234, %get3A_235] {strides = array<i32>} : memref<32x26xi32, #tpu.memory_space<vmem>>, vector<16xi32>,
    tpu.vector_store_idx %arg5[%iota3A, %get3A_232], %broadcast_in_dim3A_3 : memref<26x1000xi32, #tpu.memory_space<vmem>>[vector<16xi32>, vector<16xi32>], vector<16xi32>,
    %add3A_237 = arith.constant 10 : i32
    %add3A_238 = vector.broadcast %add3A_237 : i32 to vector<16xi32>
    %add3A_239 = arith.addi %iota3A, %add3A_238 : vector<16xi32>
    tpu.vector_store_idx %arg5[%add3A_239, %get3A_236], %broadcast_in_dim3A_3 : memref<26x1000xi32, #tpu.memory_space<vmem>>[vector<16xi32>, vector<16xi32>], vector<16xi32>,
    %add3A_240 = arith.constant 6 : i32
    %add3A_241 = arith.addi %mul3A_2, %add3A_240 : i32
    %dma_start3A_242 = arith.constant 0 : i32
    %dma_start3A_243 = arith.constant 0 : i32
    %dma_start3A_244 = tpu.memref_slice %arg3[%add3A_241, %dma_start3A_242, %dma_start3A_243] : memref<1024x26x1000xi32, #tpu.memory_space<hbm>> -> memref<1x26x1000xi32, #tpu.memory_space<hbm>>
    %dma_start3A_245 = tpu.memref_squeeze %dma_start3A_244 : memref<1x26x1000xi32, #tpu.memory_space<hbm>> -> memref<26x1000xi32, #tpu.memory_space<hbm>>
    %dma_start3A_246 = arith.constant 0 : i32
    %dma_start3A_247 = arith.constant 0 : i32
    %dma_start3A_248 = tpu.memref_slice %arg3[%add3A_241, %dma_start3A_246, %dma_start3A_247] : memref<1024x26x1000xi32, #tpu.memory_space<hbm>> -> memref<1x26x1000xi32, #tpu.memory_space<hbm>>
    %dma_start3A_249 = tpu.memref_squeeze %dma_start3A_248 : memref<1x26x1000xi32, #tpu.memory_space<hbm>> -> memref<26x1000xi32, #tpu.memory_space<hbm>>
    tpu.enqueue_dma source(%arg5 : memref<26x1000xi32, #tpu.memory_space<vmem>>) target(%dma_start3A_249 : memref<26x1000xi32, #tpu.memory_space<hbm>>) target_semaphore(%arg7 : memref<!tpu.dma_semaphore, #tpu.memory_space<semaphore_mem>>)
    %dma_wait3A_250 = arith.constant 0 : i32
    %dma_wait3A_251 = arith.constant 0 : i32
    %dma_wait3A_252 = tpu.memref_slice %arg3[%add3A_201, %dma_wait3A_250, %dma_wait3A_251] : memref<1024x26x1000xi32, #tpu.memory_space<hbm>> -> memref<1x26x1000xi32, #tpu.memory_space<hbm>>
    %dma_wait3A_253 = tpu.memref_squeeze %dma_wait3A_252 : memref<1x26x1000xi32, #tpu.memory_space<hbm>> -> memref<26x1000xi32, #tpu.memory_space<hbm>>
    %dma_wait3A_254 = arith.constant 0 : i32
    %dma_wait3A_255 = arith.constant 0 : i32
    %dma_wait3A_256 = tpu.memref_slice %arg3[%add3A_201, %dma_wait3A_254, %dma_wait3A_255] : memref<1024x26x1000xi32, #tpu.memory_space<hbm>> -> memref<1x26x1000xi32, #tpu.memory_space<hbm>>
    %dma_wait3A_257 = tpu.memref_squeeze %dma_wait3A_256 : memref<1x26x1000xi32, #tpu.memory_space<hbm>> -> memref<26x1000xi32, #tpu.memory_space<hbm>>
    tpu.wait_dma2 semaphore(%arg8 : memref<!tpu.dma_semaphore, #tpu.memory_space<semaphore_mem>>) src(%arg6 : memref<26x1000xi32, #tpu.memory_space<vmem>>) dst(%dma_wait3A_257 : memref<26x1000xi32, #tpu.memory_space<hbm>>)
    %get3A_258 = arith.constant 5 : i32
    %get3A_259 = arith.index_cast %get3A_258 : i32 to index
    %get3A_260 = arith.constant 0 : index
    %get3A_261 = tpu.vector_load %arg4[%get3A_259, %get3A_260] {strides = array<i32>} : memref<32x26xi32, #tpu.memory_space<vmem>>, vector<16xi32>,
    %get3A_262 = arith.constant 5 : i32
    %get3A_263 = arith.index_cast %get3A_262 : i32 to index
    %get3A_264 = arith.constant 10 : index
    %get3A_265 = tpu.vector_load %arg4[%get3A_263, %get3A_264] {strides = array<i32>} : memref<32x26xi32, #tpu.memory_space<vmem>>, vector<16xi32>,
    tpu.vector_store_idx %arg6[%iota3A, %get3A_261], %broadcast_in_dim3A_5 : memref<26x1000xi32, #tpu.memory_space<vmem>>[vector<16xi32>, vector<16xi32>], vector<16xi32>,
    %add3A_266 = arith.constant 10 : i32
    %add3A_267 = vector.broadcast %add3A_266 : i32 to vector<16xi32>
    %add3A_268 = arith.addi %iota3A, %add3A_267 : vector<16xi32>
    tpu.vector_store_idx %arg6[%add3A_268, %get3A_265], %broadcast_in_dim3A_5 : memref<26x1000xi32, #tpu.memory_space<vmem>>[vector<16xi32>, vector<16xi32>], vector<16xi32>,
    %get3A_269 = arith.constant 7 : i32
    %get3A_270 = arith.index_cast %get3A_269 : i32 to index
    %get3A_271 = arith.constant 0 : index
    %get3A_272 = tpu.vector_load %arg4[%get3A_270, %get3A_271] {strides = array<i32>} : memref<32x26xi32, #tpu.memory_space<vmem>>, vector<16xi32>,
    %get3A_273 = arith.constant 7 : i32
    %get3A_274 = arith.index_cast %get3A_273 : i32 to index
    %get3A_275 = arith.constant 10 : index
    %get3A_276 = tpu.vector_load %arg4[%get3A_274, %get3A_275] {strides = array<i32>} : memref<32x26xi32, #tpu.memory_space<vmem>>, vector<16xi32>,
    tpu.vector_store_idx %arg6[%iota3A, %get3A_272], %broadcast_in_dim3A_3 : memref<26x1000xi32, #tpu.memory_space<vmem>>[vector<16xi32>, vector<16xi32>], vector<16xi32>,
    %add3A_277 = arith.constant 10 : i32
    %add3A_278 = vector.broadcast %add3A_277 : i32 to vector<16xi32>
    %add3A_279 = arith.addi %iota3A, %add3A_278 : vector<16xi32>
    tpu.vector_store_idx %arg6[%add3A_279, %get3A_276], %broadcast_in_dim3A_3 : memref<26x1000xi32, #tpu.memory_space<vmem>>[vector<16xi32>, vector<16xi32>], vector<16xi32>,
    %add3A_280 = arith.constant 7 : i32
    %add3A_281 = arith.addi %mul3A_2, %add3A_280 : i32
    %dma_start3A_282 = arith.constant 0 : i32
    %dma_start3A_283 = arith.constant 0 : i32
    %dma_start3A_284 = tpu.memref_slice %arg3[%add3A_281, %dma_start3A_282, %dma_start3A_283] : memref<1024x26x1000xi32, #tpu.memory_space<hbm>> -> memref<1x26x1000xi32, #tpu.memory_space<hbm>>
    %dma_start3A_285 = tpu.memref_squeeze %dma_start3A_284 : memref<1x26x1000xi32, #tpu.memory_space<hbm>> -> memref<26x1000xi32, #tpu.memory_space<hbm>>
    %dma_start3A_286 = arith.constant 0 : i32
    %dma_start3A_287 = arith.constant 0 : i32
    %dma_start3A_288 = tpu.memref_slice %arg3[%add3A_281, %dma_start3A_286, %dma_start3A_287] : memref<1024x26x1000xi32, #tpu.memory_space<hbm>> -> memref<1x26x1000xi32, #tpu.memory_space<hbm>>
    %dma_start3A_289 = tpu.memref_squeeze %dma_start3A_288 : memref<1x26x1000xi32, #tpu.memory_space<hbm>> -> memref<26x1000xi32, #tpu.memory_space<hbm>>
    tpu.enqueue_dma source(%arg6 : memref<26x1000xi32, #tpu.memory_space<vmem>>) target(%dma_start3A_289 : memref<26x1000xi32, #tpu.memory_space<hbm>>) target_semaphore(%arg8 : memref<!tpu.dma_semaphore, #tpu.memory_space<semaphore_mem>>)
    %dma_wait3A_290 = arith.constant 0 : i32
    %dma_wait3A_291 = arith.constant 0 : i32
    %dma_wait3A_292 = tpu.memref_slice %arg3[%add3A_241, %dma_wait3A_290, %dma_wait3A_291] : memref<1024x26x1000xi32, #tpu.memory_space<hbm>> -> memref<1x26x1000xi32, #tpu.memory_space<hbm>>
    %dma_wait3A_293 = tpu.memref_squeeze %dma_wait3A_292 : memref<1x26x1000xi32, #tpu.memory_space<hbm>> -> memref<26x1000xi32, #tpu.memory_space<hbm>>
    %dma_wait3A_294 = arith.constant 0 : i32
    %dma_wait3A_295 = arith.constant 0 : i32
    %dma_wait3A_296 = tpu.memref_slice %arg3[%add3A_241, %dma_wait3A_294, %dma_wait3A_295] : memref<1024x26x1000xi32, #tpu.memory_space<hbm>> -> memref<1x26x1000xi32, #tpu.memory_space<hbm>>
    %dma_wait3A_297 = tpu.memref_squeeze %dma_wait3A_296 : memref<1x26x1000xi32, #tpu.memory_space<hbm>> -> memref<26x1000xi32, #tpu.memory_space<hbm>>
    tpu.wait_dma2 semaphore(%arg7 : memref<!tpu.dma_semaphore, #tpu.memory_space<semaphore_mem>>) src(%arg5 : memref<26x1000xi32, #tpu.memory_space<vmem>>) dst(%dma_wait3A_297 : memref<26x1000xi32, #tpu.memory_space<hbm>>)
    %get3A_298 = arith.constant 6 : i32
    %get3A_299 = arith.index_cast %get3A_298 : i32 to index
    %get3A_300 = arith.constant 0 : index
    %get3A_301 = tpu.vector_load %arg4[%get3A_299, %get3A_300] {strides = array<i32>} : memref<32x26xi32, #tpu.memory_space<vmem>>, vector<16xi32>,
    %get3A_302 = arith.constant 6 : i32
    %get3A_303 = arith.index_cast %get3A_302 : i32 to index
    %get3A_304 = arith.constant 10 : index
    %get3A_305 = tpu.vector_load %arg4[%get3A_303, %get3A_304] {strides = array<i32>} : memref<32x26xi32, #tpu.memory_space<vmem>>, vector<16xi32>,
    tpu.vector_store_idx %arg5[%iota3A, %get3A_301], %broadcast_in_dim3A_5 : memref<26x1000xi32, #tpu.memory_space<vmem>>[vector<16xi32>, vector<16xi32>], vector<16xi32>,
    %add3A_306 = arith.constant 10 : i32
    %add3A_307 = vector.broadcast %add3A_306 : i32 to vector<16xi32>
    %add3A_308 = arith.addi %iota3A, %add3A_307 : vector<16xi32>
    tpu.vector_store_idx %arg5[%add3A_308, %get3A_305], %broadcast_in_dim3A_5 : memref<26x1000xi32, #tpu.memory_space<vmem>>[vector<16xi32>, vector<16xi32>], vector<16xi32>,
    %get3A_309 = arith.constant 8 : i32
    %get3A_310 = arith.index_cast %get3A_309 : i32 to index
    %get3A_311 = arith.constant 0 : index
    %get3A_312 = tpu.vector_load %arg4[%get3A_310, %get3A_311] {strides = array<i32>} : memref<32x26xi32, #tpu.memory_space<vmem>>, vector<16xi32>,
    %get3A_313 = arith.constant 8 : i32
    %get3A_314 = arith.index_cast %get3A_313 : i32 to index
    %get3A_315 = arith.constant 10 : index
    %get3A_316 = tpu.vector_load %arg4[%get3A_314, %get3A_315] {strides = array<i32>} : memref<32x26xi32, #tpu.memory_space<vmem>>, vector<16xi32>,
    tpu.vector_store_idx %arg5[%iota3A, %get3A_312], %broadcast_in_dim3A_3 : memref<26x1000xi32, #tpu.memory_space<vmem>>[vector<16xi32>, vector<16xi32>], vector<16xi32>,
    %add3A_317 = arith.constant 10 : i32
    %add3A_318 = vector.broadcast %add3A_317 : i32 to vector<16xi32>
    %add3A_319 = arith.addi %iota3A, %add3A_318 : vector<16xi32>
    tpu.vector_store_idx %arg5[%add3A_319, %get3A_316], %broadcast_in_dim3A_3 : memref<26x1000xi32, #tpu.memory_space<vmem>>[vector<16xi32>, vector<16xi32>], vector<16xi32>,
    %add3A_320 = arith.constant 8 : i32
    %add3A_321 = arith.addi %mul3A_2, %add3A_320 : i32
    %dma_start3A_322 = arith.constant 0 : i32
    %dma_start3A_323 = arith.constant 0 : i32
    %dma_start3A_324 = tpu.memref_slice %arg3[%add3A_321, %dma_start3A_322, %dma_start3A_323] : memref<1024x26x1000xi32, #tpu.memory_space<hbm>> -> memref<1x26x1000xi32, #tpu.memory_space<hbm>>
    %dma_start3A_325 = tpu.memref_squeeze %dma_start3A_324 : memref<1x26x1000xi32, #tpu.memory_space<hbm>> -> memref<26x1000xi32, #tpu.memory_space<hbm>>
    %dma_start3A_326 = arith.constant 0 : i32
    %dma_start3A_327 = arith.constant 0 : i32
    %dma_start3A_328 = tpu.memref_slice %arg3[%add3A_321, %dma_start3A_326, %dma_start3A_327] : memref<1024x26x1000xi32, #tpu.memory_space<hbm>> -> memref<1x26x1000xi32, #tpu.memory_space<hbm>>
    %dma_start3A_329 = tpu.memref_squeeze %dma_start3A_328 : memref<1x26x1000xi32, #tpu.memory_space<hbm>> -> memref<26x1000xi32, #tpu.memory_space<hbm>>
    tpu.enqueue_dma source(%arg5 : memref<26x1000xi32, #tpu.memory_space<vmem>>) target(%dma_start3A_329 : memref<26x1000xi32, #tpu.memory_space<hbm>>) target_semaphore(%arg7 : memref<!tpu.dma_semaphore, #tpu.memory_space<semaphore_mem>>)
    %dma_wait3A_330 = arith.constant 0 : i32
    %dma_wait3A_331 = arith.constant 0 : i32
    %dma_wait3A_332 = tpu.memref_slice %arg3[%add3A_281, %dma_wait3A_330, %dma_wait3A_331] : memref<1024x26x1000xi32, #tpu.memory_space<hbm>> -> memref<1x26x1000xi32, #tpu.memory_space<hbm>>
    %dma_wait3A_333 = tpu.memref_squeeze %dma_wait3A_332 : memref<1x26x1000xi32, #tpu.memory_space<hbm>> -> memref<26x1000xi32, #tpu.memory_space<hbm>>
    %dma_wait3A_334 = arith.constant 0 : i32
    %dma_wait3A_335 = arith.constant 0 : i32
    %dma_wait3A_336 = tpu.memref_slice %arg3[%add3A_281, %dma_wait3A_334, %dma_wait3A_335] : memref<1024x26x1000xi32, #tpu.memory_space<hbm>> -> memref<1x26x1000xi32, #tpu.memory_space<hbm>>
    %dma_wait3A_337 = tpu.memref_squeeze %dma_wait3A_336 : memref<1x26x1000xi32, #tpu.memory_space<hbm>> -> memref<26x1000xi32, #tpu.memory_space<hbm>>
    tpu.wait_dma2 semaphore(%arg8 : memref<!tpu.dma_semaphore, #tpu.memory_space<semaphore_mem>>) src(%arg6 : memref<26x1000xi32, #tpu.memory_space<vmem>>) dst(%dma_wait3A_337 : memref<26x1000xi32, #tpu.memory_space<hbm>>)
    %get3A_338 = arith.constant 7 : i32
    %get3A_339 = arith.index_cast %get3A_338 : i32 to index
    %get3A_340 = arith.constant 0 : index
    %get3A_341 = tpu.vector_load %arg4[%get3A_339, %get3A_340] {strides = array<i32>} : memref<32x26xi32, #tpu.memory_space<vmem>>, vector<16xi32>,
    %get3A_342 = arith.constant 7 : i32
    %get3A_343 = arith.index_cast %get3A_342 : i32 to index
    %get3A_344 = arith.constant 10 : index
    %get3A_345 = tpu.vector_load %arg4[%get3A_343, %get3A_344] {strides = array<i32>} : memref<32x26xi32, #tpu.memory_space<vmem>>, vector<16xi32>,
    tpu.vector_store_idx %arg6[%iota3A, %get3A_341], %broadcast_in_dim3A_5 : memref<26x1000xi32, #tpu.memory_space<vmem>>[vector<16xi32>, vector<16xi32>], vector<16xi32>,
    %add3A_346 = arith.constant 10 : i32
    %add3A_347 = vector.broadcast %add3A_346 : i32 to vector<16xi32>
    %add3A_348 = arith.addi %iota3A, %add3A_347 : vector<16xi32>
    tpu.vector_store_idx %arg6[%add3A_348, %get3A_345], %broadcast_in_dim3A_5 : memref<26x1000xi32, #tpu.memory_space<vmem>>[vector<16xi32>, vector<16xi32>], vector<16xi32>,
    %get3A_349 = arith.constant 9 : i32
    %get3A_350 = arith.index_cast %get3A_349 : i32 to index
    %get3A_351 = arith.constant 0 : index
    %get3A_352 = tpu.vector_load %arg4[%get3A_350, %get3A_351] {strides = array<i32>} : memref<32x26xi32, #tpu.memory_space<vmem>>, vector<16xi32>,
    %get3A_353 = arith.constant 9 : i32
    %get3A_354 = arith.index_cast %get3A_353 : i32 to index
    %get3A_355 = arith.constant 10 : index
    %get3A_356 = tpu.vector_load %arg4[%get3A_354, %get3A_355] {strides = array<i32>} : memref<32x26xi32, #tpu.memory_space<vmem>>, vector<16xi32>,
    tpu.vector_store_idx %arg6[%iota3A, %get3A_352], %broadcast_in_dim3A_3 : memref<26x1000xi32, #tpu.memory_space<vmem>>[vector<16xi32>, vector<16xi32>], vector<16xi32>,
    %add3A_357 = arith.constant 10 : i32
    %add3A_358 = vector.broadcast %add3A_357 : i32 to vector<16xi32>
    %add3A_359 = arith.addi %iota3A, %add3A_358 : vector<16xi32>
    tpu.vector_store_idx %arg6[%add3A_359, %get3A_356], %broadcast_in_dim3A_3 : memref<26x1000xi32, #tpu.memory_space<vmem>>[vector<16xi32>, vector<16xi32>], vector<16xi32>,
    %add3A_360 = arith.constant 9 : i32
    %add3A_361 = arith.addi %mul3A_2, %add3A_360 : i32
    %dma_start3A_362 = arith.constant 0 : i32
    %dma_start3A_363 = arith.constant 0 : i32
    %dma_start3A_364 = tpu.memref_slice %arg3[%add3A_361, %dma_start3A_362, %dma_start3A_363] : memref<1024x26x1000xi32, #tpu.memory_space<hbm>> -> memref<1x26x1000xi32, #tpu.memory_space<hbm>>
    %dma_start3A_365 = tpu.memref_squeeze %dma_start3A_364 : memref<1x26x1000xi32, #tpu.memory_space<hbm>> -> memref<26x1000xi32, #tpu.memory_space<hbm>>
    %dma_start3A_366 = arith.constant 0 : i32
    %dma_start3A_367 = arith.constant 0 : i32
    %dma_start3A_368 = tpu.memref_slice %arg3[%add3A_361, %dma_start3A_366, %dma_start3A_367] : memref<1024x26x1000xi32, #tpu.memory_space<hbm>> -> memref<1x26x1000xi32, #tpu.memory_space<hbm>>
    %dma_start3A_369 = tpu.memref_squeeze %dma_start3A_368 : memref<1x26x1000xi32, #tpu.memory_space<hbm>> -> memref<26x1000xi32, #tpu.memory_space<hbm>>
    tpu.enqueue_dma source(%arg6 : memref<26x1000xi32, #tpu.memory_space<vmem>>) target(%dma_start3A_369 : memref<26x1000xi32, #tpu.memory_space<hbm>>) target_semaphore(%arg8 : memref<!tpu.dma_semaphore, #tpu.memory_space<semaphore_mem>>)
    %dma_wait3A_370 = arith.constant 0 : i32
    %dma_wait3A_371 = arith.constant 0 : i32
    %dma_wait3A_372 = tpu.memref_slice %arg3[%add3A_321, %dma_wait3A_370, %dma_wait3A_371] : memref<1024x26x1000xi32, #tpu.memory_space<hbm>> -> memref<1x26x1000xi32, #tpu.memory_space<hbm>>
    %dma_wait3A_373 = tpu.memref_squeeze %dma_wait3A_372 : memref<1x26x1000xi32, #tpu.memory_space<hbm>> -> memref<26x1000xi32, #tpu.memory_space<hbm>>
    %dma_wait3A_374 = arith.constant 0 : i32
    %dma_wait3A_375 = arith.constant 0 : i32
    %dma_wait3A_376 = tpu.memref_slice %arg3[%add3A_321, %dma_wait3A_374, %dma_wait3A_375] : memref<1024x26x1000xi32, #tpu.memory_space<hbm>> -> memref<1x26x1000xi32, #tpu.memory_space<hbm>>
    %dma_wait3A_377 = tpu.memref_squeeze %dma_wait3A_376 : memref<1x26x1000xi32, #tpu.memory_space<hbm>> -> memref<26x1000xi32, #tpu.memory_space<hbm>>
    tpu.wait_dma2 semaphore(%arg7 : memref<!tpu.dma_semaphore, #tpu.memory_space<semaphore_mem>>) src(%arg5 : memref<26x1000xi32, #tpu.memory_space<vmem>>) dst(%dma_wait3A_377 : memref<26x1000xi32, #tpu.memory_space<hbm>>)
    %get3A_378 = arith.constant 8 : i32
    %get3A_379 = arith.index_cast %get3A_378 : i32 to index
    %get3A_380 = arith.constant 0 : index
    %get3A_381 = tpu.vector_load %arg4[%get3A_379, %get3A_380] {strides = array<i32>} : memref<32x26xi32, #tpu.memory_space<vmem>>, vector<16xi32>,
    %get3A_382 = arith.constant 8 : i32
    %get3A_383 = arith.index_cast %get3A_382 : i32 to index
    %get3A_384 = arith.constant 10 : index
    %get3A_385 = tpu.vector_load %arg4[%get3A_383, %get3A_384] {strides = array<i32>} : memref<32x26xi32, #tpu.memory_space<vmem>>, vector<16xi32>,
    tpu.vector_store_idx %arg5[%iota3A, %get3A_381], %broadcast_in_dim3A_5 : memref<26x1000xi32, #tpu.memory_space<vmem>>[vector<16xi32>, vector<16xi32>], vector<16xi32>,
    %add3A_386 = arith.constant 10 : i32
    %add3A_387 = vector.broadcast %add3A_386 : i32 to vector<16xi32>
    %add3A_388 = arith.addi %iota3A, %add3A_387 : vector<16xi32>
    tpu.vector_store_idx %arg5[%add3A_388, %get3A_385], %broadcast_in_dim3A_5 : memref<26x1000xi32, #tpu.memory_space<vmem>>[vector<16xi32>, vector<16xi32>], vector<16xi32>,
    %get3A_389 = arith.constant 10 : i32
    %get3A_390 = arith.index_cast %get3A_389 : i32 to index
    %get3A_391 = arith.constant 0 : index
    %get3A_392 = tpu.vector_load %arg4[%get3A_390, %get3A_391] {strides = array<i32>} : memref<32x26xi32, #tpu.memory_space<vmem>>, vector<16xi32>,
    %get3A_393 = arith.constant 10 : i32
    %get3A_394 = arith.index_cast %get3A_393 : i32 to index
    %get3A_395 = arith.constant 10 : index
    %get3A_396 = tpu.vector_load %arg4[%get3A_394, %get3A_395] {strides = array<i32>} : memref<32x26xi32, #tpu.memory_space<vmem>>, vector<16xi32>,
    tpu.vector_store_idx %arg5[%iota3A, %get3A_392], %broadcast_in_dim3A_3 : memref<26x1000xi32, #tpu.memory_space<vmem>>[vector<16xi32>, vector<16xi32>], vector<16xi32>,
    %add3A_397 = arith.constant 10 : i32
    %add3A_398 = vector.broadcast %add3A_397 : i32 to vector<16xi32>
    %add3A_399 = arith.addi %iota3A, %add3A_398 : vector<16xi32>
    tpu.vector_store_idx %arg5[%add3A_399, %get3A_396], %broadcast_in_dim3A_3 : memref<26x1000xi32, #tpu.memory_space<vmem>>[vector<16xi32>, vector<16xi32>], vector<16xi32>,
    %add3A_400 = arith.constant 10 : i32
    %add3A_401 = arith.addi %mul3A_2, %add3A_400 : i32
    %dma_start3A_402 = arith.constant 0 : i32
    %dma_start3A_403 = arith.constant 0 : i32
    %dma_start3A_404 = tpu.memref_slice %arg3[%add3A_401, %dma_start3A_402, %dma_start3A_403] : memref<1024x26x1000xi32, #tpu.memory_space<hbm>> -> memref<1x26x1000xi32, #tpu.memory_space<hbm>>
    %dma_start3A_405 = tpu.memref_squeeze %dma_start3A_404 : memref<1x26x1000xi32, #tpu.memory_space<hbm>> -> memref<26x1000xi32, #tpu.memory_space<hbm>>
    %dma_start3A_406 = arith.constant 0 : i32
    %dma_start3A_407 = arith.constant 0 : i32
    %dma_start3A_408 = tpu.memref_slice %arg3[%add3A_401, %dma_start3A_406, %dma_start3A_407] : memref<1024x26x1000xi32, #tpu.memory_space<hbm>> -> memref<1x26x1000xi32, #tpu.memory_space<hbm>>
    %dma_start3A_409 = tpu.memref_squeeze %dma_start3A_408 : memref<1x26x1000xi32, #tpu.memory_space<hbm>> -> memref<26x1000xi32, #tpu.memory_space<hbm>>
    tpu.enqueue_dma source(%arg5 : memref<26x1000xi32, #tpu.memory_space<vmem>>) target(%dma_start3A_409 : memref<26x1000xi32, #tpu.memory_space<hbm>>) target_semaphore(%arg7 : memref<!tpu.dma_semaphore, #tpu.memory_space<semaphore_mem>>)
    %dma_wait3A_410 = arith.constant 0 : i32
    %dma_wait3A_411 = arith.constant 0 : i32
    %dma_wait3A_412 = tpu.memref_slice %arg3[%add3A_361, %dma_wait3A_410, %dma_wait3A_411] : memref<1024x26x1000xi32, #tpu.memory_space<hbm>> -> memref<1x26x1000xi32, #tpu.memory_space<hbm>>
    %dma_wait3A_413 = tpu.memref_squeeze %dma_wait3A_412 : memref<1x26x1000xi32, #tpu.memory_space<hbm>> -> memref<26x1000xi32, #tpu.memory_space<hbm>>
    %dma_wait3A_414 = arith.constant 0 : i32
    %dma_wait3A_415 = arith.constant 0 : i32
    %dma_wait3A_416 = tpu.memref_slice %arg3[%add3A_361, %dma_wait3A_414, %dma_wait3A_415] : memref<1024x26x1000xi32, #tpu.memory_space<hbm>> -> memref<1x26x1000xi32, #tpu.memory_space<hbm>>
    %dma_wait3A_417 = tpu.memref_squeeze %dma_wait3A_416 : memref<1x26x1000xi32, #tpu.memory_space<hbm>> -> memref<26x1000xi32, #tpu.memory_space<hbm>>
    tpu.wait_dma2 semaphore(%arg8 : memref<!tpu.dma_semaphore, #tpu.memory_space<semaphore_mem>>) src(%arg6 : memref<26x1000xi32, #tpu.memory_space<vmem>>) dst(%dma_wait3A_417 : memref<26x1000xi32, #tpu.memory_space<hbm>>)
    %get3A_418 = arith.constant 9 : i32
    %get3A_419 = arith.index_cast %get3A_418 : i32 to index
    %get3A_420 = arith.constant 0 : index
    %get3A_421 = tpu.vector_load %arg4[%get3A_419, %get3A_420] {strides = array<i32>} : memref<32x26xi32, #tpu.memory_space<vmem>>, vector<16xi32>,
    %get3A_422 = arith.constant 9 : i32
    %get3A_423 = arith.index_cast %get3A_422 : i32 to index
    %get3A_424 = arith.constant 10 : index
    %get3A_425 = tpu.vector_load %arg4[%get3A_423, %get3A_424] {strides = array<i32>} : memref<32x26xi32, #tpu.memory_space<vmem>>, vector<16xi32>,
    tpu.vector_store_idx %arg6[%iota3A, %get3A_421], %broadcast_in_dim3A_5 : memref<26x1000xi32, #tpu.memory_space<vmem>>[vector<16xi32>, vector<16xi32>], vector<16xi32>,
    %add3A_426 = arith.constant 10 : i32
    %add3A_427 = vector.broadcast %add3A_426 : i32 to vector<16xi32>
    %add3A_428 = arith.addi %iota3A, %add3A_427 : vector<16xi32>
    tpu.vector_store_idx %arg6[%add3A_428, %get3A_425], %broadcast_in_dim3A_5 : memref<26x1000xi32, #tpu.memory_space<vmem>>[vector<16xi32>, vector<16xi32>], vector<16xi32>,
    %get3A_429 = arith.constant 11 : i32
    %get3A_430 = arith.index_cast %get3A_429 : i32 to index
    %get3A_431 = arith.constant 0 : index
    %get3A_432 = tpu.vector_load %arg4[%get3A_430, %get3A_431] {strides = array<i32>} : memref<32x26xi32, #tpu.memory_space<vmem>>, vector<16xi32>,
    %get3A_433 = arith.constant 11 : i32
    %get3A_434 = arith.index_cast %get3A_433 : i32 to index
    %get3A_435 = arith.constant 10 : index
    %get3A_436 = tpu.vector_load %arg4[%get3A_434, %get3A_435] {strides = array<i32>} : memref<32x26xi32, #tpu.memory_space<vmem>>, vector<16xi32>,
    tpu.vector_store_idx %arg6[%iota3A, %get3A_432], %broadcast_in_dim3A_3 : memref<26x1000xi32, #tpu.memory_space<vmem>>[vector<16xi32>, vector<16xi32>], vector<16xi32>,
    %add3A_437 = arith.constant 10 : i32
    %add3A_438 = vector.broadcast %add3A_437 : i32 to vector<16xi32>
    %add3A_439 = arith.addi %iota3A, %add3A_438 : vector<16xi32>
    tpu.vector_store_idx %arg6[%add3A_439, %get3A_436], %broadcast_in_dim3A_3 : memref<26x1000xi32, #tpu.memory_space<vmem>>[vector<16xi32>, vector<16xi32>], vector<16xi32>,
    %add3A_440 = arith.constant 11 : i32
    %add3A_441 = arith.addi %mul3A_2, %add3A_440 : i32
    %dma_start3A_442 = arith.constant 0 : i32
    %dma_start3A_443 = arith.constant 0 : i32
    %dma_start3A_444 = tpu.memref_slice %arg3[%add3A_441, %dma_start3A_442, %dma_start3A_443] : memref<1024x26x1000xi32, #tpu.memory_space<hbm>> -> memref<1x26x1000xi32, #tpu.memory_space<hbm>>
    %dma_start3A_445 = tpu.memref_squeeze %dma_start3A_444 : memref<1x26x1000xi32, #tpu.memory_space<hbm>> -> memref<26x1000xi32, #tpu.memory_space<hbm>>
    %dma_start3A_446 = arith.constant 0 : i32
    %dma_start3A_447 = arith.constant 0 : i32
    %dma_start3A_448 = tpu.memref_slice %arg3[%add3A_441, %dma_start3A_446, %dma_start3A_447] : memref<1024x26x1000xi32, #tpu.memory_space<hbm>> -> memref<1x26x1000xi32, #tpu.memory_space<hbm>>
    %dma_start3A_449 = tpu.memref_squeeze %dma_start3A_448 : memref<1x26x1000xi32, #tpu.memory_space<hbm>> -> memref<26x1000xi32, #tpu.memory_space<hbm>>
    tpu.enqueue_dma source(%arg6 : memref<26x1000xi32, #tpu.memory_space<vmem>>) target(%dma_start3A_449 : memref<26x1000xi32, #tpu.memory_space<hbm>>) target_semaphore(%arg8 : memref<!tpu.dma_semaphore, #tpu.memory_space<semaphore_mem>>)
    %dma_wait3A_450 = arith.constant 0 : i32
    %dma_wait3A_451 = arith.constant 0 : i32
    %dma_wait3A_452 = tpu.memref_slice %arg3[%add3A_401, %dma_wait3A_450, %dma_wait3A_451] : memref<1024x26x1000xi32, #tpu.memory_space<hbm>> -> memref<1x26x1000xi32, #tpu.memory_space<hbm>>
    %dma_wait3A_453 = tpu.memref_squeeze %dma_wait3A_452 : memref<1x26x1000xi32, #tpu.memory_space<hbm>> -> memref<26x1000xi32, #tpu.memory_space<hbm>>
    %dma_wait3A_454 = arith.constant 0 : i32
    %dma_wait3A_455 = arith.constant 0 : i32
    %dma_wait3A_456 = tpu.memref_slice %arg3[%add3A_401, %dma_wait3A_454, %dma_wait3A_455] : memref<1024x26x1000xi32, #tpu.memory_space<hbm>> -> memref<1x26x1000xi32, #tpu.memory_space<hbm>>
    %dma_wait3A_457 = tpu.memref_squeeze %dma_wait3A_456 : memref<1x26x1000xi32, #tpu.memory_space<hbm>> -> memref<26x1000xi32, #tpu.memory_space<hbm>>
    tpu.wait_dma2 semaphore(%arg7 : memref<!tpu.dma_semaphore, #tpu.memory_space<semaphore_mem>>) src(%arg5 : memref<26x1000xi32, #tpu.memory_space<vmem>>) dst(%dma_wait3A_457 : memref<26x1000xi32, #tpu.memory_space<hbm>>)
    %get3A_458 = arith.constant 10 : i32
    %get3A_459 = arith.index_cast %get3A_458 : i32 to index
    %get3A_460 = arith.constant 0 : index
    %get3A_461 = tpu.vector_load %arg4[%get3A_459, %get3A_460] {strides = array<i32>} : memref<32x26xi32, #tpu.memory_space<vmem>>, vector<16xi32>,
    %get3A_462 = arith.constant 10 : i32
    %get3A_463 = arith.index_cast %get3A_462 : i32 to index
    %get3A_464 = arith.constant 10 : index
    %get3A_465 = tpu.vector_load %arg4[%get3A_463, %get3A_464] {strides = array<i32>} : memref<32x26xi32, #tpu.memory_space<vmem>>, vector<16xi32>,
    tpu.vector_store_idx %arg5[%iota3A, %get3A_461], %broadcast_in_dim3A_5 : memref<26x1000xi32, #tpu.memory_space<vmem>>[vector<16xi32>, vector<16xi32>], vector<16xi32>,
    %add3A_466 = arith.constant 10 : i32
    %add3A_467 = vector.broadcast %add3A_466 : i32 to vector<16xi32>
    %add3A_468 = arith.addi %iota3A, %add3A_467 : vector<16xi32>
    tpu.vector_store_idx %arg5[%add3A_468, %get3A_465], %broadcast_in_dim3A_5 : memref<26x1000xi32, #tpu.memory_space<vmem>>[vector<16xi32>, vector<16xi32>], vector<16xi32>,
    %get3A_469 = arith.constant 12 : i32
    %get3A_470 = arith.index_cast %get3A_469 : i32 to index
    %get3A_471 = arith.constant 0 : index
    %get3A_472 = tpu.vector_load %arg4[%get3A_470, %get3A_471] {strides = array<i32>} : memref<32x26xi32, #tpu.memory_space<vmem>>, vector<16xi32>,
    %get3A_473 = arith.constant 12 : i32
    %get3A_474 = arith.index_cast %get3A_473 : i32 to index
    %get3A_475 = arith.constant 10 : index
    %get3A_476 = tpu.vector_load %arg4[%get3A_474, %get3A_475] {strides = array<i32>} : memref<32x26xi32, #tpu.memory_space<vmem>>, vector<16xi32>,
    tpu.vector_store_idx %arg5[%iota3A, %get3A_472], %broadcast_in_dim3A_3 : memref<26x1000xi32, #tpu.memory_space<vmem>>[vector<16xi32>, vector<16xi32>], vector<16xi32>,
    %add3A_477 = arith.constant 10 : i32
    %add3A_478 = vector.broadcast %add3A_477 : i32 to vector<16xi32>
    %add3A_479 = arith.addi %iota3A, %add3A_478 : vector<16xi32>
    tpu.vector_store_idx %arg5[%add3A_479, %get3A_476], %broadcast_in_dim3A_3 : memref<26x1000xi32, #tpu.memory_space<vmem>>[vector<16xi32>, vector<16xi32>], vector<16xi32>,
    %add3A_480 = arith.constant 12 : i32
    %add3A_481 = arith.addi %mul3A_2, %add3A_480 : i32
    %dma_start3A_482 = arith.constant 0 : i32
    %dma_start3A_483 = arith.constant 0 : i32
    %dma_start3A_484 = tpu.memref_slice %arg3[%add3A_481, %dma_start3A_482, %dma_start3A_483] : memref<1024x26x1000xi32, #tpu.memory_space<hbm>> -> memref<1x26x1000xi32, #tpu.memory_space<hbm>>
    %dma_start3A_485 = tpu.memref_squeeze %dma_start3A_484 : memref<1x26x1000xi32, #tpu.memory_space<hbm>> -> memref<26x1000xi32, #tpu.memory_space<hbm>>
    %dma_start3A_486 = arith.constant 0 : i32
    %dma_start3A_487 = arith.constant 0 : i32
    %dma_start3A_488 = tpu.memref_slice %arg3[%add3A_481, %dma_start3A_486, %dma_start3A_487] : memref<1024x26x1000xi32, #tpu.memory_space<hbm>> -> memref<1x26x1000xi32, #tpu.memory_space<hbm>>
    %dma_start3A_489 = tpu.memref_squeeze %dma_start3A_488 : memref<1x26x1000xi32, #tpu.memory_space<hbm>> -> memref<26x1000xi32, #tpu.memory_space<hbm>>
    tpu.enqueue_dma source(%arg5 : memref<26x1000xi32, #tpu.memory_space<vmem>>) target(%dma_start3A_489 : memref<26x1000xi32, #tpu.memory_space<hbm>>) target_semaphore(%arg7 : memref<!tpu.dma_semaphore, #tpu.memory_space<semaphore_mem>>)
    %dma_wait3A_490 = arith.constant 0 : i32
    %dma_wait3A_491 = arith.constant 0 : i32
    %dma_wait3A_492 = tpu.memref_slice %arg3[%add3A_441, %dma_wait3A_490, %dma_wait3A_491] : memref<1024x26x1000xi32, #tpu.memory_space<hbm>> -> memref<1x26x1000xi32, #tpu.memory_space<hbm>>
    %dma_wait3A_493 = tpu.memref_squeeze %dma_wait3A_492 : memref<1x26x1000xi32, #tpu.memory_space<hbm>> -> memref<26x1000xi32, #tpu.memory_space<hbm>>
    %dma_wait3A_494 = arith.constant 0 : i32
    %dma_wait3A_495 = arith.constant 0 : i32
    %dma_wait3A_496 = tpu.memref_slice %arg3[%add3A_441, %dma_wait3A_494, %dma_wait3A_495] : memref<1024x26x1000xi32, #tpu.memory_space<hbm>> -> memref<1x26x1000xi32, #tpu.memory_space<hbm>>
    %dma_wait3A_497 = tpu.memref_squeeze %dma_wait3A_496 : memref<1x26x1000xi32, #tpu.memory_space<hbm>> -> memref<26x1000xi32, #tpu.memory_space<hbm>>
    tpu.wait_dma2 semaphore(%arg8 : memref<!tpu.dma_semaphore, #tpu.memory_space<semaphore_mem>>) src(%arg6 : memref<26x1000xi32, #tpu.memory_space<vmem>>) dst(%dma_wait3A_497 : memref<26x1000xi32, #tpu.memory_space<hbm>>)
    %get3A_498 = arith.constant 11 : i32
    %get3A_499 = arith.index_cast %get3A_498 : i32 to index
    %get3A_500 = arith.constant 0 : index
    %get3A_501 = tpu.vector_load %arg4[%get3A_499, %get3A_500] {strides = array<i32>} : memref<32x26xi32, #tpu.memory_space<vmem>>, vector<16xi32>,
    %get3A_502 = arith.constant 11 : i32
    %get3A_503 = arith.index_cast %get3A_502 : i32 to index
    %get3A_504 = arith.constant 10 : index
    %get3A_505 = tpu.vector_load %arg4[%get3A_503, %get3A_504] {strides = array<i32>} : memref<32x26xi32, #tpu.memory_space<vmem>>, vector<16xi32>,
    tpu.vector_store_idx %arg6[%iota3A, %get3A_501], %broadcast_in_dim3A_5 : memref<26x1000xi32, #tpu.memory_space<vmem>>[vector<16xi32>, vector<16xi32>], vector<16xi32>,
    %add3A_506 = arith.constant 10 : i32
    %add3A_507 = vector.broadcast %add3A_506 : i32 to vector<16xi32>
    %add3A_508 = arith.addi %iota3A, %add3A_507 : vector<16xi32>
    tpu.vector_store_idx %arg6[%add3A_508, %get3A_505], %broadcast_in_dim3A_5 : memref<26x1000xi32, #tpu.memory_space<vmem>>[vector<16xi32>, vector<16xi32>], vector<16xi32>,
    %get3A_509 = arith.constant 13 : i32
    %get3A_510 = arith.index_cast %get3A_509 : i32 to index
    %get3A_511 = arith.constant 0 : index
    %get3A_512 = tpu.vector_load %arg4[%get3A_510, %get3A_511] {strides = array<i32>} : memref<32x26xi32, #tpu.memory_space<vmem>>, vector<16xi32>,
    %get3A_513 = arith.constant 13 : i32
    %get3A_514 = arith.index_cast %get3A_513 : i32 to index
    %get3A_515 = arith.constant 10 : index
    %get3A_516 = tpu.vector_load %arg4[%get3A_514, %get3A_515] {strides = array<i32>} : memref<32x26xi32, #tpu.memory_space<vmem>>, vector<16xi32>,
    tpu.vector_store_idx %arg6[%iota3A, %get3A_512], %broadcast_in_dim3A_3 : memref<26x1000xi32, #tpu.memory_space<vmem>>[vector<16xi32>, vector<16xi32>], vector<16xi32>,
    %add3A_517 = arith.constant 10 : i32
    %add3A_518 = vector.broadcast %add3A_517 : i32 to vector<16xi32>
    %add3A_519 = arith.addi %iota3A, %add3A_518 : vector<16xi32>
    tpu.vector_store_idx %arg6[%add3A_519, %get3A_516], %broadcast_in_dim3A_3 : memref<26x1000xi32, #tpu.memory_space<vmem>>[vector<16xi32>, vector<16xi32>], vector<16xi32>,
    %add3A_520 = arith.constant 13 : i32
    %add3A_521 = arith.addi %mul3A_2, %add3A_520 : i32
    %dma_start3A_522 = arith.constant 0 : i32
    %dma_start3A_523 = arith.constant 0 : i32
    %dma_start3A_524 = tpu.memref_slice %arg3[%add3A_521, %dma_start3A_522, %dma_start3A_523] : memref<1024x26x1000xi32, #tpu.memory_space<hbm>> -> memref<1x26x1000xi32, #tpu.memory_space<hbm>>
    %dma_start3A_525 = tpu.memref_squeeze %dma_start3A_524 : memref<1x26x1000xi32, #tpu.memory_space<hbm>> -> memref<26x1000xi32, #tpu.memory_space<hbm>>
    %dma_start3A_526 = arith.constant 0 : i32
    %dma_start3A_527 = arith.constant 0 : i32
    %dma_start3A_528 = tpu.memref_slice %arg3[%add3A_521, %dma_start3A_526, %dma_start3A_527] : memref<1024x26x1000xi32, #tpu.memory_space<hbm>> -> memref<1x26x1000xi32, #tpu.memory_space<hbm>>
    %dma_start3A_529 = tpu.memref_squeeze %dma_start3A_528 : memref<1x26x1000xi32, #tpu.memory_space<hbm>> -> memref<26x1000xi32, #tpu.memory_space<hbm>>
    tpu.enqueue_dma source(%arg6 : memref<26x1000xi32, #tpu.memory_space<vmem>>) target(%dma_start3A_529 : memref<26x1000xi32, #tpu.memory_space<hbm>>) target_semaphore(%arg8 : memref<!tpu.dma_semaphore, #tpu.memory_space<semaphore_mem>>)
    %dma_wait3A_530 = arith.constant 0 : i32
    %dma_wait3A_531 = arith.constant 0 : i32
    %dma_wait3A_532 = tpu.memref_slice %arg3[%add3A_481, %dma_wait3A_530, %dma_wait3A_531] : memref<1024x26x1000xi32, #tpu.memory_space<hbm>> -> memref<1x26x1000xi32, #tpu.memory_space<hbm>>
    %dma_wait3A_533 = tpu.memref_squeeze %dma_wait3A_532 : memref<1x26x1000xi32, #tpu.memory_space<hbm>> -> memref<26x1000xi32, #tpu.memory_space<hbm>>
    %dma_wait3A_534 = arith.constant 0 : i32
    %dma_wait3A_535 = arith.constant 0 : i32
    %dma_wait3A_536 = tpu.memref_slice %arg3[%add3A_481, %dma_wait3A_534, %dma_wait3A_535] : memref<1024x26x1000xi32, #tpu.memory_space<hbm>> -> memref<1x26x1000xi32, #tpu.memory_space<hbm>>
    %dma_wait3A_537 = tpu.memref_squeeze %dma_wait3A_536 : memref<1x26x1000xi32, #tpu.memory_space<hbm>> -> memref<26x1000xi32, #tpu.memory_space<hbm>>
    tpu.wait_dma2 semaphore(%arg7 : memref<!tpu.dma_semaphore, #tpu.memory_space<semaphore_mem>>) src(%arg5 : memref<26x1000xi32, #tpu.memory_space<vmem>>) dst(%dma_wait3A_537 : memref<26x1000xi32, #tpu.memory_space<hbm>>)
    %get3A_538 = arith.constant 12 : i32
    %get3A_539 = arith.index_cast %get3A_538 : i32 to index
    %get3A_540 = arith.constant 0 : index
    %get3A_541 = tpu.vector_load %arg4[%get3A_539, %get3A_540] {strides = array<i32>} : memref<32x26xi32, #tpu.memory_space<vmem>>, vector<16xi32>,
    %get3A_542 = arith.constant 12 : i32
    %get3A_543 = arith.index_cast %get3A_542 : i32 to index
    %get3A_544 = arith.constant 10 : index
    %get3A_545 = tpu.vector_load %arg4[%get3A_543, %get3A_544] {strides = array<i32>} : memref<32x26xi32, #tpu.memory_space<vmem>>, vector<16xi32>,
    tpu.vector_store_idx %arg5[%iota3A, %get3A_541], %broadcast_in_dim3A_5 : memref<26x1000xi32, #tpu.memory_space<vmem>>[vector<16xi32>, vector<16xi32>], vector<16xi32>,
    %add3A_546 = arith.constant 10 : i32
    %add3A_547 = vector.broadcast %add3A_546 : i32 to vector<16xi32>
    %add3A_548 = arith.addi %iota3A, %add3A_547 : vector<16xi32>
    tpu.vector_store_idx %arg5[%add3A_548, %get3A_545], %broadcast_in_dim3A_5 : memref<26x1000xi32, #tpu.memory_space<vmem>>[vector<16xi32>, vector<16xi32>], vector<16xi32>,
    %get3A_549 = arith.constant 14 : i32
    %get3A_550 = arith.index_cast %get3A_549 : i32 to index
    %get3A_551 = arith.constant 0 : index
    %get3A_552 = tpu.vector_load %arg4[%get3A_550, %get3A_551] {strides = array<i32>} : memref<32x26xi32, #tpu.memory_space<vmem>>, vector<16xi32>,
    %get3A_553 = arith.constant 14 : i32
    %get3A_554 = arith.index_cast %get3A_553 : i32 to index
    %get3A_555 = arith.constant 10 : index
    %get3A_556 = tpu.vector_load %arg4[%get3A_554, %get3A_555] {strides = array<i32>} : memref<32x26xi32, #tpu.memory_space<vmem>>, vector<16xi32>,
    tpu.vector_store_idx %arg5[%iota3A, %get3A_552], %broadcast_in_dim3A_3 : memref<26x1000xi32, #tpu.memory_space<vmem>>[vector<16xi32>, vector<16xi32>], vector<16xi32>,
    %add3A_557 = arith.constant 10 : i32
    %add3A_558 = vector.broadcast %add3A_557 : i32 to vector<16xi32>
    %add3A_559 = arith.addi %iota3A, %add3A_558 : vector<16xi32>
    tpu.vector_store_idx %arg5[%add3A_559, %get3A_556], %broadcast_in_dim3A_3 : memref<26x1000xi32, #tpu.memory_space<vmem>>[vector<16xi32>, vector<16xi32>], vector<16xi32>,
    %add3A_560 = arith.constant 14 : i32
    %add3A_561 = arith.addi %mul3A_2, %add3A_560 : i32
    %dma_start3A_562 = arith.constant 0 : i32
    %dma_start3A_563 = arith.constant 0 : i32
    %dma_start3A_564 = tpu.memref_slice %arg3[%add3A_561, %dma_start3A_562, %dma_start3A_563] : memref<1024x26x1000xi32, #tpu.memory_space<hbm>> -> memref<1x26x1000xi32, #tpu.memory_space<hbm>>
    %dma_start3A_565 = tpu.memref_squeeze %dma_start3A_564 : memref<1x26x1000xi32, #tpu.memory_space<hbm>> -> memref<26x1000xi32, #tpu.memory_space<hbm>>
    %dma_start3A_566 = arith.constant 0 : i32
    %dma_start3A_567 = arith.constant 0 : i32
    %dma_start3A_568 = tpu.memref_slice %arg3[%add3A_561, %dma_start3A_566, %dma_start3A_567] : memref<1024x26x1000xi32, #tpu.memory_space<hbm>> -> memref<1x26x1000xi32, #tpu.memory_space<hbm>>
    %dma_start3A_569 = tpu.memref_squeeze %dma_start3A_568 : memref<1x26x1000xi32, #tpu.memory_space<hbm>> -> memref<26x1000xi32, #tpu.memory_space<hbm>>
    tpu.enqueue_dma source(%arg5 : memref<26x1000xi32, #tpu.memory_space<vmem>>) target(%dma_start3A_569 : memref<26x1000xi32, #tpu.memory_space<hbm>>) target_semaphore(%arg7 : memref<!tpu.dma_semaphore, #tpu.memory_space<semaphore_mem>>)
    %dma_wait3A_570 = arith.constant 0 : i32
    %dma_wait3A_571 = arith.constant 0 : i32
    %dma_wait3A_572 = tpu.memref_slice %arg3[%add3A_521, %dma_wait3A_570, %dma_wait3A_571] : memref<1024x26x1000xi32, #tpu.memory_space<hbm>> -> memref<1x26x1000xi32, #tpu.memory_space<hbm>>
    %dma_wait3A_573 = tpu.memref_squeeze %dma_wait3A_572 : memref<1x26x1000xi32, #tpu.memory_space<hbm>> -> memref<26x1000xi32, #tpu.memory_space<hbm>>
    %dma_wait3A_574 = arith.constant 0 : i32
    %dma_wait3A_575 = arith.constant 0 : i32
    %dma_wait3A_576 = tpu.memref_slice %arg3[%add3A_521, %dma_wait3A_574, %dma_wait3A_575] : memref<1024x26x1000xi32, #tpu.memory_space<hbm>> -> memref<1x26x1000xi32, #tpu.memory_space<hbm>>
    %dma_wait3A_577 = tpu.memref_squeeze %dma_wait3A_576 : memref<1x26x1000xi32, #tpu.memory_space<hbm>> -> memref<26x1000xi32, #tpu.memory_space<hbm>>
    tpu.wait_dma2 semaphore(%arg8 : memref<!tpu.dma_semaphore, #tpu.memory_space<semaphore_mem>>) src(%arg6 : memref<26x1000xi32, #tpu.memory_space<vmem>>) dst(%dma_wait3A_577 : memref<26x1000xi32, #tpu.memory_space<hbm>>)
    %get3A_578 = arith.constant 13 : i32
    %get3A_579 = arith.index_cast %get3A_578 : i32 to index
    %get3A_580 = arith.constant 0 : index
    %get3A_581 = tpu.vector_load %arg4[%get3A_579, %get3A_580] {strides = array<i32>} : memref<32x26xi32, #tpu.memory_space<vmem>>, vector<16xi32>,
    %get3A_582 = arith.constant 13 : i32
    %get3A_583 = arith.index_cast %get3A_582 : i32 to index
    %get3A_584 = arith.constant 10 : index
    %get3A_585 = tpu.vector_load %arg4[%get3A_583, %get3A_584] {strides = array<i32>} : memref<32x26xi32, #tpu.memory_space<vmem>>, vector<16xi32>,
    tpu.vector_store_idx %arg6[%iota3A, %get3A_581], %broadcast_in_dim3A_5 : memref<26x1000xi32, #tpu.memory_space<vmem>>[vector<16xi32>, vector<16xi32>], vector<16xi32>,
    %add3A_586 = arith.constant 10 : i32
    %add3A_587 = vector.broadcast %add3A_586 : i32 to vector<16xi32>
    %add3A_588 = arith.addi %iota3A, %add3A_587 : vector<16xi32>
    tpu.vector_store_idx %arg6[%add3A_588, %get3A_585], %broadcast_in_dim3A_5 : memref<26x1000xi32, #tpu.memory_space<vmem>>[vector<16xi32>, vector<16xi32>], vector<16xi32>,
    %get3A_589 = arith.constant 15 : i32
    %get3A_590 = arith.index_cast %get3A_589 : i32 to index
    %get3A_591 = arith.constant 0 : index
    %get3A_592 = tpu.vector_load %arg4[%get3A_590, %get3A_591] {strides = array<i32>} : memref<32x26xi32, #tpu.memory_space<vmem>>, vector<16xi32>,
    %get3A_593 = arith.constant 15 : i32
    %get3A_594 = arith.index_cast %get3A_593 : i32 to index
    %get3A_595 = arith.constant 10 : index
    %get3A_596 = tpu.vector_load %arg4[%get3A_594, %get3A_595] {strides = array<i32>} : memref<32x26xi32, #tpu.memory_space<vmem>>, vector<16xi32>,
    tpu.vector_store_idx %arg6[%iota3A, %get3A_592], %broadcast_in_dim3A_3 : memref<26x1000xi32, #tpu.memory_space<vmem>>[vector<16xi32>, vector<16xi32>], vector<16xi32>,
    %add3A_597 = arith.constant 10 : i32
    %add3A_598 = vector.broadcast %add3A_597 : i32 to vector<16xi32>
    %add3A_599 = arith.addi %iota3A, %add3A_598 : vector<16xi32>
    tpu.vector_store_idx %arg6[%add3A_599, %get3A_596], %broadcast_in_dim3A_3 : memref<26x1000xi32, #tpu.memory_space<vmem>>[vector<16xi32>, vector<16xi32>], vector<16xi32>,
    %add3A_600 = arith.constant 15 : i32
    %add3A_601 = arith.addi %mul3A_2, %add3A_600 : i32
    %dma_start3A_602 = arith.constant 0 : i32
    %dma_start3A_603 = arith.constant 0 : i32
    %dma_start3A_604 = tpu.memref_slice %arg3[%add3A_601, %dma_start3A_602, %dma_start3A_603] : memref<1024x26x1000xi32, #tpu.memory_space<hbm>> -> memref<1x26x1000xi32, #tpu.memory_space<hbm>>
    %dma_start3A_605 = tpu.memref_squeeze %dma_start3A_604 : memref<1x26x1000xi32, #tpu.memory_space<hbm>> -> memref<26x1000xi32, #tpu.memory_space<hbm>>
    %dma_start3A_606 = arith.constant 0 : i32
    %dma_start3A_607 = arith.constant 0 : i32
    %dma_start3A_608 = tpu.memref_slice %arg3[%add3A_601, %dma_start3A_606, %dma_start3A_607] : memref<1024x26x1000xi32, #tpu.memory_space<hbm>> -> memref<1x26x1000xi32, #tpu.memory_space<hbm>>
    %dma_start3A_609 = tpu.memref_squeeze %dma_start3A_608 : memref<1x26x1000xi32, #tpu.memory_space<hbm>> -> memref<26x1000xi32, #tpu.memory_space<hbm>>
    tpu.enqueue_dma source(%arg6 : memref<26x1000xi32, #tpu.memory_space<vmem>>) target(%dma_start3A_609 : memref<26x1000xi32, #tpu.memory_space<hbm>>) target_semaphore(%arg8 : memref<!tpu.dma_semaphore, #tpu.memory_space<semaphore_mem>>)
    %dma_wait3A_610 = arith.constant 0 : i32
    %dma_wait3A_611 = arith.constant 0 : i32
    %dma_wait3A_612 = tpu.memref_slice %arg3[%add3A_561, %dma_wait3A_610, %dma_wait3A_611] : memref<1024x26x1000xi32, #tpu.memory_space<hbm>> -> memref<1x26x1000xi32, #tpu.memory_space<hbm>>
    %dma_wait3A_613 = tpu.memref_squeeze %dma_wait3A_612 : memref<1x26x1000xi32, #tpu.memory_space<hbm>> -> memref<26x1000xi32, #tpu.memory_space<hbm>>
    %dma_wait3A_614 = arith.constant 0 : i32
    %dma_wait3A_615 = arith.constant 0 : i32
    %dma_wait3A_616 = tpu.memref_slice %arg3[%add3A_561, %dma_wait3A_614, %dma_wait3A_615] : memref<1024x26x1000xi32, #tpu.memory_space<hbm>> -> memref<1x26x1000xi32, #tpu.memory_space<hbm>>
    %dma_wait3A_617 = tpu.memref_squeeze %dma_wait3A_616 : memref<1x26x1000xi32, #tpu.memory_space<hbm>> -> memref<26x1000xi32, #tpu.memory_space<hbm>>
    tpu.wait_dma2 semaphore(%arg7 : memref<!tpu.dma_semaphore, #tpu.memory_space<semaphore_mem>>) src(%arg5 : memref<26x1000xi32, #tpu.memory_space<vmem>>) dst(%dma_wait3A_617 : memref<26x1000xi32, #tpu.memory_space<hbm>>)
    %get3A_618 = arith.constant 14 : i32
    %get3A_619 = arith.index_cast %get3A_618 : i32 to index
    %get3A_620 = arith.constant 0 : index
    %get3A_621 = tpu.vector_load %arg4[%get3A_619, %get3A_620] {strides = array<i32>} : memref<32x26xi32, #tpu.memory_space<vmem>>, vector<16xi32>,
    %get3A_622 = arith.constant 14 : i32
    %get3A_623 = arith.index_cast %get3A_622 : i32 to index
    %get3A_624 = arith.constant 10 : index
    %get3A_625 = tpu.vector_load %arg4[%get3A_623, %get3A_624] {strides = array<i32>} : memref<32x26xi32, #tpu.memory_space<vmem>>, vector<16xi32>,
    tpu.vector_store_idx %arg5[%iota3A, %get3A_621], %broadcast_in_dim3A_5 : memref<26x1000xi32, #tpu.memory_space<vmem>>[vector<16xi32>, vector<16xi32>], vector<16xi32>,
    %add3A_626 = arith.constant 10 : i32
    %add3A_627 = vector.broadcast %add3A_626 : i32 to vector<16xi32>
    %add3A_628 = arith.addi %iota3A, %add3A_627 : vector<16xi32>
    tpu.vector_store_idx %arg5[%add3A_628, %get3A_625], %broadcast_in_dim3A_5 : memref<26x1000xi32, #tpu.memory_space<vmem>>[vector<16xi32>, vector<16xi32>], vector<16xi32>,
    %get3A_629 = arith.constant 16 : i32
    %get3A_630 = arith.index_cast %get3A_629 : i32 to index
    %get3A_631 = arith.constant 0 : index
    %get3A_632 = tpu.vector_load %arg4[%get3A_630, %get3A_631] {strides = array<i32>} : memref<32x26xi32, #tpu.memory_space<vmem>>, vector<16xi32>,
    %get3A_633 = arith.constant 16 : i32
    %get3A_634 = arith.index_cast %get3A_633 : i32 to index
    %get3A_635 = arith.constant 10 : index
    %get3A_636 = tpu.vector_load %arg4[%get3A_634, %get3A_635] {strides = array<i32>} : memref<32x26xi32, #tpu.memory_space<vmem>>, vector<16xi32>,
    tpu.vector_store_idx %arg5[%iota3A, %get3A_632], %broadcast_in_dim3A_3 : memref<26x1000xi32, #tpu.memory_space<vmem>>[vector<16xi32>, vector<16xi32>], vector<16xi32>,
    %add3A_637 = arith.constant 10 : i32
    %add3A_638 = vector.broadcast %add3A_637 : i32 to vector<16xi32>
    %add3A_639 = arith.addi %iota3A, %add3A_638 : vector<16xi32>
    tpu.vector_store_idx %arg5[%add3A_639, %get3A_636], %broadcast_in_dim3A_3 : memref<26x1000xi32, #tpu.memory_space<vmem>>[vector<16xi32>, vector<16xi32>], vector<16xi32>,
    %add3A_640 = arith.constant 16 : i32
    %add3A_641 = arith.addi %mul3A_2, %add3A_640 : i32
    %dma_start3A_642 = arith.constant 0 : i32
    %dma_start3A_643 = arith.constant 0 : i32
    %dma_start3A_644 = tpu.memref_slice %arg3[%add3A_641, %dma_start3A_642, %dma_start3A_643] : memref<1024x26x1000xi32, #tpu.memory_space<hbm>> -> memref<1x26x1000xi32, #tpu.memory_space<hbm>>
    %dma_start3A_645 = tpu.memref_squeeze %dma_start3A_644 : memref<1x26x1000xi32, #tpu.memory_space<hbm>> -> memref<26x1000xi32, #tpu.memory_space<hbm>>
    %dma_start3A_646 = arith.constant 0 : i32
    %dma_start3A_647 = arith.constant 0 : i32
    %dma_start3A_648 = tpu.memref_slice %arg3[%add3A_641, %dma_start3A_646, %dma_start3A_647] : memref<1024x26x1000xi32, #tpu.memory_space<hbm>> -> memref<1x26x1000xi32, #tpu.memory_space<hbm>>
    %dma_start3A_649 = tpu.memref_squeeze %dma_start3A_648 : memref<1x26x1000xi32, #tpu.memory_space<hbm>> -> memref<26x1000xi32, #tpu.memory_space<hbm>>
    tpu.enqueue_dma source(%arg5 : memref<26x1000xi32, #tpu.memory_space<vmem>>) target(%dma_start3A_649 : memref<26x1000xi32, #tpu.memory_space<hbm>>) target_semaphore(%arg7 : memref<!tpu.dma_semaphore, #tpu.memory_space<semaphore_mem>>)
    %dma_wait3A_650 = arith.constant 0 : i32
    %dma_wait3A_651 = arith.constant 0 : i32
    %dma_wait3A_652 = tpu.memref_slice %arg3[%add3A_601, %dma_wait3A_650, %dma_wait3A_651] : memref<1024x26x1000xi32, #tpu.memory_space<hbm>> -> memref<1x26x1000xi32, #tpu.memory_space<hbm>>
    %dma_wait3A_653 = tpu.memref_squeeze %dma_wait3A_652 : memref<1x26x1000xi32, #tpu.memory_space<hbm>> -> memref<26x1000xi32, #tpu.memory_space<hbm>>
    %dma_wait3A_654 = arith.constant 0 : i32
    %dma_wait3A_655 = arith.constant 0 : i32
    %dma_wait3A_656 = tpu.memref_slice %arg3[%add3A_601, %dma_wait3A_654, %dma_wait3A_655] : memref<1024x26x1000xi32, #tpu.memory_space<hbm>> -> memref<1x26x1000xi32, #tpu.memory_space<hbm>>
    %dma_wait3A_657 = tpu.memref_squeeze %dma_wait3A_656 : memref<1x26x1000xi32, #tpu.memory_space<hbm>> -> memref<26x1000xi32, #tpu.memory_space<hbm>>
    tpu.wait_dma2 semaphore(%arg8 : memref<!tpu.dma_semaphore, #tpu.memory_space<semaphore_mem>>) src(%arg6 : memref<26x1000xi32, #tpu.memory_space<vmem>>) dst(%dma_wait3A_657 : memref<26x1000xi32, #tpu.memory_space<hbm>>)
    %get3A_658 = arith.constant 15 : i32
    %get3A_659 = arith.index_cast %get3A_658 : i32 to index
    %get3A_660 = arith.constant 0 : index
    %get3A_661 = tpu.vector_load %arg4[%get3A_659, %get3A_660] {strides = array<i32>} : memref<32x26xi32, #tpu.memory_space<vmem>>, vector<16xi32>,
    %get3A_662 = arith.constant 15 : i32
    %get3A_663 = arith.index_cast %get3A_662 : i32 to index
    %get3A_664 = arith.constant 10 : index
    %get3A_665 = tpu.vector_load %arg4[%get3A_663, %get3A_664] {strides = array<i32>} : memref<32x26xi32, #tpu.memory_space<vmem>>, vector<16xi32>,
    tpu.vector_store_idx %arg6[%iota3A, %get3A_661], %broadcast_in_dim3A_5 : memref<26x1000xi32, #tpu.memory_space<vmem>>[vector<16xi32>, vector<16xi32>], vector<16xi32>,
    %add3A_666 = arith.constant 10 : i32
    %add3A_667 = vector.broadcast %add3A_666 : i32 to vector<16xi32>
    %add3A_668 = arith.addi %iota3A, %add3A_667 : vector<16xi32>
    tpu.vector_store_idx %arg6[%add3A_668, %get3A_665], %broadcast_in_dim3A_5 : memref<26x1000xi32, #tpu.memory_space<vmem>>[vector<16xi32>, vector<16xi32>], vector<16xi32>,
    %get3A_669 = arith.constant 17 : i32
    %get3A_670 = arith.index_cast %get3A_669 : i32 to index
    %get3A_671 = arith.constant 0 : index
    %get3A_672 = tpu.vector_load %arg4[%get3A_670, %get3A_671] {strides = array<i32>} : memref<32x26xi32, #tpu.memory_space<vmem>>, vector<16xi32>,
    %get3A_673 = arith.constant 17 : i32
    %get3A_674 = arith.index_cast %get3A_673 : i32 to index
    %get3A_675 = arith.constant 10 : index
    %get3A_676 = tpu.vector_load %arg4[%get3A_674, %get3A_675] {strides = array<i32>} : memref<32x26xi32, #tpu.memory_space<vmem>>, vector<16xi32>,
    tpu.vector_store_idx %arg6[%iota3A, %get3A_672], %broadcast_in_dim3A_3 : memref<26x1000xi32, #tpu.memory_space<vmem>>[vector<16xi32>, vector<16xi32>], vector<16xi32>,
    %add3A_677 = arith.constant 10 : i32
    %add3A_678 = vector.broadcast %add3A_677 : i32 to vector<16xi32>
    %add3A_679 = arith.addi %iota3A, %add3A_678 : vector<16xi32>
    tpu.vector_store_idx %arg6[%add3A_679, %get3A_676], %broadcast_in_dim3A_3 : memref<26x1000xi32, #tpu.memory_space<vmem>>[vector<16xi32>, vector<16xi32>], vector<16xi32>,
    %add3A_680 = arith.constant 17 : i32
    %add3A_681 = arith.addi %mul3A_2, %add3A_680 : i32
    %dma_start3A_682 = arith.constant 0 : i32
    %dma_start3A_683 = arith.constant 0 : i32
    %dma_start3A_684 = tpu.memref_slice %arg3[%add3A_681, %dma_start3A_682, %dma_start3A_683] : memref<1024x26x1000xi32, #tpu.memory_space<hbm>> -> memref<1x26x1000xi32, #tpu.memory_space<hbm>>
    %dma_start3A_685 = tpu.memref_squeeze %dma_start3A_684 : memref<1x26x1000xi32, #tpu.memory_space<hbm>> -> memref<26x1000xi32, #tpu.memory_space<hbm>>
    %dma_start3A_686 = arith.constant 0 : i32
    %dma_start3A_687 = arith.constant 0 : i32
    %dma_start3A_688 = tpu.memref_slice %arg3[%add3A_681, %dma_start3A_686, %dma_start3A_687] : memref<1024x26x1000xi32, #tpu.memory_space<hbm>> -> memref<1x26x1000xi32, #tpu.memory_space<hbm>>
    %dma_start3A_689 = tpu.memref_squeeze %dma_start3A_688 : memref<1x26x1000xi32, #tpu.memory_space<hbm>> -> memref<26x1000xi32, #tpu.memory_space<hbm>>
    tpu.enqueue_dma source(%arg6 : memref<26x1000xi32, #tpu.memory_space<vmem>>) target(%dma_start3A_689 : memref<26x1000xi32, #tpu.memory_space<hbm>>) target_semaphore(%arg8 : memref<!tpu.dma_semaphore, #tpu.memory_space<semaphore_mem>>)
    %dma_wait3A_690 = arith.constant 0 : i32
    %dma_wait3A_691 = arith.constant 0 : i32
    %dma_wait3A_692 = tpu.memref_slice %arg3[%add3A_641, %dma_wait3A_690, %dma_wait3A_691] : memref<1024x26x1000xi32, #tpu.memory_space<hbm>> -> memref<1x26x1000xi32, #tpu.memory_space<hbm>>
    %dma_wait3A_693 = tpu.memref_squeeze %dma_wait3A_692 : memref<1x26x1000xi32, #tpu.memory_space<hbm>> -> memref<26x1000xi32, #tpu.memory_space<hbm>>
    %dma_wait3A_694 = arith.constant 0 : i32
    %dma_wait3A_695 = arith.constant 0 : i32
    %dma_wait3A_696 = tpu.memref_slice %arg3[%add3A_641, %dma_wait3A_694, %dma_wait3A_695] : memref<1024x26x1000xi32, #tpu.memory_space<hbm>> -> memref<1x26x1000xi32, #tpu.memory_space<hbm>>
    %dma_wait3A_697 = tpu.memref_squeeze %dma_wait3A_696 : memref<1x26x1000xi32, #tpu.memory_space<hbm>> -> memref<26x1000xi32, #tpu.memory_space<hbm>>
    tpu.wait_dma2 semaphore(%arg7 : memref<!tpu.dma_semaphore, #tpu.memory_space<semaphore_mem>>) src(%arg5 : memref<26x1000xi32, #tpu.memory_space<vmem>>) dst(%dma_wait3A_697 : memref<26x1000xi32, #tpu.memory_space<hbm>>)
    %get3A_698 = arith.constant 16 : i32
    %get3A_699 = arith.index_cast %get3A_698 : i32 to index
    %get3A_700 = arith.constant 0 : index
    %get3A_701 = tpu.vector_load %arg4[%get3A_699, %get3A_700] {strides = array<i32>} : memref<32x26xi32, #tpu.memory_space<vmem>>, vector<16xi32>,
    %get3A_702 = arith.constant 16 : i32
    %get3A_703 = arith.index_cast %get3A_702 : i32 to index
    %get3A_704 = arith.constant 10 : index
    %get3A_705 = tpu.vector_load %arg4[%get3A_703, %get3A_704] {strides = array<i32>} : memref<32x26xi32, #tpu.memory_space<vmem>>, vector<16xi32>,
    tpu.vector_store_idx %arg5[%iota3A, %get3A_701], %broadcast_in_dim3A_5 : memref<26x1000xi32, #tpu.memory_space<vmem>>[vector<16xi32>, vector<16xi32>], vector<16xi32>,
    %add3A_706 = arith.constant 10 : i32
    %add3A_707 = vector.broadcast %add3A_706 : i32 to vector<16xi32>
    %add3A_708 = arith.addi %iota3A, %add3A_707 : vector<16xi32>
    tpu.vector_store_idx %arg5[%add3A_708, %get3A_705], %broadcast_in_dim3A_5 : memref<26x1000xi32, #tpu.memory_space<vmem>>[vector<16xi32>, vector<16xi32>], vector<16xi32>,
    %get3A_709 = arith.constant 18 : i32
    %get3A_710 = arith.index_cast %get3A_709 : i32 to index
    %get3A_711 = arith.constant 0 : index
    %get3A_712 = tpu.vector_load %arg4[%get3A_710, %get3A_711] {strides = array<i32>} : memref<32x26xi32, #tpu.memory_space<vmem>>, vector<16xi32>,
    %get3A_713 = arith.constant 18 : i32
    %get3A_714 = arith.index_cast %get3A_713 : i32 to index
    %get3A_715 = arith.constant 10 : index
    %get3A_716 = tpu.vector_load %arg4[%get3A_714, %get3A_715] {strides = array<i32>} : memref<32x26xi32, #tpu.memory_space<vmem>>, vector<16xi32>,
    tpu.vector_store_idx %arg5[%iota3A, %get3A_712], %broadcast_in_dim3A_3 : memref<26x1000xi32, #tpu.memory_space<vmem>>[vector<16xi32>, vector<16xi32>], vector<16xi32>,
    %add3A_717 = arith.constant 10 : i32
    %add3A_718 = vector.broadcast %add3A_717 : i32 to vector<16xi32>
    %add3A_719 = arith.addi %iota3A, %add3A_718 : vector<16xi32>
    tpu.vector_store_idx %arg5[%add3A_719, %get3A_716], %broadcast_in_dim3A_3 : memref<26x1000xi32, #tpu.memory_space<vmem>>[vector<16xi32>, vector<16xi32>], vector<16xi32>,
    %add3A_720 = arith.constant 18 : i32
    %add3A_721 = arith.addi %mul3A_2, %add3A_720 : i32
    %dma_start3A_722 = arith.constant 0 : i32
    %dma_start3A_723 = arith.constant 0 : i32
    %dma_start3A_724 = tpu.memref_slice %arg3[%add3A_721, %dma_start3A_722, %dma_start3A_723] : memref<1024x26x1000xi32, #tpu.memory_space<hbm>> -> memref<1x26x1000xi32, #tpu.memory_space<hbm>>
    %dma_start3A_725 = tpu.memref_squeeze %dma_start3A_724 : memref<1x26x1000xi32, #tpu.memory_space<hbm>> -> memref<26x1000xi32, #tpu.memory_space<hbm>>
    %dma_start3A_726 = arith.constant 0 : i32
    %dma_start3A_727 = arith.constant 0 : i32
    %dma_start3A_728 = tpu.memref_slice %arg3[%add3A_721, %dma_start3A_726, %dma_start3A_727] : memref<1024x26x1000xi32, #tpu.memory_space<hbm>> -> memref<1x26x1000xi32, #tpu.memory_space<hbm>>
    %dma_start3A_729 = tpu.memref_squeeze %dma_start3A_728 : memref<1x26x1000xi32, #tpu.memory_space<hbm>> -> memref<26x1000xi32, #tpu.memory_space<hbm>>
    tpu.enqueue_dma source(%arg5 : memref<26x1000xi32, #tpu.memory_space<vmem>>) target(%dma_start3A_729 : memref<26x1000xi32, #tpu.memory_space<hbm>>) target_semaphore(%arg7 : memref<!tpu.dma_semaphore, #tpu.memory_space<semaphore_mem>>)
    %dma_wait3A_730 = arith.constant 0 : i32
    %dma_wait3A_731 = arith.constant 0 : i32
    %dma_wait3A_732 = tpu.memref_slice %arg3[%add3A_681, %dma_wait3A_730, %dma_wait3A_731] : memref<1024x26x1000xi32, #tpu.memory_space<hbm>> -> memref<1x26x1000xi32, #tpu.memory_space<hbm>>
    %dma_wait3A_733 = tpu.memref_squeeze %dma_wait3A_732 : memref<1x26x1000xi32, #tpu.memory_space<hbm>> -> memref<26x1000xi32, #tpu.memory_space<hbm>>
    %dma_wait3A_734 = arith.constant 0 : i32
    %dma_wait3A_735 = arith.constant 0 : i32
    %dma_wait3A_736 = tpu.memref_slice %arg3[%add3A_681, %dma_wait3A_734, %dma_wait3A_735] : memref<1024x26x1000xi32, #tpu.memory_space<hbm>> -> memref<1x26x1000xi32, #tpu.memory_space<hbm>>
    %dma_wait3A_737 = tpu.memref_squeeze %dma_wait3A_736 : memref<1x26x1000xi32, #tpu.memory_space<hbm>> -> memref<26x1000xi32, #tpu.memory_space<hbm>>
    tpu.wait_dma2 semaphore(%arg8 : memref<!tpu.dma_semaphore, #tpu.memory_space<semaphore_mem>>) src(%arg6 : memref<26x1000xi32, #tpu.memory_space<vmem>>) dst(%dma_wait3A_737 : memref<26x1000xi32, #tpu.memory_space<hbm>>)
    %get3A_738 = arith.constant 17 : i32
    %get3A_739 = arith.index_cast %get3A_738 : i32 to index
    %get3A_740 = arith.constant 0 : index
    %get3A_741 = tpu.vector_load %arg4[%get3A_739, %get3A_740] {strides = array<i32>} : memref<32x26xi32, #tpu.memory_space<vmem>>, vector<16xi32>,
    %get3A_742 = arith.constant 17 : i32
    %get3A_743 = arith.index_cast %get3A_742 : i32 to index
    %get3A_744 = arith.constant 10 : index
    %get3A_745 = tpu.vector_load %arg4[%get3A_743, %get3A_744] {strides = array<i32>} : memref<32x26xi32, #tpu.memory_space<vmem>>, vector<16xi32>,
    tpu.vector_store_idx %arg6[%iota3A, %get3A_741], %broadcast_in_dim3A_5 : memref<26x1000xi32, #tpu.memory_space<vmem>>[vector<16xi32>, vector<16xi32>], vector<16xi32>,
    %add3A_746 = arith.constant 10 : i32
    %add3A_747 = vector.broadcast %add3A_746 : i32 to vector<16xi32>
    %add3A_748 = arith.addi %iota3A, %add3A_747 : vector<16xi32>
    tpu.vector_store_idx %arg6[%add3A_748, %get3A_745], %broadcast_in_dim3A_5 : memref<26x1000xi32, #tpu.memory_space<vmem>>[vector<16xi32>, vector<16xi32>], vector<16xi32>,
    %get3A_749 = arith.constant 19 : i32
    %get3A_750 = arith.index_cast %get3A_749 : i32 to index
    %get3A_751 = arith.constant 0 : index
    %get3A_752 = tpu.vector_load %arg4[%get3A_750, %get3A_751] {strides = array<i32>} : memref<32x26xi32, #tpu.memory_space<vmem>>, vector<16xi32>,
    %get3A_753 = arith.constant 19 : i32
    %get3A_754 = arith.index_cast %get3A_753 : i32 to index
    %get3A_755 = arith.constant 10 : index
    %get3A_756 = tpu.vector_load %arg4[%get3A_754, %get3A_755] {strides = array<i32>} : memref<32x26xi32, #tpu.memory_space<vmem>>, vector<16xi32>,
    tpu.vector_store_idx %arg6[%iota3A, %get3A_752], %broadcast_in_dim3A_3 : memref<26x1000xi32, #tpu.memory_space<vmem>>[vector<16xi32>, vector<16xi32>], vector<16xi32>,
    %add3A_757 = arith.constant 10 : i32
    %add3A_758 = vector.broadcast %add3A_757 : i32 to vector<16xi32>
    %add3A_759 = arith.addi %iota3A, %add3A_758 : vector<16xi32>
    tpu.vector_store_idx %arg6[%add3A_759, %get3A_756], %broadcast_in_dim3A_3 : memref<26x1000xi32, #tpu.memory_space<vmem>>[vector<16xi32>, vector<16xi32>], vector<16xi32>,
    %add3A_760 = arith.constant 19 : i32
    %add3A_761 = arith.addi %mul3A_2, %add3A_760 : i32
    %dma_start3A_762 = arith.constant 0 : i32
    %dma_start3A_763 = arith.constant 0 : i32
    %dma_start3A_764 = tpu.memref_slice %arg3[%add3A_761, %dma_start3A_762, %dma_start3A_763] : memref<1024x26x1000xi32, #tpu.memory_space<hbm>> -> memref<1x26x1000xi32, #tpu.memory_space<hbm>>
    %dma_start3A_765 = tpu.memref_squeeze %dma_start3A_764 : memref<1x26x1000xi32, #tpu.memory_space<hbm>> -> memref<26x1000xi32, #tpu.memory_space<hbm>>
    %dma_start3A_766 = arith.constant 0 : i32
    %dma_start3A_767 = arith.constant 0 : i32
    %dma_start3A_768 = tpu.memref_slice %arg3[%add3A_761, %dma_start3A_766, %dma_start3A_767] : memref<1024x26x1000xi32, #tpu.memory_space<hbm>> -> memref<1x26x1000xi32, #tpu.memory_space<hbm>>
    %dma_start3A_769 = tpu.memref_squeeze %dma_start3A_768 : memref<1x26x1000xi32, #tpu.memory_space<hbm>> -> memref<26x1000xi32, #tpu.memory_space<hbm>>
    tpu.enqueue_dma source(%arg6 : memref<26x1000xi32, #tpu.memory_space<vmem>>) target(%dma_start3A_769 : memref<26x1000xi32, #tpu.memory_space<hbm>>) target_semaphore(%arg8 : memref<!tpu.dma_semaphore, #tpu.memory_space<semaphore_mem>>)
    %dma_wait3A_770 = arith.constant 0 : i32
    %dma_wait3A_771 = arith.constant 0 : i32
    %dma_wait3A_772 = tpu.memref_slice %arg3[%add3A_721, %dma_wait3A_770, %dma_wait3A_771] : memref<1024x26x1000xi32, #tpu.memory_space<hbm>> -> memref<1x26x1000xi32, #tpu.memory_space<hbm>>
    %dma_wait3A_773 = tpu.memref_squeeze %dma_wait3A_772 : memref<1x26x1000xi32, #tpu.memory_space<hbm>> -> memref<26x1000xi32, #tpu.memory_space<hbm>>
    %dma_wait3A_774 = arith.constant 0 : i32
    %dma_wait3A_775 = arith.constant 0 : i32
    %dma_wait3A_776 = tpu.memref_slice %arg3[%add3A_721, %dma_wait3A_774, %dma_wait3A_775] : memref<1024x26x1000xi32, #tpu.memory_space<hbm>> -> memref<1x26x1000xi32, #tpu.memory_space<hbm>>
    %dma_wait3A_777 = tpu.memref_squeeze %dma_wait3A_776 : memref<1x26x1000xi32, #tpu.memory_space<hbm>> -> memref<26x1000xi32, #tpu.memory_space<hbm>>
    tpu.wait_dma2 semaphore(%arg7 : memref<!tpu.dma_semaphore, #tpu.memory_space<semaphore_mem>>) src(%arg5 : memref<26x1000xi32, #tpu.memory_space<vmem>>) dst(%dma_wait3A_777 : memref<26x1000xi32, #tpu.memory_space<hbm>>)
    %get3A_778 = arith.constant 18 : i32
    %get3A_779 = arith.index_cast %get3A_778 : i32 to index
    %get3A_780 = arith.constant 0 : index
    %get3A_781 = tpu.vector_load %arg4[%get3A_779, %get3A_780] {strides = array<i32>} : memref<32x26xi32, #tpu.memory_space<vmem>>, vector<16xi32>,
    %get3A_782 = arith.constant 18 : i32
    %get3A_783 = arith.index_cast %get3A_782 : i32 to index
    %get3A_784 = arith.constant 10 : index
    %get3A_785 = tpu.vector_load %arg4[%get3A_783, %get3A_784] {strides = array<i32>} : memref<32x26xi32, #tpu.memory_space<vmem>>, vector<16xi32>,
    tpu.vector_store_idx %arg5[%iota3A, %get3A_781], %broadcast_in_dim3A_5 : memref<26x1000xi32, #tpu.memory_space<vmem>>[vector<16xi32>, vector<16xi32>], vector<16xi32>,
    %add3A_786 = arith.constant 10 : i32
    %add3A_787 = vector.broadcast %add3A_786 : i32 to vector<16xi32>
    %add3A_788 = arith.addi %iota3A, %add3A_787 : vector<16xi32>
    tpu.vector_store_idx %arg5[%add3A_788, %get3A_785], %broadcast_in_dim3A_5 : memref<26x1000xi32, #tpu.memory_space<vmem>>[vector<16xi32>, vector<16xi32>], vector<16xi32>,
    %get3A_789 = arith.constant 20 : i32
    %get3A_790 = arith.index_cast %get3A_789 : i32 to index
    %get3A_791 = arith.constant 0 : index
    %get3A_792 = tpu.vector_load %arg4[%get3A_790, %get3A_791] {strides = array<i32>} : memref<32x26xi32, #tpu.memory_space<vmem>>, vector<16xi32>,
    %get3A_793 = arith.constant 20 : i32
    %get3A_794 = arith.index_cast %get3A_793 : i32 to index
    %get3A_795 = arith.constant 10 : index
    %get3A_796 = tpu.vector_load %arg4[%get3A_794, %get3A_795] {strides = array<i32>} : memref<32x26xi32, #tpu.memory_space<vmem>>, vector<16xi32>,
    tpu.vector_store_idx %arg5[%iota3A, %get3A_792], %broadcast_in_dim3A_3 : memref<26x1000xi32, #tpu.memory_space<vmem>>[vector<16xi32>, vector<16xi32>], vector<16xi32>,
    %add3A_797 = arith.constant 10 : i32
    %add3A_798 = vector.broadcast %add3A_797 : i32 to vector<16xi32>
    %add3A_799 = arith.addi %iota3A, %add3A_798 : vector<16xi32>
    tpu.vector_store_idx %arg5[%add3A_799, %get3A_796], %broadcast_in_dim3A_3 : memref<26x1000xi32, #tpu.memory_space<vmem>>[vector<16xi32>, vector<16xi32>], vector<16xi32>,
    %add3A_800 = arith.constant 20 : i32
    %add3A_801 = arith.addi %mul3A_2, %add3A_800 : i32
    %dma_start3A_802 = arith.constant 0 : i32
    %dma_start3A_803 = arith.constant 0 : i32
    %dma_start3A_804 = tpu.memref_slice %arg3[%add3A_801, %dma_start3A_802, %dma_start3A_803] : memref<1024x26x1000xi32, #tpu.memory_space<hbm>> -> memref<1x26x1000xi32, #tpu.memory_space<hbm>>
    %dma_start3A_805 = tpu.memref_squeeze %dma_start3A_804 : memref<1x26x1000xi32, #tpu.memory_space<hbm>> -> memref<26x1000xi32, #tpu.memory_space<hbm>>
    %dma_start3A_806 = arith.constant 0 : i32
    %dma_start3A_807 = arith.constant 0 : i32
    %dma_start3A_808 = tpu.memref_slice %arg3[%add3A_801, %dma_start3A_806, %dma_start3A_807] : memref<1024x26x1000xi32, #tpu.memory_space<hbm>> -> memref<1x26x1000xi32, #tpu.memory_space<hbm>>
    %dma_start3A_809 = tpu.memref_squeeze %dma_start3A_808 : memref<1x26x1000xi32, #tpu.memory_space<hbm>> -> memref<26x1000xi32, #tpu.memory_space<hbm>>
    tpu.enqueue_dma source(%arg5 : memref<26x1000xi32, #tpu.memory_space<vmem>>) target(%dma_start3A_809 : memref<26x1000xi32, #tpu.memory_space<hbm>>) target_semaphore(%arg7 : memref<!tpu.dma_semaphore, #tpu.memory_space<semaphore_mem>>)
    %dma_wait3A_810 = arith.constant 0 : i32
    %dma_wait3A_811 = arith.constant 0 : i32
    %dma_wait3A_812 = tpu.memref_slice %arg3[%add3A_761, %dma_wait3A_810, %dma_wait3A_811] : memref<1024x26x1000xi32, #tpu.memory_space<hbm>> -> memref<1x26x1000xi32, #tpu.memory_space<hbm>>
    %dma_wait3A_813 = tpu.memref_squeeze %dma_wait3A_812 : memref<1x26x1000xi32, #tpu.memory_space<hbm>> -> memref<26x1000xi32, #tpu.memory_space<hbm>>
    %dma_wait3A_814 = arith.constant 0 : i32
    %dma_wait3A_815 = arith.constant 0 : i32
    %dma_wait3A_816 = tpu.memref_slice %arg3[%add3A_761, %dma_wait3A_814, %dma_wait3A_815] : memref<1024x26x1000xi32, #tpu.memory_space<hbm>> -> memref<1x26x1000xi32, #tpu.memory_space<hbm>>
    %dma_wait3A_817 = tpu.memref_squeeze %dma_wait3A_816 : memref<1x26x1000xi32, #tpu.memory_space<hbm>> -> memref<26x1000xi32, #tpu.memory_space<hbm>>
    tpu.wait_dma2 semaphore(%arg8 : memref<!tpu.dma_semaphore, #tpu.memory_space<semaphore_mem>>) src(%arg6 : memref<26x1000xi32, #tpu.memory_space<vmem>>) dst(%dma_wait3A_817 : memref<26x1000xi32, #tpu.memory_space<hbm>>)
    %get3A_818 = arith.constant 19 : i32
    %get3A_819 = arith.index_cast %get3A_818 : i32 to index
    %get3A_820 = arith.constant 0 : index
    %get3A_821 = tpu.vector_load %arg4[%get3A_819, %get3A_820] {strides = array<i32>} : memref<32x26xi32, #tpu.memory_space<vmem>>, vector<16xi32>,
    %get3A_822 = arith.constant 19 : i32
    %get3A_823 = arith.index_cast %get3A_822 : i32 to index
    %get3A_824 = arith.constant 10 : index
    %get3A_825 = tpu.vector_load %arg4[%get3A_823, %get3A_824] {strides = array<i32>} : memref<32x26xi32, #tpu.memory_space<vmem>>, vector<16xi32>,
    tpu.vector_store_idx %arg6[%iota3A, %get3A_821], %broadcast_in_dim3A_5 : memref<26x1000xi32, #tpu.memory_space<vmem>>[vector<16xi32>, vector<16xi32>], vector<16xi32>,
    %add3A_826 = arith.constant 10 : i32
    %add3A_827 = vector.broadcast %add3A_826 : i32 to vector<16xi32>
    %add3A_828 = arith.addi %iota3A, %add3A_827 : vector<16xi32>
    tpu.vector_store_idx %arg6[%add3A_828, %get3A_825], %broadcast_in_dim3A_5 : memref<26x1000xi32, #tpu.memory_space<vmem>>[vector<16xi32>, vector<16xi32>], vector<16xi32>,
    %get3A_829 = arith.constant 21 : i32
    %get3A_830 = arith.index_cast %get3A_829 : i32 to index
    %get3A_831 = arith.constant 0 : index
    %get3A_832 = tpu.vector_load %arg4[%get3A_830, %get3A_831] {strides = array<i32>} : memref<32x26xi32, #tpu.memory_space<vmem>>, vector<16xi32>,
    %get3A_833 = arith.constant 21 : i32
    %get3A_834 = arith.index_cast %get3A_833 : i32 to index
    %get3A_835 = arith.constant 10 : index
    %get3A_836 = tpu.vector_load %arg4[%get3A_834, %get3A_835] {strides = array<i32>} : memref<32x26xi32, #tpu.memory_space<vmem>>, vector<16xi32>,
    tpu.vector_store_idx %arg6[%iota3A, %get3A_832], %broadcast_in_dim3A_3 : memref<26x1000xi32, #tpu.memory_space<vmem>>[vector<16xi32>, vector<16xi32>], vector<16xi32>,
    %add3A_837 = arith.constant 10 : i32
    %add3A_838 = vector.broadcast %add3A_837 : i32 to vector<16xi32>
    %add3A_839 = arith.addi %iota3A, %add3A_838 : vector<16xi32>
    tpu.vector_store_idx %arg6[%add3A_839, %get3A_836], %broadcast_in_dim3A_3 : memref<26x1000xi32, #tpu.memory_space<vmem>>[vector<16xi32>, vector<16xi32>], vector<16xi32>,
    %add3A_840 = arith.constant 21 : i32
    %add3A_841 = arith.addi %mul3A_2, %add3A_840 : i32
    %dma_start3A_842 = arith.constant 0 : i32
    %dma_start3A_843 = arith.constant 0 : i32
    %dma_start3A_844 = tpu.memref_slice %arg3[%add3A_841, %dma_start3A_842, %dma_start3A_843] : memref<1024x26x1000xi32, #tpu.memory_space<hbm>> -> memref<1x26x1000xi32, #tpu.memory_space<hbm>>
    %dma_start3A_845 = tpu.memref_squeeze %dma_start3A_844 : memref<1x26x1000xi32, #tpu.memory_space<hbm>> -> memref<26x1000xi32, #tpu.memory_space<hbm>>
    %dma_start3A_846 = arith.constant 0 : i32
    %dma_start3A_847 = arith.constant 0 : i32
    %dma_start3A_848 = tpu.memref_slice %arg3[%add3A_841, %dma_start3A_846, %dma_start3A_847] : memref<1024x26x1000xi32, #tpu.memory_space<hbm>> -> memref<1x26x1000xi32, #tpu.memory_space<hbm>>
    %dma_start3A_849 = tpu.memref_squeeze %dma_start3A_848 : memref<1x26x1000xi32, #tpu.memory_space<hbm>> -> memref<26x1000xi32, #tpu.memory_space<hbm>>
    tpu.enqueue_dma source(%arg6 : memref<26x1000xi32, #tpu.memory_space<vmem>>) target(%dma_start3A_849 : memref<26x1000xi32, #tpu.memory_space<hbm>>) target_semaphore(%arg8 : memref<!tpu.dma_semaphore, #tpu.memory_space<semaphore_mem>>)
    %dma_wait3A_850 = arith.constant 0 : i32
    %dma_wait3A_851 = arith.constant 0 : i32
    %dma_wait3A_852 = tpu.memref_slice %arg3[%add3A_801, %dma_wait3A_850, %dma_wait3A_851] : memref<1024x26x1000xi32, #tpu.memory_space<hbm>> -> memref<1x26x1000xi32, #tpu.memory_space<hbm>>
    %dma_wait3A_853 = tpu.memref_squeeze %dma_wait3A_852 : memref<1x26x1000xi32, #tpu.memory_space<hbm>> -> memref<26x1000xi32, #tpu.memory_space<hbm>>
    %dma_wait3A_854 = arith.constant 0 : i32
    %dma_wait3A_855 = arith.constant 0 : i32
    %dma_wait3A_856 = tpu.memref_slice %arg3[%add3A_801, %dma_wait3A_854, %dma_wait3A_855] : memref<1024x26x1000xi32, #tpu.memory_space<hbm>> -> memref<1x26x1000xi32, #tpu.memory_space<hbm>>
    %dma_wait3A_857 = tpu.memref_squeeze %dma_wait3A_856 : memref<1x26x1000xi32, #tpu.memory_space<hbm>> -> memref<26x1000xi32, #tpu.memory_space<hbm>>
    tpu.wait_dma2 semaphore(%arg7 : memref<!tpu.dma_semaphore, #tpu.memory_space<semaphore_mem>>) src(%arg5 : memref<26x1000xi32, #tpu.memory_space<vmem>>) dst(%dma_wait3A_857 : memref<26x1000xi32, #tpu.memory_space<hbm>>)
    %get3A_858 = arith.constant 20 : i32
    %get3A_859 = arith.index_cast %get3A_858 : i32 to index
    %get3A_860 = arith.constant 0 : index
    %get3A_861 = tpu.vector_load %arg4[%get3A_859, %get3A_860] {strides = array<i32>} : memref<32x26xi32, #tpu.memory_space<vmem>>, vector<16xi32>,
    %get3A_862 = arith.constant 20 : i32
    %get3A_863 = arith.index_cast %get3A_862 : i32 to index
    %get3A_864 = arith.constant 10 : index
    %get3A_865 = tpu.vector_load %arg4[%get3A_863, %get3A_864] {strides = array<i32>} : memref<32x26xi32, #tpu.memory_space<vmem>>, vector<16xi32>,
    tpu.vector_store_idx %arg5[%iota3A, %get3A_861], %broadcast_in_dim3A_5 : memref<26x1000xi32, #tpu.memory_space<vmem>>[vector<16xi32>, vector<16xi32>], vector<16xi32>,
    %add3A_866 = arith.constant 10 : i32
    %add3A_867 = vector.broadcast %add3A_866 : i32 to vector<16xi32>
    %add3A_868 = arith.addi %iota3A, %add3A_867 : vector<16xi32>
    tpu.vector_store_idx %arg5[%add3A_868, %get3A_865], %broadcast_in_dim3A_5 : memref<26x1000xi32, #tpu.memory_space<vmem>>[vector<16xi32>, vector<16xi32>], vector<16xi32>,
    %get3A_869 = arith.constant 22 : i32
    %get3A_870 = arith.index_cast %get3A_869 : i32 to index
    %get3A_871 = arith.constant 0 : index
    %get3A_872 = tpu.vector_load %arg4[%get3A_870, %get3A_871] {strides = array<i32>} : memref<32x26xi32, #tpu.memory_space<vmem>>, vector<16xi32>,
    %get3A_873 = arith.constant 22 : i32
    %get3A_874 = arith.index_cast %get3A_873 : i32 to index
    %get3A_875 = arith.constant 10 : index
    %get3A_876 = tpu.vector_load %arg4[%get3A_874, %get3A_875] {strides = array<i32>} : memref<32x26xi32, #tpu.memory_space<vmem>>, vector<16xi32>,
    tpu.vector_store_idx %arg5[%iota3A, %get3A_872], %broadcast_in_dim3A_3 : memref<26x1000xi32, #tpu.memory_space<vmem>>[vector<16xi32>, vector<16xi32>], vector<16xi32>,
    %add3A_877 = arith.constant 10 : i32
    %add3A_878 = vector.broadcast %add3A_877 : i32 to vector<16xi32>
    %add3A_879 = arith.addi %iota3A, %add3A_878 : vector<16xi32>
    tpu.vector_store_idx %arg5[%add3A_879, %get3A_876], %broadcast_in_dim3A_3 : memref<26x1000xi32, #tpu.memory_space<vmem>>[vector<16xi32>, vector<16xi32>], vector<16xi32>,
    %add3A_880 = arith.constant 22 : i32
    %add3A_881 = arith.addi %mul3A_2, %add3A_880 : i32
    %dma_start3A_882 = arith.constant 0 : i32
    %dma_start3A_883 = arith.constant 0 : i32
    %dma_start3A_884 = tpu.memref_slice %arg3[%add3A_881, %dma_start3A_882, %dma_start3A_883] : memref<1024x26x1000xi32, #tpu.memory_space<hbm>> -> memref<1x26x1000xi32, #tpu.memory_space<hbm>>
    %dma_start3A_885 = tpu.memref_squeeze %dma_start3A_884 : memref<1x26x1000xi32, #tpu.memory_space<hbm>> -> memref<26x1000xi32, #tpu.memory_space<hbm>>
    %dma_start3A_886 = arith.constant 0 : i32
    %dma_start3A_887 = arith.constant 0 : i32
    %dma_start3A_888 = tpu.memref_slice %arg3[%add3A_881, %dma_start3A_886, %dma_start3A_887] : memref<1024x26x1000xi32, #tpu.memory_space<hbm>> -> memref<1x26x1000xi32, #tpu.memory_space<hbm>>
    %dma_start3A_889 = tpu.memref_squeeze %dma_start3A_888 : memref<1x26x1000xi32, #tpu.memory_space<hbm>> -> memref<26x1000xi32, #tpu.memory_space<hbm>>
    tpu.enqueue_dma source(%arg5 : memref<26x1000xi32, #tpu.memory_space<vmem>>) target(%dma_start3A_889 : memref<26x1000xi32, #tpu.memory_space<hbm>>) target_semaphore(%arg7 : memref<!tpu.dma_semaphore, #tpu.memory_space<semaphore_mem>>)
    %dma_wait3A_890 = arith.constant 0 : i32
    %dma_wait3A_891 = arith.constant 0 : i32
    %dma_wait3A_892 = tpu.memref_slice %arg3[%add3A_841, %dma_wait3A_890, %dma_wait3A_891] : memref<1024x26x1000xi32, #tpu.memory_space<hbm>> -> memref<1x26x1000xi32, #tpu.memory_space<hbm>>
    %dma_wait3A_893 = tpu.memref_squeeze %dma_wait3A_892 : memref<1x26x1000xi32, #tpu.memory_space<hbm>> -> memref<26x1000xi32, #tpu.memory_space<hbm>>
    %dma_wait3A_894 = arith.constant 0 : i32
    %dma_wait3A_895 = arith.constant 0 : i32
    %dma_wait3A_896 = tpu.memref_slice %arg3[%add3A_841, %dma_wait3A_894, %dma_wait3A_895] : memref<1024x26x1000xi32, #tpu.memory_space<hbm>> -> memref<1x26x1000xi32, #tpu.memory_space<hbm>>
    %dma_wait3A_897 = tpu.memref_squeeze %dma_wait3A_896 : memref<1x26x1000xi32, #tpu.memory_space<hbm>> -> memref<26x1000xi32, #tpu.memory_space<hbm>>
    tpu.wait_dma2 semaphore(%arg8 : memref<!tpu.dma_semaphore, #tpu.memory_space<semaphore_mem>>) src(%arg6 : memref<26x1000xi32, #tpu.memory_space<vmem>>) dst(%dma_wait3A_897 : memref<26x1000xi32, #tpu.memory_space<hbm>>)
    %get3A_898 = arith.constant 21 : i32
    %get3A_899 = arith.index_cast %get3A_898 : i32 to index
    %get3A_900 = arith.constant 0 : index
    %get3A_901 = tpu.vector_load %arg4[%get3A_899, %get3A_900] {strides = array<i32>} : memref<32x26xi32, #tpu.memory_space<vmem>>, vector<16xi32>,
    %get3A_902 = arith.constant 21 : i32
    %get3A_903 = arith.index_cast %get3A_902 : i32 to index
    %get3A_904 = arith.constant 10 : index
    %get3A_905 = tpu.vector_load %arg4[%get3A_903, %get3A_904] {strides = array<i32>} : memref<32x26xi32, #tpu.memory_space<vmem>>, vector<16xi32>,
    tpu.vector_store_idx %arg6[%iota3A, %get3A_901], %broadcast_in_dim3A_5 : memref<26x1000xi32, #tpu.memory_space<vmem>>[vector<16xi32>, vector<16xi32>], vector<16xi32>,
    %add3A_906 = arith.constant 10 : i32
    %add3A_907 = vector.broadcast %add3A_906 : i32 to vector<16xi32>
    %add3A_908 = arith.addi %iota3A, %add3A_907 : vector<16xi32>
    tpu.vector_store_idx %arg6[%add3A_908, %get3A_905], %broadcast_in_dim3A_5 : memref<26x1000xi32, #tpu.memory_space<vmem>>[vector<16xi32>, vector<16xi32>], vector<16xi32>,
    %get3A_909 = arith.constant 23 : i32
    %get3A_910 = arith.index_cast %get3A_909 : i32 to index
    %get3A_911 = arith.constant 0 : index
    %get3A_912 = tpu.vector_load %arg4[%get3A_910, %get3A_911] {strides = array<i32>} : memref<32x26xi32, #tpu.memory_space<vmem>>, vector<16xi32>,
    %get3A_913 = arith.constant 23 : i32
    %get3A_914 = arith.index_cast %get3A_913 : i32 to index
    %get3A_915 = arith.constant 10 : index
    %get3A_916 = tpu.vector_load %arg4[%get3A_914, %get3A_915] {strides = array<i32>} : memref<32x26xi32, #tpu.memory_space<vmem>>, vector<16xi32>,
    tpu.vector_store_idx %arg6[%iota3A, %get3A_912], %broadcast_in_dim3A_3 : memref<26x1000xi32, #tpu.memory_space<vmem>>[vector<16xi32>, vector<16xi32>], vector<16xi32>,
    %add3A_917 = arith.constant 10 : i32
    %add3A_918 = vector.broadcast %add3A_917 : i32 to vector<16xi32>
    %add3A_919 = arith.addi %iota3A, %add3A_918 : vector<16xi32>
    tpu.vector_store_idx %arg6[%add3A_919, %get3A_916], %broadcast_in_dim3A_3 : memref<26x1000xi32, #tpu.memory_space<vmem>>[vector<16xi32>, vector<16xi32>], vector<16xi32>,
    %add3A_920 = arith.constant 23 : i32
    %add3A_921 = arith.addi %mul3A_2, %add3A_920 : i32
    %dma_start3A_922 = arith.constant 0 : i32
    %dma_start3A_923 = arith.constant 0 : i32
    %dma_start3A_924 = tpu.memref_slice %arg3[%add3A_921, %dma_start3A_922, %dma_start3A_923] : memref<1024x26x1000xi32, #tpu.memory_space<hbm>> -> memref<1x26x1000xi32, #tpu.memory_space<hbm>>
    %dma_start3A_925 = tpu.memref_squeeze %dma_start3A_924 : memref<1x26x1000xi32, #tpu.memory_space<hbm>> -> memref<26x1000xi32, #tpu.memory_space<hbm>>
    %dma_start3A_926 = arith.constant 0 : i32
    %dma_start3A_927 = arith.constant 0 : i32
    %dma_start3A_928 = tpu.memref_slice %arg3[%add3A_921, %dma_start3A_926, %dma_start3A_927] : memref<1024x26x1000xi32, #tpu.memory_space<hbm>> -> memref<1x26x1000xi32, #tpu.memory_space<hbm>>
    %dma_start3A_929 = tpu.memref_squeeze %dma_start3A_928 : memref<1x26x1000xi32, #tpu.memory_space<hbm>> -> memref<26x1000xi32, #tpu.memory_space<hbm>>
    tpu.enqueue_dma source(%arg6 : memref<26x1000xi32, #tpu.memory_space<vmem>>) target(%dma_start3A_929 : memref<26x1000xi32, #tpu.memory_space<hbm>>) target_semaphore(%arg8 : memref<!tpu.dma_semaphore, #tpu.memory_space<semaphore_mem>>)
    %dma_wait3A_930 = arith.constant 0 : i32
    %dma_wait3A_931 = arith.constant 0 : i32
    %dma_wait3A_932 = tpu.memref_slice %arg3[%add3A_881, %dma_wait3A_930, %dma_wait3A_931] : memref<1024x26x1000xi32, #tpu.memory_space<hbm>> -> memref<1x26x1000xi32, #tpu.memory_space<hbm>>
    %dma_wait3A_933 = tpu.memref_squeeze %dma_wait3A_932 : memref<1x26x1000xi32, #tpu.memory_space<hbm>> -> memref<26x1000xi32, #tpu.memory_space<hbm>>
    %dma_wait3A_934 = arith.constant 0 : i32
    %dma_wait3A_935 = arith.constant 0 : i32
    %dma_wait3A_936 = tpu.memref_slice %arg3[%add3A_881, %dma_wait3A_934, %dma_wait3A_935] : memref<1024x26x1000xi32, #tpu.memory_space<hbm>> -> memref<1x26x1000xi32, #tpu.memory_space<hbm>>
    %dma_wait3A_937 = tpu.memref_squeeze %dma_wait3A_936 : memref<1x26x1000xi32, #tpu.memory_space<hbm>> -> memref<26x1000xi32, #tpu.memory_space<hbm>>
    tpu.wait_dma2 semaphore(%arg7 : memref<!tpu.dma_semaphore, #tpu.memory_space<semaphore_mem>>) src(%arg5 : memref<26x1000xi32, #tpu.memory_space<vmem>>) dst(%dma_wait3A_937 : memref<26x1000xi32, #tpu.memory_space<hbm>>)
    %get3A_938 = arith.constant 22 : i32
    %get3A_939 = arith.index_cast %get3A_938 : i32 to index
    %get3A_940 = arith.constant 0 : index
    %get3A_941 = tpu.vector_load %arg4[%get3A_939, %get3A_940] {strides = array<i32>} : memref<32x26xi32, #tpu.memory_space<vmem>>, vector<16xi32>,
    %get3A_942 = arith.constant 22 : i32
    %get3A_943 = arith.index_cast %get3A_942 : i32 to index
    %get3A_944 = arith.constant 10 : index
    %get3A_945 = tpu.vector_load %arg4[%get3A_943, %get3A_944] {strides = array<i32>} : memref<32x26xi32, #tpu.memory_space<vmem>>, vector<16xi32>,
    tpu.vector_store_idx %arg5[%iota3A, %get3A_941], %broadcast_in_dim3A_5 : memref<26x1000xi32, #tpu.memory_space<vmem>>[vector<16xi32>, vector<16xi32>], vector<16xi32>,
    %add3A_946 = arith.constant 10 : i32
    %add3A_947 = vector.broadcast %add3A_946 : i32 to vector<16xi32>
    %add3A_948 = arith.addi %iota3A, %add3A_947 : vector<16xi32>
    tpu.vector_store_idx %arg5[%add3A_948, %get3A_945], %broadcast_in_dim3A_5 : memref<26x1000xi32, #tpu.memory_space<vmem>>[vector<16xi32>, vector<16xi32>], vector<16xi32>,
    %get3A_949 = arith.constant 24 : i32
    %get3A_950 = arith.index_cast %get3A_949 : i32 to index
    %get3A_951 = arith.constant 0 : index
    %get3A_952 = tpu.vector_load %arg4[%get3A_950, %get3A_951] {strides = array<i32>} : memref<32x26xi32, #tpu.memory_space<vmem>>, vector<16xi32>,
    %get3A_953 = arith.constant 24 : i32
    %get3A_954 = arith.index_cast %get3A_953 : i32 to index
    %get3A_955 = arith.constant 10 : index
    %get3A_956 = tpu.vector_load %arg4[%get3A_954, %get3A_955] {strides = array<i32>} : memref<32x26xi32, #tpu.memory_space<vmem>>, vector<16xi32>,
    tpu.vector_store_idx %arg5[%iota3A, %get3A_952], %broadcast_in_dim3A_3 : memref<26x1000xi32, #tpu.memory_space<vmem>>[vector<16xi32>, vector<16xi32>], vector<16xi32>,
    %add3A_957 = arith.constant 10 : i32
    %add3A_958 = vector.broadcast %add3A_957 : i32 to vector<16xi32>
    %add3A_959 = arith.addi %iota3A, %add3A_958 : vector<16xi32>
    tpu.vector_store_idx %arg5[%add3A_959, %get3A_956], %broadcast_in_dim3A_3 : memref<26x1000xi32, #tpu.memory_space<vmem>>[vector<16xi32>, vector<16xi32>], vector<16xi32>,
    %add3A_960 = arith.constant 24 : i32
    %add3A_961 = arith.addi %mul3A_2, %add3A_960 : i32
    %dma_start3A_962 = arith.constant 0 : i32
    %dma_start3A_963 = arith.constant 0 : i32
    %dma_start3A_964 = tpu.memref_slice %arg3[%add3A_961, %dma_start3A_962, %dma_start3A_963] : memref<1024x26x1000xi32, #tpu.memory_space<hbm>> -> memref<1x26x1000xi32, #tpu.memory_space<hbm>>
    %dma_start3A_965 = tpu.memref_squeeze %dma_start3A_964 : memref<1x26x1000xi32, #tpu.memory_space<hbm>> -> memref<26x1000xi32, #tpu.memory_space<hbm>>
    %dma_start3A_966 = arith.constant 0 : i32
    %dma_start3A_967 = arith.constant 0 : i32
    %dma_start3A_968 = tpu.memref_slice %arg3[%add3A_961, %dma_start3A_966, %dma_start3A_967] : memref<1024x26x1000xi32, #tpu.memory_space<hbm>> -> memref<1x26x1000xi32, #tpu.memory_space<hbm>>
    %dma_start3A_969 = tpu.memref_squeeze %dma_start3A_968 : memref<1x26x1000xi32, #tpu.memory_space<hbm>> -> memref<26x1000xi32, #tpu.memory_space<hbm>>
    tpu.enqueue_dma source(%arg5 : memref<26x1000xi32, #tpu.memory_space<vmem>>) target(%dma_start3A_969 : memref<26x1000xi32, #tpu.memory_space<hbm>>) target_semaphore(%arg7 : memref<!tpu.dma_semaphore, #tpu.memory_space<semaphore_mem>>)
    %dma_wait3A_970 = arith.constant 0 : i32
    %dma_wait3A_971 = arith.constant 0 : i32
    %dma_wait3A_972 = tpu.memref_slice %arg3[%add3A_921, %dma_wait3A_970, %dma_wait3A_971] : memref<1024x26x1000xi32, #tpu.memory_space<hbm>> -> memref<1x26x1000xi32, #tpu.memory_space<hbm>>
    %dma_wait3A_973 = tpu.memref_squeeze %dma_wait3A_972 : memref<1x26x1000xi32, #tpu.memory_space<hbm>> -> memref<26x1000xi32, #tpu.memory_space<hbm>>
    %dma_wait3A_974 = arith.constant 0 : i32
    %dma_wait3A_975 = arith.constant 0 : i32
    %dma_wait3A_976 = tpu.memref_slice %arg3[%add3A_921, %dma_wait3A_974, %dma_wait3A_975] : memref<1024x26x1000xi32, #tpu.memory_space<hbm>> -> memref<1x26x1000xi32, #tpu.memory_space<hbm>>
    %dma_wait3A_977 = tpu.memref_squeeze %dma_wait3A_976 : memref<1x26x1000xi32, #tpu.memory_space<hbm>> -> memref<26x1000xi32, #tpu.memory_space<hbm>>
    tpu.wait_dma2 semaphore(%arg8 : memref<!tpu.dma_semaphore, #tpu.memory_space<semaphore_mem>>) src(%arg6 : memref<26x1000xi32, #tpu.memory_space<vmem>>) dst(%dma_wait3A_977 : memref<26x1000xi32, #tpu.memory_space<hbm>>)
    %get3A_978 = arith.constant 23 : i32
    %get3A_979 = arith.index_cast %get3A_978 : i32 to index
    %get3A_980 = arith.constant 0 : index
    %get3A_981 = tpu.vector_load %arg4[%get3A_979, %get3A_980] {strides = array<i32>} : memref<32x26xi32, #tpu.memory_space<vmem>>, vector<16xi32>,
    %get3A_982 = arith.constant 23 : i32
    %get3A_983 = arith.index_cast %get3A_982 : i32 to index
    %get3A_984 = arith.constant 10 : index
    %get3A_985 = tpu.vector_load %arg4[%get3A_983, %get3A_984] {strides = array<i32>} : memref<32x26xi32, #tpu.memory_space<vmem>>, vector<16xi32>,
    tpu.vector_store_idx %arg6[%iota3A, %get3A_981], %broadcast_in_dim3A_5 : memref<26x1000xi32, #tpu.memory_space<vmem>>[vector<16xi32>, vector<16xi32>], vector<16xi32>,
    %add3A_986 = arith.constant 10 : i32
    %add3A_987 = vector.broadcast %add3A_986 : i32 to vector<16xi32>
    %add3A_988 = arith.addi %iota3A, %add3A_987 : vector<16xi32>
    tpu.vector_store_idx %arg6[%add3A_988, %get3A_985], %broadcast_in_dim3A_5 : memref<26x1000xi32, #tpu.memory_space<vmem>>[vector<16xi32>, vector<16xi32>], vector<16xi32>,
    %get3A_989 = arith.constant 25 : i32
    %get3A_990 = arith.index_cast %get3A_989 : i32 to index
    %get3A_991 = arith.constant 0 : index
    %get3A_992 = tpu.vector_load %arg4[%get3A_990, %get3A_991] {strides = array<i32>} : memref<32x26xi32, #tpu.memory_space<vmem>>, vector<16xi32>,
    %get3A_993 = arith.constant 25 : i32
    %get3A_994 = arith.index_cast %get3A_993 : i32 to index
    %get3A_995 = arith.constant 10 : index
    %get3A_996 = tpu.vector_load %arg4[%get3A_994, %get3A_995] {strides = array<i32>} : memref<32x26xi32, #tpu.memory_space<vmem>>, vector<16xi32>,
    tpu.vector_store_idx %arg6[%iota3A, %get3A_992], %broadcast_in_dim3A_3 : memref<26x1000xi32, #tpu.memory_space<vmem>>[vector<16xi32>, vector<16xi32>], vector<16xi32>,
    %add3A_997 = arith.constant 10 : i32
    %add3A_998 = vector.broadcast %add3A_997 : i32 to vector<16xi32>
    %add3A_999 = arith.addi %iota3A, %add3A_998 : vector<16xi32>
    tpu.vector_store_idx %arg6[%add3A_999, %get3A_996], %broadcast_in_dim3A_3 : memref<26x1000xi32, #tpu.memory_space<vmem>>[vector<16xi32>, vector<16xi32>], vector<16xi32>,
    %add3A_1000 = arith.constant 25 : i32
    %add3A_1001 = arith.addi %mul3A_2, %add3A_1000 : i32
    %dma_start3A_1002 = arith.constant 0 : i32
    %dma_start3A_1003 = arith.constant 0 : i32
    %dma_start3A_1004 = tpu.memref_slice %arg3[%add3A_1001, %dma_start3A_1002, %dma_start3A_1003] : memref<1024x26x1000xi32, #tpu.memory_space<hbm>> -> memref<1x26x1000xi32, #tpu.memory_space<hbm>>
    %dma_start3A_1005 = tpu.memref_squeeze %dma_start3A_1004 : memref<1x26x1000xi32, #tpu.memory_space<hbm>> -> memref<26x1000xi32, #tpu.memory_space<hbm>>
    %dma_start3A_1006 = arith.constant 0 : i32
    %dma_start3A_1007 = arith.constant 0 : i32
    %dma_start3A_1008 = tpu.memref_slice %arg3[%add3A_1001, %dma_start3A_1006, %dma_start3A_1007] : memref<1024x26x1000xi32, #tpu.memory_space<hbm>> -> memref<1x26x1000xi32, #tpu.memory_space<hbm>>
    %dma_start3A_1009 = tpu.memref_squeeze %dma_start3A_1008 : memref<1x26x1000xi32, #tpu.memory_space<hbm>> -> memref<26x1000xi32, #tpu.memory_space<hbm>>
    tpu.enqueue_dma source(%arg6 : memref<26x1000xi32, #tpu.memory_space<vmem>>) target(%dma_start3A_1009 : memref<26x1000xi32, #tpu.memory_space<hbm>>) target_semaphore(%arg8 : memref<!tpu.dma_semaphore, #tpu.memory_space<semaphore_mem>>)
    %dma_wait3A_1010 = arith.constant 0 : i32
    %dma_wait3A_1011 = arith.constant 0 : i32
    %dma_wait3A_1012 = tpu.memref_slice %arg3[%add3A_961, %dma_wait3A_1010, %dma_wait3A_1011] : memref<1024x26x1000xi32, #tpu.memory_space<hbm>> -> memref<1x26x1000xi32, #tpu.memory_space<hbm>>
    %dma_wait3A_1013 = tpu.memref_squeeze %dma_wait3A_1012 : memref<1x26x1000xi32, #tpu.memory_space<hbm>> -> memref<26x1000xi32, #tpu.memory_space<hbm>>
    %dma_wait3A_1014 = arith.constant 0 : i32
    %dma_wait3A_1015 = arith.constant 0 : i32
    %dma_wait3A_1016 = tpu.memref_slice %arg3[%add3A_961, %dma_wait3A_1014, %dma_wait3A_1015] : memref<1024x26x1000xi32, #tpu.memory_space<hbm>> -> memref<1x26x1000xi32, #tpu.memory_space<hbm>>
    %dma_wait3A_1017 = tpu.memref_squeeze %dma_wait3A_1016 : memref<1x26x1000xi32, #tpu.memory_space<hbm>> -> memref<26x1000xi32, #tpu.memory_space<hbm>>
    tpu.wait_dma2 semaphore(%arg7 : memref<!tpu.dma_semaphore, #tpu.memory_space<semaphore_mem>>) src(%arg5 : memref<26x1000xi32, #tpu.memory_space<vmem>>) dst(%dma_wait3A_1017 : memref<26x1000xi32, #tpu.memory_space<hbm>>)
    %get3A_1018 = arith.constant 24 : i32
    %get3A_1019 = arith.index_cast %get3A_1018 : i32 to index
    %get3A_1020 = arith.constant 0 : index
    %get3A_1021 = tpu.vector_load %arg4[%get3A_1019, %get3A_1020] {strides = array<i32>} : memref<32x26xi32, #tpu.memory_space<vmem>>, vector<16xi32>,
    %get3A_1022 = arith.constant 24 : i32
    %get3A_1023 = arith.index_cast %get3A_1022 : i32 to index
    %get3A_1024 = arith.constant 10 : index
    %get3A_1025 = tpu.vector_load %arg4[%get3A_1023, %get3A_1024] {strides = array<i32>} : memref<32x26xi32, #tpu.memory_space<vmem>>, vector<16xi32>,
    tpu.vector_store_idx %arg5[%iota3A, %get3A_1021], %broadcast_in_dim3A_5 : memref<26x1000xi32, #tpu.memory_space<vmem>>[vector<16xi32>, vector<16xi32>], vector<16xi32>,
    %add3A_1026 = arith.constant 10 : i32
    %add3A_1027 = vector.broadcast %add3A_1026 : i32 to vector<16xi32>
    %add3A_1028 = arith.addi %iota3A, %add3A_1027 : vector<16xi32>
    tpu.vector_store_idx %arg5[%add3A_1028, %get3A_1025], %broadcast_in_dim3A_5 : memref<26x1000xi32, #tpu.memory_space<vmem>>[vector<16xi32>, vector<16xi32>], vector<16xi32>,
    %get3A_1029 = arith.constant 26 : i32
    %get3A_1030 = arith.index_cast %get3A_1029 : i32 to index
    %get3A_1031 = arith.constant 0 : index
    %get3A_1032 = tpu.vector_load %arg4[%get3A_1030, %get3A_1031] {strides = array<i32>} : memref<32x26xi32, #tpu.memory_space<vmem>>, vector<16xi32>,
    %get3A_1033 = arith.constant 26 : i32
    %get3A_1034 = arith.index_cast %get3A_1033 : i32 to index
    %get3A_1035 = arith.constant 10 : index
    %get3A_1036 = tpu.vector_load %arg4[%get3A_1034, %get3A_1035] {strides = array<i32>} : memref<32x26xi32, #tpu.memory_space<vmem>>, vector<16xi32>,
    tpu.vector_store_idx %arg5[%iota3A, %get3A_1032], %broadcast_in_dim3A_3 : memref<26x1000xi32, #tpu.memory_space<vmem>>[vector<16xi32>, vector<16xi32>], vector<16xi32>,
    %add3A_1037 = arith.constant 10 : i32
    %add3A_1038 = vector.broadcast %add3A_1037 : i32 to vector<16xi32>
    %add3A_1039 = arith.addi %iota3A, %add3A_1038 : vector<16xi32>
    tpu.vector_store_idx %arg5[%add3A_1039, %get3A_1036], %broadcast_in_dim3A_3 : memref<26x1000xi32, #tpu.memory_space<vmem>>[vector<16xi32>, vector<16xi32>], vector<16xi32>,
    %add3A_1040 = arith.constant 26 : i32
    %add3A_1041 = arith.addi %mul3A_2, %add3A_1040 : i32
    %dma_start3A_1042 = arith.constant 0 : i32
    %dma_start3A_1043 = arith.constant 0 : i32
    %dma_start3A_1044 = tpu.memref_slice %arg3[%add3A_1041, %dma_start3A_1042, %dma_start3A_1043] : memref<1024x26x1000xi32, #tpu.memory_space<hbm>> -> memref<1x26x1000xi32, #tpu.memory_space<hbm>>
    %dma_start3A_1045 = tpu.memref_squeeze %dma_start3A_1044 : memref<1x26x1000xi32, #tpu.memory_space<hbm>> -> memref<26x1000xi32, #tpu.memory_space<hbm>>
    %dma_start3A_1046 = arith.constant 0 : i32
    %dma_start3A_1047 = arith.constant 0 : i32
    %dma_start3A_1048 = tpu.memref_slice %arg3[%add3A_1041, %dma_start3A_1046, %dma_start3A_1047] : memref<1024x26x1000xi32, #tpu.memory_space<hbm>> -> memref<1x26x1000xi32, #tpu.memory_space<hbm>>
    %dma_start3A_1049 = tpu.memref_squeeze %dma_start3A_1048 : memref<1x26x1000xi32, #tpu.memory_space<hbm>> -> memref<26x1000xi32, #tpu.memory_space<hbm>>
    tpu.enqueue_dma source(%arg5 : memref<26x1000xi32, #tpu.memory_space<vmem>>) target(%dma_start3A_1049 : memref<26x1000xi32, #tpu.memory_space<hbm>>) target_semaphore(%arg7 : memref<!tpu.dma_semaphore, #tpu.memory_space<semaphore_mem>>)
    %dma_wait3A_1050 = arith.constant 0 : i32
    %dma_wait3A_1051 = arith.constant 0 : i32
    %dma_wait3A_1052 = tpu.memref_slice %arg3[%add3A_1001, %dma_wait3A_1050, %dma_wait3A_1051] : memref<1024x26x1000xi32, #tpu.memory_space<hbm>> -> memref<1x26x1000xi32, #tpu.memory_space<hbm>>
    %dma_wait3A_1053 = tpu.memref_squeeze %dma_wait3A_1052 : memref<1x26x1000xi32, #tpu.memory_space<hbm>> -> memref<26x1000xi32, #tpu.memory_space<hbm>>
    %dma_wait3A_1054 = arith.constant 0 : i32
    %dma_wait3A_1055 = arith.constant 0 : i32
    %dma_wait3A_1056 = tpu.memref_slice %arg3[%add3A_1001, %dma_wait3A_1054, %dma_wait3A_1055] : memref<1024x26x1000xi32, #tpu.memory_space<hbm>> -> memref<1x26x1000xi32, #tpu.memory_space<hbm>>
    %dma_wait3A_1057 = tpu.memref_squeeze %dma_wait3A_1056 : memref<1x26x1000xi32, #tpu.memory_space<hbm>> -> memref<26x1000xi32, #tpu.memory_space<hbm>>
    tpu.wait_dma2 semaphore(%arg8 : memref<!tpu.dma_semaphore, #tpu.memory_space<semaphore_mem>>) src(%arg6 : memref<26x1000xi32, #tpu.memory_space<vmem>>) dst(%dma_wait3A_1057 : memref<26x1000xi32, #tpu.memory_space<hbm>>)
    %get3A_1058 = arith.constant 25 : i32
    %get3A_1059 = arith.index_cast %get3A_1058 : i32 to index
    %get3A_1060 = arith.constant 0 : index
    %get3A_1061 = tpu.vector_load %arg4[%get3A_1059, %get3A_1060] {strides = array<i32>} : memref<32x26xi32, #tpu.memory_space<vmem>>, vector<16xi32>,
    %get3A_1062 = arith.constant 25 : i32
    %get3A_1063 = arith.index_cast %get3A_1062 : i32 to index
    %get3A_1064 = arith.constant 10 : index
    %get3A_1065 = tpu.vector_load %arg4[%get3A_1063, %get3A_1064] {strides = array<i32>} : memref<32x26xi32, #tpu.memory_space<vmem>>, vector<16xi32>,
    tpu.vector_store_idx %arg6[%iota3A, %get3A_1061], %broadcast_in_dim3A_5 : memref<26x1000xi32, #tpu.memory_space<vmem>>[vector<16xi32>, vector<16xi32>], vector<16xi32>,
    %add3A_1066 = arith.constant 10 : i32
    %add3A_1067 = vector.broadcast %add3A_1066 : i32 to vector<16xi32>
    %add3A_1068 = arith.addi %iota3A, %add3A_1067 : vector<16xi32>
    tpu.vector_store_idx %arg6[%add3A_1068, %get3A_1065], %broadcast_in_dim3A_5 : memref<26x1000xi32, #tpu.memory_space<vmem>>[vector<16xi32>, vector<16xi32>], vector<16xi32>,
    %get3A_1069 = arith.constant 27 : i32
    %get3A_1070 = arith.index_cast %get3A_1069 : i32 to index
    %get3A_1071 = arith.constant 0 : index
    %get3A_1072 = tpu.vector_load %arg4[%get3A_1070, %get3A_1071] {strides = array<i32>} : memref<32x26xi32, #tpu.memory_space<vmem>>, vector<16xi32>,
    %get3A_1073 = arith.constant 27 : i32
    %get3A_1074 = arith.index_cast %get3A_1073 : i32 to index
    %get3A_1075 = arith.constant 10 : index
    %get3A_1076 = tpu.vector_load %arg4[%get3A_1074, %get3A_1075] {strides = array<i32>} : memref<32x26xi32, #tpu.memory_space<vmem>>, vector<16xi32>,
    tpu.vector_store_idx %arg6[%iota3A, %get3A_1072], %broadcast_in_dim3A_3 : memref<26x1000xi32, #tpu.memory_space<vmem>>[vector<16xi32>, vector<16xi32>], vector<16xi32>,
    %add3A_1077 = arith.constant 10 : i32
    %add3A_1078 = vector.broadcast %add3A_1077 : i32 to vector<16xi32>
    %add3A_1079 = arith.addi %iota3A, %add3A_1078 : vector<16xi32>
    tpu.vector_store_idx %arg6[%add3A_1079, %get3A_1076], %broadcast_in_dim3A_3 : memref<26x1000xi32, #tpu.memory_space<vmem>>[vector<16xi32>, vector<16xi32>], vector<16xi32>,
    %add3A_1080 = arith.constant 27 : i32
    %add3A_1081 = arith.addi %mul3A_2, %add3A_1080 : i32
    %dma_start3A_1082 = arith.constant 0 : i32
    %dma_start3A_1083 = arith.constant 0 : i32
    %dma_start3A_1084 = tpu.memref_slice %arg3[%add3A_1081, %dma_start3A_1082, %dma_start3A_1083] : memref<1024x26x1000xi32, #tpu.memory_space<hbm>> -> memref<1x26x1000xi32, #tpu.memory_space<hbm>>
    %dma_start3A_1085 = tpu.memref_squeeze %dma_start3A_1084 : memref<1x26x1000xi32, #tpu.memory_space<hbm>> -> memref<26x1000xi32, #tpu.memory_space<hbm>>
    %dma_start3A_1086 = arith.constant 0 : i32
    %dma_start3A_1087 = arith.constant 0 : i32
    %dma_start3A_1088 = tpu.memref_slice %arg3[%add3A_1081, %dma_start3A_1086, %dma_start3A_1087] : memref<1024x26x1000xi32, #tpu.memory_space<hbm>> -> memref<1x26x1000xi32, #tpu.memory_space<hbm>>
    %dma_start3A_1089 = tpu.memref_squeeze %dma_start3A_1088 : memref<1x26x1000xi32, #tpu.memory_space<hbm>> -> memref<26x1000xi32, #tpu.memory_space<hbm>>
    tpu.enqueue_dma source(%arg6 : memref<26x1000xi32, #tpu.memory_space<vmem>>) target(%dma_start3A_1089 : memref<26x1000xi32, #tpu.memory_space<hbm>>) target_semaphore(%arg8 : memref<!tpu.dma_semaphore, #tpu.memory_space<semaphore_mem>>)
    %dma_wait3A_1090 = arith.constant 0 : i32
    %dma_wait3A_1091 = arith.constant 0 : i32
    %dma_wait3A_1092 = tpu.memref_slice %arg3[%add3A_1041, %dma_wait3A_1090, %dma_wait3A_1091] : memref<1024x26x1000xi32, #tpu.memory_space<hbm>> -> memref<1x26x1000xi32, #tpu.memory_space<hbm>>
    %dma_wait3A_1093 = tpu.memref_squeeze %dma_wait3A_1092 : memref<1x26x1000xi32, #tpu.memory_space<hbm>> -> memref<26x1000xi32, #tpu.memory_space<hbm>>
    %dma_wait3A_1094 = arith.constant 0 : i32
    %dma_wait3A_1095 = arith.constant 0 : i32
    %dma_wait3A_1096 = tpu.memref_slice %arg3[%add3A_1041, %dma_wait3A_1094, %dma_wait3A_1095] : memref<1024x26x1000xi32, #tpu.memory_space<hbm>> -> memref<1x26x1000xi32, #tpu.memory_space<hbm>>
    %dma_wait3A_1097 = tpu.memref_squeeze %dma_wait3A_1096 : memref<1x26x1000xi32, #tpu.memory_space<hbm>> -> memref<26x1000xi32, #tpu.memory_space<hbm>>
    tpu.wait_dma2 semaphore(%arg7 : memref<!tpu.dma_semaphore, #tpu.memory_space<semaphore_mem>>) src(%arg5 : memref<26x1000xi32, #tpu.memory_space<vmem>>) dst(%dma_wait3A_1097 : memref<26x1000xi32, #tpu.memory_space<hbm>>)
    %get3A_1098 = arith.constant 26 : i32
    %get3A_1099 = arith.index_cast %get3A_1098 : i32 to index
    %get3A_1100 = arith.constant 0 : index
    %get3A_1101 = tpu.vector_load %arg4[%get3A_1099, %get3A_1100] {strides = array<i32>} : memref<32x26xi32, #tpu.memory_space<vmem>>, vector<16xi32>,
    %get3A_1102 = arith.constant 26 : i32
    %get3A_1103 = arith.index_cast %get3A_1102 : i32 to index
    %get3A_1104 = arith.constant 10 : index
    %get3A_1105 = tpu.vector_load %arg4[%get3A_1103, %get3A_1104] {strides = array<i32>} : memref<32x26xi32, #tpu.memory_space<vmem>>, vector<16xi32>,
    tpu.vector_store_idx %arg5[%iota3A, %get3A_1101], %broadcast_in_dim3A_5 : memref<26x1000xi32, #tpu.memory_space<vmem>>[vector<16xi32>, vector<16xi32>], vector<16xi32>,
    %add3A_1106 = arith.constant 10 : i32
    %add3A_1107 = vector.broadcast %add3A_1106 : i32 to vector<16xi32>
    %add3A_1108 = arith.addi %iota3A, %add3A_1107 : vector<16xi32>
    tpu.vector_store_idx %arg5[%add3A_1108, %get3A_1105], %broadcast_in_dim3A_5 : memref<26x1000xi32, #tpu.memory_space<vmem>>[vector<16xi32>, vector<16xi32>], vector<16xi32>,
    %get3A_1109 = arith.constant 28 : i32
    %get3A_1110 = arith.index_cast %get3A_1109 : i32 to index
    %get3A_1111 = arith.constant 0 : index
    %get3A_1112 = tpu.vector_load %arg4[%get3A_1110, %get3A_1111] {strides = array<i32>} : memref<32x26xi32, #tpu.memory_space<vmem>>, vector<16xi32>,
    %get3A_1113 = arith.constant 28 : i32
    %get3A_1114 = arith.index_cast %get3A_1113 : i32 to index
    %get3A_1115 = arith.constant 10 : index
    %get3A_1116 = tpu.vector_load %arg4[%get3A_1114, %get3A_1115] {strides = array<i32>} : memref<32x26xi32, #tpu.memory_space<vmem>>, vector<16xi32>,
    tpu.vector_store_idx %arg5[%iota3A, %get3A_1112], %broadcast_in_dim3A_3 : memref<26x1000xi32, #tpu.memory_space<vmem>>[vector<16xi32>, vector<16xi32>], vector<16xi32>,
    %add3A_1117 = arith.constant 10 : i32
    %add3A_1118 = vector.broadcast %add3A_1117 : i32 to vector<16xi32>
    %add3A_1119 = arith.addi %iota3A, %add3A_1118 : vector<16xi32>
    tpu.vector_store_idx %arg5[%add3A_1119, %get3A_1116], %broadcast_in_dim3A_3 : memref<26x1000xi32, #tpu.memory_space<vmem>>[vector<16xi32>, vector<16xi32>], vector<16xi32>,
    %add3A_1120 = arith.constant 28 : i32
    %add3A_1121 = arith.addi %mul3A_2, %add3A_1120 : i32
    %dma_start3A_1122 = arith.constant 0 : i32
    %dma_start3A_1123 = arith.constant 0 : i32
    %dma_start3A_1124 = tpu.memref_slice %arg3[%add3A_1121, %dma_start3A_1122, %dma_start3A_1123] : memref<1024x26x1000xi32, #tpu.memory_space<hbm>> -> memref<1x26x1000xi32, #tpu.memory_space<hbm>>
    %dma_start3A_1125 = tpu.memref_squeeze %dma_start3A_1124 : memref<1x26x1000xi32, #tpu.memory_space<hbm>> -> memref<26x1000xi32, #tpu.memory_space<hbm>>
    %dma_start3A_1126 = arith.constant 0 : i32
    %dma_start3A_1127 = arith.constant 0 : i32
    %dma_start3A_1128 = tpu.memref_slice %arg3[%add3A_1121, %dma_start3A_1126, %dma_start3A_1127] : memref<1024x26x1000xi32, #tpu.memory_space<hbm>> -> memref<1x26x1000xi32, #tpu.memory_space<hbm>>
    %dma_start3A_1129 = tpu.memref_squeeze %dma_start3A_1128 : memref<1x26x1000xi32, #tpu.memory_space<hbm>> -> memref<26x1000xi32, #tpu.memory_space<hbm>>
    tpu.enqueue_dma source(%arg5 : memref<26x1000xi32, #tpu.memory_space<vmem>>) target(%dma_start3A_1129 : memref<26x1000xi32, #tpu.memory_space<hbm>>) target_semaphore(%arg7 : memref<!tpu.dma_semaphore, #tpu.memory_space<semaphore_mem>>)
    %dma_wait3A_1130 = arith.constant 0 : i32
    %dma_wait3A_1131 = arith.constant 0 : i32
    %dma_wait3A_1132 = tpu.memref_slice %arg3[%add3A_1081, %dma_wait3A_1130, %dma_wait3A_1131] : memref<1024x26x1000xi32, #tpu.memory_space<hbm>> -> memref<1x26x1000xi32, #tpu.memory_space<hbm>>
    %dma_wait3A_1133 = tpu.memref_squeeze %dma_wait3A_1132 : memref<1x26x1000xi32, #tpu.memory_space<hbm>> -> memref<26x1000xi32, #tpu.memory_space<hbm>>
    %dma_wait3A_1134 = arith.constant 0 : i32
    %dma_wait3A_1135 = arith.constant 0 : i32
    %dma_wait3A_1136 = tpu.memref_slice %arg3[%add3A_1081, %dma_wait3A_1134, %dma_wait3A_1135] : memref<1024x26x1000xi32, #tpu.memory_space<hbm>> -> memref<1x26x1000xi32, #tpu.memory_space<hbm>>
    %dma_wait3A_1137 = tpu.memref_squeeze %dma_wait3A_1136 : memref<1x26x1000xi32, #tpu.memory_space<hbm>> -> memref<26x1000xi32, #tpu.memory_space<hbm>>
    tpu.wait_dma2 semaphore(%arg8 : memref<!tpu.dma_semaphore, #tpu.memory_space<semaphore_mem>>) src(%arg6 : memref<26x1000xi32, #tpu.memory_space<vmem>>) dst(%dma_wait3A_1137 : memref<26x1000xi32, #tpu.memory_space<hbm>>)
    %get3A_1138 = arith.constant 27 : i32
    %get3A_1139 = arith.index_cast %get3A_1138 : i32 to index
    %get3A_1140 = arith.constant 0 : index
    %get3A_1141 = tpu.vector_load %arg4[%get3A_1139, %get3A_1140] {strides = array<i32>} : memref<32x26xi32, #tpu.memory_space<vmem>>, vector<16xi32>,
    %get3A_1142 = arith.constant 27 : i32
    %get3A_1143 = arith.index_cast %get3A_1142 : i32 to index
    %get3A_1144 = arith.constant 10 : index
    %get3A_1145 = tpu.vector_load %arg4[%get3A_1143, %get3A_1144] {strides = array<i32>} : memref<32x26xi32, #tpu.memory_space<vmem>>, vector<16xi32>,
    tpu.vector_store_idx %arg6[%iota3A, %get3A_1141], %broadcast_in_dim3A_5 : memref<26x1000xi32, #tpu.memory_space<vmem>>[vector<16xi32>, vector<16xi32>], vector<16xi32>,
    %add3A_1146 = arith.constant 10 : i32
    %add3A_1147 = vector.broadcast %add3A_1146 : i32 to vector<16xi32>
    %add3A_1148 = arith.addi %iota3A, %add3A_1147 : vector<16xi32>
    tpu.vector_store_idx %arg6[%add3A_1148, %get3A_1145], %broadcast_in_dim3A_5 : memref<26x1000xi32, #tpu.memory_space<vmem>>[vector<16xi32>, vector<16xi32>], vector<16xi32>,
    %get3A_1149 = arith.constant 29 : i32
    %get3A_1150 = arith.index_cast %get3A_1149 : i32 to index
    %get3A_1151 = arith.constant 0 : index
    %get3A_1152 = tpu.vector_load %arg4[%get3A_1150, %get3A_1151] {strides = array<i32>} : memref<32x26xi32, #tpu.memory_space<vmem>>, vector<16xi32>,
    %get3A_1153 = arith.constant 29 : i32
    %get3A_1154 = arith.index_cast %get3A_1153 : i32 to index
    %get3A_1155 = arith.constant 10 : index
    %get3A_1156 = tpu.vector_load %arg4[%get3A_1154, %get3A_1155] {strides = array<i32>} : memref<32x26xi32, #tpu.memory_space<vmem>>, vector<16xi32>,
    tpu.vector_store_idx %arg6[%iota3A, %get3A_1152], %broadcast_in_dim3A_3 : memref<26x1000xi32, #tpu.memory_space<vmem>>[vector<16xi32>, vector<16xi32>], vector<16xi32>,
    %add3A_1157 = arith.constant 10 : i32
    %add3A_1158 = vector.broadcast %add3A_1157 : i32 to vector<16xi32>
    %add3A_1159 = arith.addi %iota3A, %add3A_1158 : vector<16xi32>
    tpu.vector_store_idx %arg6[%add3A_1159, %get3A_1156], %broadcast_in_dim3A_3 : memref<26x1000xi32, #tpu.memory_space<vmem>>[vector<16xi32>, vector<16xi32>], vector<16xi32>,
    %add3A_1160 = arith.constant 29 : i32
    %add3A_1161 = arith.addi %mul3A_2, %add3A_1160 : i32
    %dma_start3A_1162 = arith.constant 0 : i32
    %dma_start3A_1163 = arith.constant 0 : i32
    %dma_start3A_1164 = tpu.memref_slice %arg3[%add3A_1161, %dma_start3A_1162, %dma_start3A_1163] : memref<1024x26x1000xi32, #tpu.memory_space<hbm>> -> memref<1x26x1000xi32, #tpu.memory_space<hbm>>
    %dma_start3A_1165 = tpu.memref_squeeze %dma_start3A_1164 : memref<1x26x1000xi32, #tpu.memory_space<hbm>> -> memref<26x1000xi32, #tpu.memory_space<hbm>>
    %dma_start3A_1166 = arith.constant 0 : i32
    %dma_start3A_1167 = arith.constant 0 : i32
    %dma_start3A_1168 = tpu.memref_slice %arg3[%add3A_1161, %dma_start3A_1166, %dma_start3A_1167] : memref<1024x26x1000xi32, #tpu.memory_space<hbm>> -> memref<1x26x1000xi32, #tpu.memory_space<hbm>>
    %dma_start3A_1169 = tpu.memref_squeeze %dma_start3A_1168 : memref<1x26x1000xi32, #tpu.memory_space<hbm>> -> memref<26x1000xi32, #tpu.memory_space<hbm>>
    tpu.enqueue_dma source(%arg6 : memref<26x1000xi32, #tpu.memory_space<vmem>>) target(%dma_start3A_1169 : memref<26x1000xi32, #tpu.memory_space<hbm>>) target_semaphore(%arg8 : memref<!tpu.dma_semaphore, #tpu.memory_space<semaphore_mem>>)
    %dma_wait3A_1170 = arith.constant 0 : i32
    %dma_wait3A_1171 = arith.constant 0 : i32
    %dma_wait3A_1172 = tpu.memref_slice %arg3[%add3A_1121, %dma_wait3A_1170, %dma_wait3A_1171] : memref<1024x26x1000xi32, #tpu.memory_space<hbm>> -> memref<1x26x1000xi32, #tpu.memory_space<hbm>>
    %dma_wait3A_1173 = tpu.memref_squeeze %dma_wait3A_1172 : memref<1x26x1000xi32, #tpu.memory_space<hbm>> -> memref<26x1000xi32, #tpu.memory_space<hbm>>
    %dma_wait3A_1174 = arith.constant 0 : i32
    %dma_wait3A_1175 = arith.constant 0 : i32
    %dma_wait3A_1176 = tpu.memref_slice %arg3[%add3A_1121, %dma_wait3A_1174, %dma_wait3A_1175] : memref<1024x26x1000xi32, #tpu.memory_space<hbm>> -> memref<1x26x1000xi32, #tpu.memory_space<hbm>>
    %dma_wait3A_1177 = tpu.memref_squeeze %dma_wait3A_1176 : memref<1x26x1000xi32, #tpu.memory_space<hbm>> -> memref<26x1000xi32, #tpu.memory_space<hbm>>
    tpu.wait_dma2 semaphore(%arg7 : memref<!tpu.dma_semaphore, #tpu.memory_space<semaphore_mem>>) src(%arg5 : memref<26x1000xi32, #tpu.memory_space<vmem>>) dst(%dma_wait3A_1177 : memref<26x1000xi32, #tpu.memory_space<hbm>>)
    %get3A_1178 = arith.constant 28 : i32
    %get3A_1179 = arith.index_cast %get3A_1178 : i32 to index
    %get3A_1180 = arith.constant 0 : index
    %get3A_1181 = tpu.vector_load %arg4[%get3A_1179, %get3A_1180] {strides = array<i32>} : memref<32x26xi32, #tpu.memory_space<vmem>>, vector<16xi32>,
    %get3A_1182 = arith.constant 28 : i32
    %get3A_1183 = arith.index_cast %get3A_1182 : i32 to index
    %get3A_1184 = arith.constant 10 : index
    %get3A_1185 = tpu.vector_load %arg4[%get3A_1183, %get3A_1184] {strides = array<i32>} : memref<32x26xi32, #tpu.memory_space<vmem>>, vector<16xi32>,
    tpu.vector_store_idx %arg5[%iota3A, %get3A_1181], %broadcast_in_dim3A_5 : memref<26x1000xi32, #tpu.memory_space<vmem>>[vector<16xi32>, vector<16xi32>], vector<16xi32>,
    %add3A_1186 = arith.constant 10 : i32
    %add3A_1187 = vector.broadcast %add3A_1186 : i32 to vector<16xi32>
    %add3A_1188 = arith.addi %iota3A, %add3A_1187 : vector<16xi32>
    tpu.vector_store_idx %arg5[%add3A_1188, %get3A_1185], %broadcast_in_dim3A_5 : memref<26x1000xi32, #tpu.memory_space<vmem>>[vector<16xi32>, vector<16xi32>], vector<16xi32>,
    %get3A_1189 = arith.constant 30 : i32
    %get3A_1190 = arith.index_cast %get3A_1189 : i32 to index
    %get3A_1191 = arith.constant 0 : index
    %get3A_1192 = tpu.vector_load %arg4[%get3A_1190, %get3A_1191] {strides = array<i32>} : memref<32x26xi32, #tpu.memory_space<vmem>>, vector<16xi32>,
    %get3A_1193 = arith.constant 30 : i32
    %get3A_1194 = arith.index_cast %get3A_1193 : i32 to index
    %get3A_1195 = arith.constant 10 : index
    %get3A_1196 = tpu.vector_load %arg4[%get3A_1194, %get3A_1195] {strides = array<i32>} : memref<32x26xi32, #tpu.memory_space<vmem>>, vector<16xi32>,
    tpu.vector_store_idx %arg5[%iota3A, %get3A_1192], %broadcast_in_dim3A_3 : memref<26x1000xi32, #tpu.memory_space<vmem>>[vector<16xi32>, vector<16xi32>], vector<16xi32>,
    %add3A_1197 = arith.constant 10 : i32
    %add3A_1198 = vector.broadcast %add3A_1197 : i32 to vector<16xi32>
    %add3A_1199 = arith.addi %iota3A, %add3A_1198 : vector<16xi32>
    tpu.vector_store_idx %arg5[%add3A_1199, %get3A_1196], %broadcast_in_dim3A_3 : memref<26x1000xi32, #tpu.memory_space<vmem>>[vector<16xi32>, vector<16xi32>], vector<16xi32>,
    %add3A_1200 = arith.constant 30 : i32
    %add3A_1201 = arith.addi %mul3A_2, %add3A_1200 : i32
    %dma_start3A_1202 = arith.constant 0 : i32
    %dma_start3A_1203 = arith.constant 0 : i32
    %dma_start3A_1204 = tpu.memref_slice %arg3[%add3A_1201, %dma_start3A_1202, %dma_start3A_1203] : memref<1024x26x1000xi32, #tpu.memory_space<hbm>> -> memref<1x26x1000xi32, #tpu.memory_space<hbm>>
    %dma_start3A_1205 = tpu.memref_squeeze %dma_start3A_1204 : memref<1x26x1000xi32, #tpu.memory_space<hbm>> -> memref<26x1000xi32, #tpu.memory_space<hbm>>
    %dma_start3A_1206 = arith.constant 0 : i32
    %dma_start3A_1207 = arith.constant 0 : i32
    %dma_start3A_1208 = tpu.memref_slice %arg3[%add3A_1201, %dma_start3A_1206, %dma_start3A_1207] : memref<1024x26x1000xi32, #tpu.memory_space<hbm>> -> memref<1x26x1000xi32, #tpu.memory_space<hbm>>
    %dma_start3A_1209 = tpu.memref_squeeze %dma_start3A_1208 : memref<1x26x1000xi32, #tpu.memory_space<hbm>> -> memref<26x1000xi32, #tpu.memory_space<hbm>>
    tpu.enqueue_dma source(%arg5 : memref<26x1000xi32, #tpu.memory_space<vmem>>) target(%dma_start3A_1209 : memref<26x1000xi32, #tpu.memory_space<hbm>>) target_semaphore(%arg7 : memref<!tpu.dma_semaphore, #tpu.memory_space<semaphore_mem>>)
    %dma_wait3A_1210 = arith.constant 0 : i32
    %dma_wait3A_1211 = arith.constant 0 : i32
    %dma_wait3A_1212 = tpu.memref_slice %arg3[%add3A_1161, %dma_wait3A_1210, %dma_wait3A_1211] : memref<1024x26x1000xi32, #tpu.memory_space<hbm>> -> memref<1x26x1000xi32, #tpu.memory_space<hbm>>
    %dma_wait3A_1213 = tpu.memref_squeeze %dma_wait3A_1212 : memref<1x26x1000xi32, #tpu.memory_space<hbm>> -> memref<26x1000xi32, #tpu.memory_space<hbm>>
    %dma_wait3A_1214 = arith.constant 0 : i32
    %dma_wait3A_1215 = arith.constant 0 : i32
    %dma_wait3A_1216 = tpu.memref_slice %arg3[%add3A_1161, %dma_wait3A_1214, %dma_wait3A_1215] : memref<1024x26x1000xi32, #tpu.memory_space<hbm>> -> memref<1x26x1000xi32, #tpu.memory_space<hbm>>
    %dma_wait3A_1217 = tpu.memref_squeeze %dma_wait3A_1216 : memref<1x26x1000xi32, #tpu.memory_space<hbm>> -> memref<26x1000xi32, #tpu.memory_space<hbm>>
    tpu.wait_dma2 semaphore(%arg8 : memref<!tpu.dma_semaphore, #tpu.memory_space<semaphore_mem>>) src(%arg6 : memref<26x1000xi32, #tpu.memory_space<vmem>>) dst(%dma_wait3A_1217 : memref<26x1000xi32, #tpu.memory_space<hbm>>)
    %get3A_1218 = arith.constant 29 : i32
    %get3A_1219 = arith.index_cast %get3A_1218 : i32 to index
    %get3A_1220 = arith.constant 0 : index
    %get3A_1221 = tpu.vector_load %arg4[%get3A_1219, %get3A_1220] {strides = array<i32>} : memref<32x26xi32, #tpu.memory_space<vmem>>, vector<16xi32>,
    %get3A_1222 = arith.constant 29 : i32
    %get3A_1223 = arith.index_cast %get3A_1222 : i32 to index
    %get3A_1224 = arith.constant 10 : index
    %get3A_1225 = tpu.vector_load %arg4[%get3A_1223, %get3A_1224] {strides = array<i32>} : memref<32x26xi32, #tpu.memory_space<vmem>>, vector<16xi32>,
    tpu.vector_store_idx %arg6[%iota3A, %get3A_1221], %broadcast_in_dim3A_5 : memref<26x1000xi32, #tpu.memory_space<vmem>>[vector<16xi32>, vector<16xi32>], vector<16xi32>,
    %add3A_1226 = arith.constant 10 : i32
    %add3A_1227 = vector.broadcast %add3A_1226 : i32 to vector<16xi32>
    %add3A_1228 = arith.addi %iota3A, %add3A_1227 : vector<16xi32>
    tpu.vector_store_idx %arg6[%add3A_1228, %get3A_1225], %broadcast_in_dim3A_5 : memref<26x1000xi32, #tpu.memory_space<vmem>>[vector<16xi32>, vector<16xi32>], vector<16xi32>,
    %get3A_1229 = arith.constant 31 : i32
    %get3A_1230 = arith.index_cast %get3A_1229 : i32 to index
    %get3A_1231 = arith.constant 0 : index
    %get3A_1232 = tpu.vector_load %arg4[%get3A_1230, %get3A_1231] {strides = array<i32>} : memref<32x26xi32, #tpu.memory_space<vmem>>, vector<16xi32>,
    %get3A_1233 = arith.constant 31 : i32
    %get3A_1234 = arith.index_cast %get3A_1233 : i32 to index
    %get3A_1235 = arith.constant 10 : index
    %get3A_1236 = tpu.vector_load %arg4[%get3A_1234, %get3A_1235] {strides = array<i32>} : memref<32x26xi32, #tpu.memory_space<vmem>>, vector<16xi32>,
    tpu.vector_store_idx %arg6[%iota3A, %get3A_1232], %broadcast_in_dim3A_3 : memref<26x1000xi32, #tpu.memory_space<vmem>>[vector<16xi32>, vector<16xi32>], vector<16xi32>,
    %add3A_1237 = arith.constant 10 : i32
    %add3A_1238 = vector.broadcast %add3A_1237 : i32 to vector<16xi32>
    %add3A_1239 = arith.addi %iota3A, %add3A_1238 : vector<16xi32>
    tpu.vector_store_idx %arg6[%add3A_1239, %get3A_1236], %broadcast_in_dim3A_3 : memref<26x1000xi32, #tpu.memory_space<vmem>>[vector<16xi32>, vector<16xi32>], vector<16xi32>,
    %add3A_1240 = arith.constant 31 : i32
    %add3A_1241 = arith.addi %mul3A_2, %add3A_1240 : i32
    %dma_start3A_1242 = arith.constant 0 : i32
    %dma_start3A_1243 = arith.constant 0 : i32
    %dma_start3A_1244 = tpu.memref_slice %arg3[%add3A_1241, %dma_start3A_1242, %dma_start3A_1243] : memref<1024x26x1000xi32, #tpu.memory_space<hbm>> -> memref<1x26x1000xi32, #tpu.memory_space<hbm>>
    %dma_start3A_1245 = tpu.memref_squeeze %dma_start3A_1244 : memref<1x26x1000xi32, #tpu.memory_space<hbm>> -> memref<26x1000xi32, #tpu.memory_space<hbm>>
    %dma_start3A_1246 = arith.constant 0 : i32
    %dma_start3A_1247 = arith.constant 0 : i32
    %dma_start3A_1248 = tpu.memref_slice %arg3[%add3A_1241, %dma_start3A_1246, %dma_start3A_1247] : memref<1024x26x1000xi32, #tpu.memory_space<hbm>> -> memref<1x26x1000xi32, #tpu.memory_space<hbm>>
    %dma_start3A_1249 = tpu.memref_squeeze %dma_start3A_1248 : memref<1x26x1000xi32, #tpu.memory_space<hbm>> -> memref<26x1000xi32, #tpu.memory_space<hbm>>
    tpu.enqueue_dma source(%arg6 : memref<26x1000xi32, #tpu.memory_space<vmem>>) target(%dma_start3A_1249 : memref<26x1000xi32, #tpu.memory_space<hbm>>) target_semaphore(%arg8 : memref<!tpu.dma_semaphore, #tpu.memory_space<semaphore_mem>>)
    %dma_wait3A_1250 = arith.constant 0 : i32
    %dma_wait3A_1251 = arith.constant 0 : i32
    %dma_wait3A_1252 = tpu.memref_slice %arg3[%add3A_1201, %dma_wait3A_1250, %dma_wait3A_1251] : memref<1024x26x1000xi32, #tpu.memory_space<hbm>> -> memref<1x26x1000xi32, #tpu.memory_space<hbm>>
    %dma_wait3A_1253 = tpu.memref_squeeze %dma_wait3A_1252 : memref<1x26x1000xi32, #tpu.memory_space<hbm>> -> memref<26x1000xi32, #tpu.memory_space<hbm>>
    %dma_wait3A_1254 = arith.constant 0 : i32
    %dma_wait3A_1255 = arith.constant 0 : i32
    %dma_wait3A_1256 = tpu.memref_slice %arg3[%add3A_1201, %dma_wait3A_1254, %dma_wait3A_1255] : memref<1024x26x1000xi32, #tpu.memory_space<hbm>> -> memref<1x26x1000xi32, #tpu.memory_space<hbm>>
    %dma_wait3A_1257 = tpu.memref_squeeze %dma_wait3A_1256 : memref<1x26x1000xi32, #tpu.memory_space<hbm>> -> memref<26x1000xi32, #tpu.memory_space<hbm>>
    tpu.wait_dma2 semaphore(%arg7 : memref<!tpu.dma_semaphore, #tpu.memory_space<semaphore_mem>>) src(%arg5 : memref<26x1000xi32, #tpu.memory_space<vmem>>) dst(%dma_wait3A_1257 : memref<26x1000xi32, #tpu.memory_space<hbm>>)
    %dma_wait3A_1258 = arith.constant 0 : i32
    %dma_wait3A_1259 = arith.constant 0 : i32
    %dma_wait3A_1260 = tpu.memref_slice %arg3[%add3A_1241, %dma_wait3A_1258, %dma_wait3A_1259] : memref<1024x26x1000xi32, #tpu.memory_space<hbm>> -> memref<1x26x1000xi32, #tpu.memory_space<hbm>>
    %dma_wait3A_1261 = tpu.memref_squeeze %dma_wait3A_1260 : memref<1x26x1000xi32, #tpu.memory_space<hbm>> -> memref<26x1000xi32, #tpu.memory_space<hbm>>
    %dma_wait3A_1262 = arith.constant 0 : i32
    %dma_wait3A_1263 = arith.constant 0 : i32
    %dma_wait3A_1264 = tpu.memref_slice %arg3[%add3A_1241, %dma_wait3A_1262, %dma_wait3A_1263] : memref<1024x26x1000xi32, #tpu.memory_space<hbm>> -> memref<1x26x1000xi32, #tpu.memory_space<hbm>>
    %dma_wait3A_1265 = tpu.memref_squeeze %dma_wait3A_1264 : memref<1x26x1000xi32, #tpu.memory_space<hbm>> -> memref<26x1000xi32, #tpu.memory_space<hbm>>
    tpu.wait_dma2 semaphore(%arg8 : memref<!tpu.dma_semaphore, #tpu.memory_space<semaphore_mem>>) src(%arg6 : memref<26x1000xi32, #tpu.memory_space<vmem>>) dst(%dma_wait3A_1265 : memref<26x1000xi32, #tpu.memory_space<hbm>>)
    return
  }
}

</mosaic_0001>

<sc_bundles>
// kernel: kernel.3.cloned.1.call-start
scs
__scs_entry_jumppad:
0x0: {  	(pc) =	sbr.rel $0x88, $3  }
0x1: {  	(tag) =	ssettag $0x0;
	lr =	simm.s32 $0x1  }
0x2: {  	[smem:$0x3FA0] =	sst lr;
	_ =	strace $0xD0000000  }
0x3: {  	_ = 	snop  }
0x4: {  	_ = 	snop  }
0x5: {  	_ = 	snop  }
0x6: {  	_ = 	snop  }
0x7: {  	_ = 	snop  }
__scs_overlays_trampoline_lowered:
0x8: {  	[smem:$0x3FAF] =	sst s0  }
0x9: {  	[smem:$0x3FB0] =	sst s1  }
0xa: {  	[smem:$0x3FB1] =	sst s2  }
0xb: {  	[smem:$0x3FB2] =	sst s3  }
0xc: {  	[smem:$0x3FB3] =	sst s4  }
0xd: {  	[smem:$0x3FB4] =	sst s5  }
0xe: {  	[smem:$0x3FB5] =	sst s6  }
0xf: {  	[smem:$0x3FB6] =	sst s7  }
0x10: {  	[smem:$0x3FB7] =	sst s8  }
0x11: {  	[smem:$0x3FB8] =	sst s9;
	s0 =	simm.s32 @!p0 $0x0  }
0x12: {  	s1 =	sld [smem:$0x3F9E];
	s0 =	simm.s32 @p0 $0x1  }
0x13: {  	[smem:$0x3FB9] =	sst s0;
	s0 =	simm.s32 @!p1 $0x0  }
0x14: {  	s2 =	sld [smem:$0x3F9D];
	s0 =	simm.s32 @p1 $0x1  }
0x15: {  	[smem:$0x3FBA] =	sst s0;
	s0 =	simm.s32 @!p2 $0x0  }
0x16: {  	s3 =	sld [smem:$0x3FDB];
	s0 =	simm.s32 @p2 $0x1  }
0x17: {  	s4 =	simm.s32 $0x1BF5;
	[smem:$0x3FBC] =	sst s0  }
0x18: {  	s0 =	sld [smem:$0x3F9F];
	_ =	swait.ge [sflag:s4], $0x0  }
0x19: {  	s7 =	sld [smem:$0x3FA0]  }
0x1a: {  	s8 =	sadd.s32 $0xFFFFE003, lr  }
0x1b: {  	s9 =	sadd.s32 $0xFFFFFEF7, lr;
	s5 =	simm.s32 $0xFFFFFFFF;
	p2 =	slt.u32 s8, $0xFFFFF086  }
0x1c: {  	p1 =	slt.u32 s9, $0xF7A;
	s5 =	simm.s32 @!p2 $0x0  }
0x1d: {  	s5 =	simm.s32 @p1 $0x1;
	p0 =	seq.s32 s7, s2  }
0x1e: {  	s7 =	smul.u32 @!p0 $0xF7A, s2;
	p2 =	seq.s32 @!p0 s5, $0x0  }
0x1f: {  	s9 =	smul.u32 $0xF7A, s1;
	s8 =	simm.s32 @!p0 $0x1BF5;
	p2 =	por !p2, p0  }
0x20: {  	[sflag:s8] =	ssyncset.s32 @!p0 $0xFFFFF086;
	s6 =	sadd.s32 @!p0 s3, s7;
	s7 =	simm.s32 @!p0 $0x108  }
0x21: {  	s3 =	sadd.s32 s3, s9;
	s6 =	sadd.s32 @!p0 $0x88, s6;
	s7 =	simm.s32 @p2 $0x1082  }
0x22: {  	[simem:s7], [sflag:s8] =	dma.local @!p0 [hbm:s6], $0xF7A  }
0x23: {  	s9 =	sor.u32 $0xD0000000, s2;
	s6 =	simm.s32 $0x108;
	_ =	swait.ge @!p0 [sflag:s8], $0x0  }
0x24: {  	s3 =	sadd.s32 $0x88, s3;
	s6 =	simm.s32 @!p1 $0x1082;
	[sflag:s4] =	ssyncset.s32 $0xFFFFF086  }
0x25: {  	[simem:s6], [sflag:s4] =	dma.local [hbm:s3], $0xF7A  }
0x26: {  	[smem:$0x3FA0] =	sst s1;
	(tag) =	ssettag s2;
	_ =	strace s9  }
0x27: {  	s1 =	sld [smem:$0x3FB0]  }
0x28: {  	s2 =	sld [smem:$0x3FB1]  }
0x29: {  	s4 =	sld [smem:$0x3FB3]  }
0x2a: {  	p0 =	seq.s32 s5, $0x0;
	s5 =	sld [smem:$0x3FB4]  }
0x2b: {  	s6 =	sld [smem:$0x3FB5]  }
0x2c: {  	s7 =	sld [smem:$0x3FB6]  }
0x2d: {  	s3 =	simm.s32 $0x108;
	s8 =	sld [smem:$0x3FB7]  }
0x2e: {  	s3 =	simm.s32 @!p0 $0x1082;
	s9 =	sld [smem:$0x3FB8]  }
0x2f: {  	lr =	sadd.s32 s0, s3;
	s0 =	sld [smem:$0x3FAF]  }
0x30: {  	s3 =	sld [smem:$0x3FB2]  }
0x31: {  	[smem:$0x3FBB] =	sst s10  }
0x32: {  	s10 =	sld [smem:$0x3FB9];
	_ =	sdelay $0x3  }
0x33: {  	p0 =	seq.s32 s10, $0x1;
	s10 =	sld [smem:$0x3FBB];
	_ =	sdelay $0x3  }
0x34: {  	[smem:$0x3FBB] =	sst s10  }
0x35: {  	s10 =	sld [smem:$0x3FBA];
	_ =	sdelay $0x3  }
0x36: {  	p1 =	seq.s32 s10, $0x1;
	s10 =	sld [smem:$0x3FBB];
	_ =	sdelay $0x3  }
0x37: {  	[smem:$0x3FBB] =	sst s10  }
0x38: {  	s10 =	sld [smem:$0x3FBC]  }
0x39: {  	_ = 	snop;
	(pc) =	sbr.ind lr, $3  }
0x3a: {  	_ = 	snop  }
0x3b: {  	_ = 	snop  }
0x3c: {  	p2 =	seq.s32 s10, $0x1;
	s10 =	sld [smem:$0x3FBB]  }
0x3d: {  	_ =	shalt  }
0x3e: {  	_ =	shalt  }
0x3f: {  	_ =	shalt  }
0x40: {  	_ =	shalt  }
0x41: {  	_ =	shalt  }
0x42: {  	_ =	shalt  }
0x43: {  	_ =	shalt  }
0x44: {  	_ =	shalt  }
0x45: {  	_ =	shalt  }
0x46: {  	_ =	shalt  }
0x47: {  	_ =	shalt  }
0x48: {  	_ =	shalt  }
0x49: {  	_ =	shalt  }
0x4a: {  	_ =	shalt  }
0x4b: {  	_ =	shalt  }
0x4c: {  	_ =	shalt  }
0x4d: {  	_ =	shalt  }
0x4e: {  	_ =	shalt  }
0x4f: {  	_ =	shalt  }
0x50: {  	_ =	shalt  }
0x51: {  	_ =	shalt  }
0x52: {  	_ =	shalt  }
0x53: {  	_ =	shalt  }
0x54: {  	_ =	shalt  }
0x55: {  	_ =	shalt  }
0x56: {  	_ =	shalt  }
0x57: {  	_ =	shalt  }
0x58: {  	_ =	shalt  }
0x59: {  	_ =	shalt  }
0x5a: {  	_ =	shalt  }
0x5b: {  	_ =	shalt  }
0x5c: {  	_ =	shalt  }
0x5d: {  	_ =	shalt  }
0x5e: {  	_ =	shalt  }
0x5f: {  	_ =	shalt  }
0x60: {  	_ =	shalt  }
0x61: {  	_ =	shalt  }
0x62: {  	_ =	shalt  }
0x63: {  	_ =	shalt  }
0x64: {  	_ =	shalt  }
0x65: {  	_ =	shalt  }
0x66: {  	_ =	shalt  }
0x67: {  	_ =	shalt  }
0x68: {  	_ =	shalt  }
0x69: {  	_ =	shalt  }
0x6a: {  	_ =	shalt  }
0x6b: {  	_ =	shalt  }
0x6c: {  	_ =	shalt  }
0x6d: {  	_ =	shalt  }
0x6e: {  	_ =	shalt  }
0x6f: {  	_ =	shalt  }
0x70: {  	_ =	shalt  }
0x71: {  	_ =	shalt  }
0x72: {  	_ =	shalt  }
0x73: {  	_ =	shalt  }
0x74: {  	_ =	shalt  }
0x75: {  	_ =	shalt  }
0x76: {  	_ =	shalt  }
0x77: {  	_ =	shalt  }
0x78: {  	_ =	shalt  }
0x79: {  	_ =	shalt  }
0x7a: {  	_ =	shalt  }
0x7b: {  	_ =	shalt  }
0x7c: {  	_ =	shalt  }
0x7d: {  	_ =	shalt  }
0x7e: {  	_ =	shalt  }
0x7f: {  	_ =	shalt  }
0x80: {  	_ =	shalt  }
0x81: {  	_ =	shalt  }
0x82: {  	_ =	shalt  }
0x83: {  	_ =	shalt  }
0x84: {  	_ =	shalt  }
0x85: {  	_ =	shalt  }
0x86: {  	_ =	shalt  }
0x87: {  	_ =	shalt  }
.Lfunc_end0:
.L_simem_size_0:
called_computation.1_lowered:
.L_overlay_start_0:
0x88: {  	s2 =	sld [smem:$0x3FD9]  }
0x89: {  	s3 =	sld [smem:$0x3FFE];
	_ =	sdelay $0x1  }
0x8a: {  	s1 =	srdreg.scid  }
0x8b: {  	s0 =	sand.u32 $0x1, s1  }
0x8c: {  	s17 =	sshll.u32 s0, $0xA;
	s2 =	sadd.s32 s3, s2  }
0x8d: {  	s2 =	sadd.s32 s2, s17  }
0x8e: {  	[smem:$0x3FC7] =	sst s2  }
0x8f: {  	_ = 	snop  }
0x90: {  	s2 =	sld [smem:$0x3FD0];
	(tm) =	ssettm $0x1  }
0x91: {  	s18 =	sld [smem:$0x3FFB];
	_ =	sdelay $0x3  }
0x92: {  	_ =	strace s18  }
0x93: {  	s3 =	sld [smem:$0x3FFC];
	_ =	sdelay $0x3  }
0x94: {  	_ =	strace s3  }
0x95: {  	s3 =	sld [smem:$0x3FFD];
	_ =	sdelay $0x3  }
0x96: {  	_ =	strace s3  }
0x97: {  	_ =	strace $0x8FFFFFFF  }
0x98: {  	s19 =	sld [smem:$0x3FDB];
	_ =	sdelay $0x1  }
0x99: {  	s4 =	simm.s32 $_scs_section_size  }
0x9a: {  	s5 =	simm.s32 $_size__tile_overlayer_lowered;
	s6 =	simm.s32 $_tile_overlayer_lowered  }
0x9b: {  	s22 =	simm.s32 $0x1BFF;
	s21 =	sshll.u32 s6, $0x1;
	s3 =	sadd.s32 s4, s19  }
0x9c: {  	s7 =	simm.s32 $0x0;
	s20 =	sshll.u32 s5, $0x1;
	s5 =	sadd.s32 s21, s3  }
0x9d: {  	[timem:s7], [sflag:s22] =	dma.local [hbm:s5], s20  }
0x9e: {  	_ =	swait.ge [sflag:s22], s20  }
0x9f: {  	s4 =	ssub.s32 $0x0, s20;
	[sflag:s22] =	ssyncset.done $0x0  }
0xa0: {  	[sflag:s22] =	ssyncadd.s32 s4;
	_ =	sdelay $0x1  }
0xa1: {  	s23 =	simm.s32 $0x1B8B  }
0xa2: {  	_ =	swait.ge [sflag:s23], $0x1  }
0xa3: {  	[sflag:s23] =	ssyncset.done $0x0  }
0xa4: {  	s25 =	simm.s32 $0x1B8E;
	s24 =	sld [smem:$0x3FFE];
	[sflag:s23] =	ssyncadd.s32 $0xFFFFFFFF  }
0xa5: {  	s26 =	simm.s32 $execute0_lowered;
	[smem:$0x3FD2] =	sst s25  }
0xa6: {  	s5 =	sshll.u32 s26, $0x1;
	_ =	strace $0x80000046;
	[dreg:$0x1] =	wrdreg $0xFFFFFFFF  }
0xa7: {  	s28 =	simm.s32 $_size_execute0_lowered;
	s3 =	sadd.s32 s3, s5;
	[dreg:$0x0] =	wrdreg $0x0  }
0xa8: {  	s5 =	sshll.u32 s28, $0x1;
	[dreg:$0x2] =	wrdreg s3  }
0xa9: {  	[dreg:$0x3] =	wrdreg s5  }
0xaa: {  	[dreg:$0x4] =	wrdreg $0xC0  }
0xab: {  	_ =	task [dreg:s7], $0x5FFFF  }
0xac: {  	[dreg:$0x1] =	wrdreg $0xFFFFFFFF  }
0xad: {  	[dreg:$0x0] =	wrdreg $0x60  }
0xae: {  	[dreg:$0x2] =	wrdreg s24  }
0xaf: {  	[dreg:$0x3] =	wrdreg s2  }
0xb0: {  	[dreg:$0x4] =	wrdreg $0x9  }
0xb1: {  	_ =	task.clear_ibuf [dreg:s7], $0x5FFFF;
	_ =	strace $0x90000046  }
0xb2: {  	s29 =	simm.s32 $0x9;
	_ =	strace $0x80000048  }
0xb3: {  	_ =	swait.ge [sflag:s29], $0x1  }
0xb4: {  	[sflag:s29] =	ssyncadd.s32 $0xFFFFFFFF  }
0xb5: {  	_ =	strace $0x90000048  }
0xb6: {  	_ =	sfence  }
0xb7: {  	s30 =	sld [smem:$0x0];
	_ =	sdelay $0x2  }
0xb8: {  	s31 =	sshll.u32 s1, $0xD;
	s1 =	sshrl.u32 s1, $0x2  }
0xb9: {  	s3 =	sand.u32 $0x4000, s31;
	s1 =	sadd.s32 s1, s30  }
0xba: {  	s0 =	sor.u32 s3, s0;
	s1 =	sshll.u32 s1, $0x11  }
0xbb: {  	s0 =	sor.u32 s1, s0  }
0xbc: {  	s0 =	sadd.s32 $0x8F2B, s0  }
0xbd: {  	[sflag:s0] =	ssyncadd.remote.s32 $0x1  }
0xbe: {  	_ =	sfence.sel $0xFFFF  }
0xbf: {  	[dreg:$0x0] =	wrdreg $0xFFFFFFFF;
	(pc) =	sbr.abs _section_cstart, $3  }
0xc0: {  	[dreg:$0x1] =	wrdreg $0xFFFFFFFF  }
0xc1: {  	_ =	task.clear_ibuf [dreg:s7], $0x2FFFF;
	_ =	strace $0x9FFFFFFF  }
0xc2: {  	(tm) =	ssettm $0x7FFFFFFF  }
0xc3: {  	_ =	shalt  }
tec
execute0_lowered:
.L_overlay_start_1:
0x0: {  	(tag) =	ssettag $0x1  }
0x1: {  	s0 =	srdreg.scid  }
0x2: {  	s1 =	rddreg [dreg:$0x0];
	s2 =	stileid.u32  }
0x3: {  	s3 =	rddreg [dreg:$0x1];
	s8 =	simm.s32 $0x400;
	s9 =	simm.s32 $0x6990  }
0x4: {  	s10 =	simm.s32 $0x1;
	s11 =	simm.s32 $0x2;
	s0 =	sand.u32 $0x1, s0  }
0x5: {  	s4 =	sshll.u32 s2, $0x6;
	s2 =	simm.s32 $0x0;
	s5 =	sshll.u32 s0, $0x5  }
0x6: {  	[smem:$0x7FF] =	sst s2;
	s0 =	ssub.s32 $0x2, s0;
	s4 =	sor.u32 s5, s4  }
0x7: {  	_ =	strace $0x80000047;
	s5 =	sshll.u32 s4, $0x2;
	s6 =	smul.u32 $0x6590, s4  }
0x8: {  	s12 =	sshrl.u32 s0, $0x1;
	s4 =	smul.u32 $0xCB2, s4;
	s1 =	sadd.s32 s5, s1  }
0x9: {  	s7 =	ssub.s32 s0, s12;
	s12 =	simm.s32 $0x0;
	s13 =	sadd.s32 $0x800, s1  }
0xa: {  	s6 =	sshrl.u32 s6, $0x3;
	s16 =	sadd.s32 s3, s4;
	[dreg:$0x3] =	wrdreg s13  }
0xb: {  	s14 =	sadd.s32 s3, s6;
	[dreg:$0x4] =	wrdreg s16;
	s6 =	smax.u32 s7, $0x1  }
0xc: {  	s7 =	simm.s32 $0x3;
	s17 =	sadd.s32 $0xCB2, s14;
	s18 =	sadd.s32 $0x1964, s14  }
0xd: {  	s19 =	sadd.s32 $0x2616, s14;
	s20 =	sadd.s32 $0x32C8, s14;
	[dreg:$0x5] =	wrdreg s17  }
0xe: {  	s21 =	sadd.s32 $0x3F7A, s14;
	s22 =	sadd.s32 $0x4C2C, s14;
	[dreg:$0x6] =	wrdreg s18  }
0xf: {  	s23 =	sadd.s32 $0x58DE, s14;
	s24 =	sadd.s32 $0x6590, s14;
	[dreg:$0x7] =	wrdreg s19  }
0x10: {  	s25 =	sadd.s32 $0x7242, s14;
	s26 =	sadd.s32 $0x7EF4, s14;
	[dreg:$0x8] =	wrdreg s20  }
0x11: {  	s15 =	sadd.s32 $0x8BA6, s14;
	s16 =	sadd.s32 $0x9858, s14;
	[dreg:$0x9] =	wrdreg s21  }
0x12: {  	s28 =	sadd.s32 $0x123FE, s14;
	s29 =	sadd.s32 $0x130B0, s14;
	[dreg:$0xa] =	wrdreg s22  }
0x13: {  	s30 =	sadd.s32 $0x13D62, s14;
	s31 =	sadd.s32 $0x14A14, s14;
	[dreg:$0xb] =	wrdreg s23  }
0x14: {  	s1 =	sadd.s32 $0x156C6, s14;
	s0 =	sadd.s32 $0x16378, s14;
	[dreg:$0xc] =	wrdreg s24  }
0x15: {  	s3 =	sadd.s32 $0x1702A, s14;
	s4 =	sadd.s32 $0x17CDC, s14;
	[dreg:$0xd] =	wrdreg s25  }
0x16: {  	v0 =	vlaneseq.u32;
	s5 =	sadd.s32 $0x1898E, s14;
	[dreg:$0xe] =	wrdreg s26;
	s17 =	sadd.s32 $0xA50A, s14  }
0x17: {  	v0 =	vmul.u32 $0x3E8, v0;
	s18 =	sadd.s32 $0xB1BC, s14;
	s19 =	sadd.s32 $0xBE6E, s14;
	s20 =	sadd.s32 $0xCB20, s14  }
0x18: {  	s21 =	sadd.s32 $0xD7D2, s14;
	s22 =	sadd.s32 $0xE484, s14;
	s23 =	sadd.s32 $0xF136, s14  }
0x19: {  	v1 =	vimm.s32 $0x0;
	v2 =	vimm.s32 $0x1;
	v3 =	vadd.s32 $0x2710, v0;
	s24 =	sadd.s32 $0xFDE8, s14;
	s25 =	sadd.s32 $0x10A9A, s14;
	s26 =	sadd.s32 $0x1174C, s14  }
.LBB2_1:
0x1a: {  	s13 =	rddreg [dreg:$0x3]  }
0x1b: {  	[tilespmem:s2], [sflag:$0x3] =	stream.linear.gather [hbm4b:s13+s2], $0x400, $0x38;
	[tilespmem:$0xCF20] =	vst v63  }
0x1c: {  	_ =	swait.ge [sflag:s7], $0x400  }
0x1d: {  	[sflag:s7] =	ssyncset.done $0x0  }
0x1e: {  	s13 =	simm.s32 $0x3D8;
	[sflag:s7] =	ssyncadd.s32 $0xFFFFFC00  }
0x1f: {  	[tilespmem:s13+$0x3F8] =	vst v1  }
0x20: {  	[tilespmem:s13+$0x6988] =	vst v1  }
0x21: {  	s14 =	simm.s32 $0x1F00;
	[tilespmem:s13+$0x400] =	vst v1  }
.LBB2_2:
0x22: {  	p0 =	sne.s32 s14, $0x19600;
	[tilespmem:s13+$0x6990] =	vst v1  }
0x23: {  	[tilespmem:s13+$0x28] =	vst v1  }
0x24: {  	[tilespmem:s13+$0x38] =	vst v1  }
0x25: {  	[tilespmem:s13+$0x48] =	vst v1  }
0x26: {  	[tilespmem:s13+$0x58] =	vst v1  }
0x27: {  	[tilespmem:s13+$0x68] =	vst v1  }
0x28: {  	[tilespmem:s13+$0x78] =	vst v1  }
0x29: {  	[tilespmem:s13+$0x88] =	vst v1  }
0x2a: {  	[tilespmem:s13+$0x98] =	vst v1  }
0x2b: {  	[tilespmem:s13+$0xA8] =	vst v1  }
0x2c: {  	[tilespmem:s13+$0xB8] =	vst v1  }
0x2d: {  	[tilespmem:s13+$0xC8] =	vst v1  }
0x2e: {  	[tilespmem:s13+$0xD8] =	vst v1  }
0x2f: {  	[tilespmem:s13+$0xE8] =	vst v1  }
0x30: {  	[tilespmem:s13+$0xF8] =	vst v1  }
0x31: {  	[tilespmem:s13+$0x108] =	vst v1  }
0x32: {  	[tilespmem:s13+$0x118] =	vst v1  }
0x33: {  	[tilespmem:s13+$0x128] =	vst v1  }
0x34: {  	[tilespmem:s13+$0x138] =	vst v1  }
0x35: {  	[tilespmem:s13+$0x148] =	vst v1  }
0x36: {  	[tilespmem:s13+$0x158] =	vst v1  }
0x37: {  	[tilespmem:s13+$0x168] =	vst v1  }
0x38: {  	[tilespmem:s13+$0x178] =	vst v1  }
0x39: {  	[tilespmem:s13+$0x188] =	vst v1  }
0x3a: {  	[tilespmem:s13+$0x198] =	vst v1  }
0x3b: {  	[tilespmem:s13+$0x1A8] =	vst v1  }
0x3c: {  	[tilespmem:s13+$0x1B8] =	vst v1  }
0x3d: {  	[tilespmem:s13+$0x1C8] =	vst v1  }
0x3e: {  	[tilespmem:s13+$0x1D8] =	vst v1  }
0x3f: {  	[tilespmem:s13+$0x1E8] =	vst v1  }
0x40: {  	[tilespmem:s13+$0x1F8] =	vst v1  }
0x41: {  	[tilespmem:s13+$0x208] =	vst v1  }
0x42: {  	[tilespmem:s13+$0x218] =	vst v1  }
0x43: {  	[tilespmem:s13+$0x228] =	vst v1  }
0x44: {  	[tilespmem:s13+$0x238] =	vst v1  }
0x45: {  	[tilespmem:s13+$0x248] =	vst v1  }
0x46: {  	[tilespmem:s13+$0x258] =	vst v1  }
0x47: {  	[tilespmem:s13+$0x268] =	vst v1  }
0x48: {  	[tilespmem:s13+$0x278] =	vst v1  }
0x49: {  	[tilespmem:s13+$0x288] =	vst v1  }
0x4a: {  	[tilespmem:s13+$0x298] =	vst v1  }
0x4b: {  	[tilespmem:s13+$0x2A8] =	vst v1  }
0x4c: {  	[tilespmem:s13+$0x2B8] =	vst v1  }
0x4d: {  	[tilespmem:s13+$0x2C8] =	vst v1  }
0x4e: {  	[tilespmem:s13+$0x2D8] =	vst v1  }
0x4f: {  	[tilespmem:s13+$0x2E8] =	vst v1  }
0x50: {  	[tilespmem:s13+$0x2F8] =	vst v1  }
0x51: {  	[tilespmem:s13+$0x308] =	vst v1  }
0x52: {  	[tilespmem:s13+$0x318] =	vst v1  }
0x53: {  	[tilespmem:s13+$0x328] =	vst v1  }
0x54: {  	[tilespmem:s13+$0x338] =	vst v1  }
0x55: {  	[tilespmem:s13+$0x348] =	vst v1  }
0x56: {  	[tilespmem:s13+$0x358] =	vst v1  }
0x57: {  	[tilespmem:s13+$0x368] =	vst v1  }
0x58: {  	[tilespmem:s13+$0x378] =	vst v1  }
0x59: {  	[tilespmem:s13+$0x388] =	vst v1  }
0x5a: {  	[tilespmem:s13+$0x398] =	vst v1  }
0x5b: {  	[tilespmem:s13+$0x3A8] =	vst v1  }
0x5c: {  	[tilespmem:s13+$0x3B8] =	vst v1  }
0x5d: {  	[tilespmem:s13+$0x3C8] =	vst v1  }
0x5e: {  	[tilespmem:s13+$0x3D8] =	vst v1  }
0x5f: {  	[tilespmem:s13+$0x3E8] =	vst v1  }
0x60: {  	[tilespmem:s13+$0x65B8] =	vst v1  }
0x61: {  	[tilespmem:s13+$0x65C8] =	vst v1  }
0x62: {  	[tilespmem:s13+$0x65D8] =	vst v1  }
0x63: {  	[tilespmem:s13+$0x65E8] =	vst v1  }
0x64: {  	[tilespmem:s13+$0x65F8] =	vst v1  }
0x65: {  	[tilespmem:s13+$0x6608] =	vst v1  }
0x66: {  	[tilespmem:s13+$0x6618] =	vst v1  }
0x67: {  	[tilespmem:s13+$0x6628] =	vst v1  }
0x68: {  	[tilespmem:s13+$0x6638] =	vst v1  }
0x69: {  	[tilespmem:s13+$0x6648] =	vst v1  }
0x6a: {  	[tilespmem:s13+$0x6658] =	vst v1  }
0x6b: {  	[tilespmem:s13+$0x6668] =	vst v1  }
0x6c: {  	[tilespmem:s13+$0x6678] =	vst v1  }
0x6d: {  	[tilespmem:s13+$0x6688] =	vst v1  }
0x6e: {  	[tilespmem:s13+$0x6698] =	vst v1  }
0x6f: {  	[tilespmem:s13+$0x66A8] =	vst v1  }
0x70: {  	[tilespmem:s13+$0x66B8] =	vst v1  }
0x71: {  	[tilespmem:s13+$0x66C8] =	vst v1  }
0x72: {  	[tilespmem:s13+$0x66D8] =	vst v1  }
0x73: {  	[tilespmem:s13+$0x66E8] =	vst v1  }
0x74: {  	[tilespmem:s13+$0x66F8] =	vst v1  }
0x75: {  	[tilespmem:s13+$0x6708] =	vst v1  }
0x76: {  	[tilespmem:s13+$0x6718] =	vst v1  }
0x77: {  	[tilespmem:s13+$0x6728] =	vst v1  }
0x78: {  	[tilespmem:s13+$0x6738] =	vst v1  }
0x79: {  	[tilespmem:s13+$0x6748] =	vst v1  }
0x7a: {  	[tilespmem:s13+$0x6758] =	vst v1  }
0x7b: {  	[tilespmem:s13+$0x6768] =	vst v1  }
0x7c: {  	[tilespmem:s13+$0x6778] =	vst v1  }
0x7d: {  	[tilespmem:s13+$0x6788] =	vst v1  }
0x7e: {  	[tilespmem:s13+$0x6798] =	vst v1  }
0x7f: {  	[tilespmem:s13+$0x67A8] =	vst v1  }
0x80: {  	[tilespmem:s13+$0x67B8] =	vst v1  }
0x81: {  	[tilespmem:s13+$0x67C8] =	vst v1  }
0x82: {  	[tilespmem:s13+$0x67D8] =	vst v1  }
0x83: {  	[tilespmem:s13+$0x67E8] =	vst v1  }
0x84: {  	[tilespmem:s13+$0x67F8] =	vst v1  }
0x85: {  	[tilespmem:s13+$0x6808] =	vst v1  }
0x86: {  	[tilespmem:s13+$0x6818] =	vst v1  }
0x87: {  	[tilespmem:s13+$0x6828] =	vst v1  }
0x88: {  	[tilespmem:s13+$0x6838] =	vst v1  }
0x89: {  	[tilespmem:s13+$0x6848] =	vst v1  }
0x8a: {  	[tilespmem:s13+$0x6858] =	vst v1  }
0x8b: {  	[tilespmem:s13+$0x6868] =	vst v1  }
0x8c: {  	[tilespmem:s13+$0x6878] =	vst v1  }
0x8d: {  	[tilespmem:s13+$0x6888] =	vst v1  }
0x8e: {  	[tilespmem:s13+$0x6898] =	vst v1  }
0x8f: {  	[tilespmem:s13+$0x68A8] =	vst v1  }
0x90: {  	[tilespmem:s13+$0x68B8] =	vst v1  }
0x91: {  	[tilespmem:s13+$0x68C8] =	vst v1  }
0x92: {  	[tilespmem:s13+$0x68D8] =	vst v1  }
0x93: {  	[tilespmem:s13+$0x68E8] =	vst v1  }
0x94: {  	[tilespmem:s13+$0x68F8] =	vst v1  }
0x95: {  	[tilespmem:s13+$0x6908] =	vst v1  }
0x96: {  	[tilespmem:s13+$0x6918] =	vst v1  }
0x97: {  	[tilespmem:s13+$0x6928] =	vst v1  }
0x98: {  	[tilespmem:s13+$0x6938] =	vst v1  }
0x99: {  	[tilespmem:s13+$0x6948] =	vst v1  }
0x9a: {  	[tilespmem:s13+$0x6958] =	vst v1  }
.Ltmp0:
0x9b: {  	[tilespmem:s13+$0x6968] =	vst v1;
	(pc) =	sbr.rel @p0 .LBB2_2-.Ltmp0, $4  }
0x9c: {  	[tilespmem:s13+$0x6978] =	vst v1;
	s13 =	sshra.s32 s14, $0x2  }
0x9d: {  	[tilespmem:s13+$0x3F8] =	vst v1  }
0x9e: {  	[tilespmem:s13+$0x400] =	vst v1  }
0x9f: {  	s14 =	sadd.s32 $0xFA0, s14;
	[tilespmem:s13+$0x6988] =	vst v1  }
0xa0: {  	[tilespmem:s13+$0x6990] =	vst v1  }
0xa1: {  	[tilespmem:s13+$0x28] =	vst v1  }
0xa2: {  	[tilespmem:s13+$0x38] =	vst v1  }
0xa3: {  	[tilespmem:s13+$0x48] =	vst v1  }
0xa4: {  	[tilespmem:s13+$0x58] =	vst v1  }
0xa5: {  	[tilespmem:s13+$0x68] =	vst v1  }
0xa6: {  	[tilespmem:s13+$0x78] =	vst v1  }
0xa7: {  	[tilespmem:s13+$0x88] =	vst v1  }
0xa8: {  	[tilespmem:s13+$0x98] =	vst v1  }
0xa9: {  	[tilespmem:s13+$0xA8] =	vst v1  }
0xaa: {  	[tilespmem:s13+$0xB8] =	vst v1  }
0xab: {  	[tilespmem:s13+$0xC8] =	vst v1  }
0xac: {  	[tilespmem:s13+$0xD8] =	vst v1  }
0xad: {  	[tilespmem:s13+$0xE8] =	vst v1  }
0xae: {  	[tilespmem:s13+$0xF8] =	vst v1  }
0xaf: {  	[tilespmem:s13+$0x108] =	vst v1  }
0xb0: {  	[tilespmem:s13+$0x118] =	vst v1  }
0xb1: {  	[tilespmem:s13+$0x128] =	vst v1  }
0xb2: {  	[tilespmem:s13+$0x138] =	vst v1  }
0xb3: {  	[tilespmem:s13+$0x148] =	vst v1  }
0xb4: {  	[tilespmem:s13+$0x158] =	vst v1  }
0xb5: {  	[tilespmem:s13+$0x168] =	vst v1  }
0xb6: {  	[tilespmem:s13+$0x178] =	vst v1  }
0xb7: {  	[tilespmem:s13+$0x188] =	vst v1  }
0xb8: {  	[tilespmem:s13+$0x198] =	vst v1  }
0xb9: {  	[tilespmem:s13+$0x1A8] =	vst v1  }
0xba: {  	[tilespmem:s13+$0x1B8] =	vst v1  }
0xbb: {  	[tilespmem:s13+$0x1C8] =	vst v1  }
0xbc: {  	[tilespmem:s13+$0x1D8] =	vst v1  }
0xbd: {  	[tilespmem:s13+$0x1E8] =	vst v1  }
0xbe: {  	[tilespmem:s13+$0x1F8] =	vst v1  }
0xbf: {  	[tilespmem:s13+$0x208] =	vst v1  }
0xc0: {  	[tilespmem:s13+$0x218] =	vst v1  }
0xc1: {  	[tilespmem:s13+$0x228] =	vst v1  }
0xc2: {  	[tilespmem:s13+$0x238] =	vst v1  }
0xc3: {  	[tilespmem:s13+$0x248] =	vst v1  }
0xc4: {  	[tilespmem:s13+$0x258] =	vst v1  }
0xc5: {  	[tilespmem:s13+$0x268] =	vst v1  }
0xc6: {  	[tilespmem:s13+$0x278] =	vst v1  }
0xc7: {  	[tilespmem:s13+$0x288] =	vst v1  }
0xc8: {  	[tilespmem:s13+$0x298] =	vst v1  }
0xc9: {  	[tilespmem:s13+$0x2A8] =	vst v1  }
0xca: {  	[tilespmem:s13+$0x2B8] =	vst v1  }
0xcb: {  	[tilespmem:s13+$0x2C8] =	vst v1  }
0xcc: {  	[tilespmem:s13+$0x2D8] =	vst v1  }
0xcd: {  	[tilespmem:s13+$0x2E8] =	vst v1  }
0xce: {  	[tilespmem:s13+$0x2F8] =	vst v1  }
0xcf: {  	[tilespmem:s13+$0x308] =	vst v1  }
0xd0: {  	[tilespmem:s13+$0x318] =	vst v1  }
0xd1: {  	[tilespmem:s13+$0x328] =	vst v1  }
0xd2: {  	[tilespmem:s13+$0x338] =	vst v1  }
0xd3: {  	[tilespmem:s13+$0x348] =	vst v1  }
0xd4: {  	[tilespmem:s13+$0x358] =	vst v1  }
0xd5: {  	[tilespmem:s13+$0x368] =	vst v1  }
0xd6: {  	[tilespmem:s13+$0x378] =	vst v1  }
0xd7: {  	[tilespmem:s13+$0x388] =	vst v1  }
0xd8: {  	[tilespmem:s13+$0x398] =	vst v1  }
0xd9: {  	[tilespmem:s13+$0x3A8] =	vst v1  }
0xda: {  	[tilespmem:s13+$0x3B8] =	vst v1  }
0xdb: {  	[tilespmem:s13+$0x3C8] =	vst v1  }
0xdc: {  	[tilespmem:s13+$0x3D8] =	vst v1  }
0xdd: {  	[tilespmem:s13+$0x3E8] =	vst v1  }
0xde: {  	[tilespmem:s13+$0x65B8] =	vst v1  }
0xdf: {  	[tilespmem:s13+$0x65C8] =	vst v1  }
0xe0: {  	[tilespmem:s13+$0x65D8] =	vst v1  }
0xe1: {  	[tilespmem:s13+$0x65E8] =	vst v1  }
0xe2: {  	[tilespmem:s13+$0x65F8] =	vst v1  }
0xe3: {  	[tilespmem:s13+$0x6608] =	vst v1  }
0xe4: {  	[tilespmem:s13+$0x6618] =	vst v1  }
0xe5: {  	[tilespmem:s13+$0x6628] =	vst v1  }
0xe6: {  	[tilespmem:s13+$0x6638] =	vst v1  }
0xe7: {  	[tilespmem:s13+$0x6648] =	vst v1  }
0xe8: {  	[tilespmem:s13+$0x6658] =	vst v1  }
0xe9: {  	[tilespmem:s13+$0x6668] =	vst v1  }
0xea: {  	[tilespmem:s13+$0x6678] =	vst v1  }
0xeb: {  	[tilespmem:s13+$0x6688] =	vst v1  }
0xec: {  	[tilespmem:s13+$0x6698] =	vst v1  }
0xed: {  	[tilespmem:s13+$0x66A8] =	vst v1  }
0xee: {  	[tilespmem:s13+$0x66B8] =	vst v1  }
0xef: {  	[tilespmem:s13+$0x66C8] =	vst v1  }
0xf0: {  	[tilespmem:s13+$0x66D8] =	vst v1  }
0xf1: {  	[tilespmem:s13+$0x66E8] =	vst v1  }
0xf2: {  	[tilespmem:s13+$0x66F8] =	vst v1  }
0xf3: {  	[tilespmem:s13+$0x6708] =	vst v1  }
0xf4: {  	[tilespmem:s13+$0x6718] =	vst v1  }
0xf5: {  	[tilespmem:s13+$0x6728] =	vst v1  }
0xf6: {  	[tilespmem:s13+$0x6738] =	vst v1  }
0xf7: {  	[tilespmem:s13+$0x6748] =	vst v1  }
0xf8: {  	[tilespmem:s13+$0x6758] =	vst v1  }
0xf9: {  	[tilespmem:s13+$0x6768] =	vst v1  }
0xfa: {  	[tilespmem:s13+$0x6778] =	vst v1  }
0xfb: {  	[tilespmem:s13+$0x6788] =	vst v1  }
0xfc: {  	[tilespmem:s13+$0x6798] =	vst v1  }
0xfd: {  	[tilespmem:s13+$0x67A8] =	vst v1  }
0xfe: {  	[tilespmem:s13+$0x67B8] =	vst v1  }
0xff: {  	[tilespmem:s13+$0x67C8] =	vst v1  }
0x100: {  	[tilespmem:s13+$0x67D8] =	vst v1  }
0x101: {  	[tilespmem:s13+$0x67E8] =	vst v1  }
0x102: {  	[tilespmem:s13+$0x67F8] =	vst v1  }
0x103: {  	[tilespmem:s13+$0x6808] =	vst v1  }
0x104: {  	[tilespmem:s13+$0x6818] =	vst v1  }
0x105: {  	[tilespmem:s13+$0x6828] =	vst v1  }
0x106: {  	[tilespmem:s13+$0x6838] =	vst v1  }
0x107: {  	[tilespmem:s13+$0x6848] =	vst v1  }
0x108: {  	[tilespmem:s13+$0x6858] =	vst v1  }
0x109: {  	[tilespmem:s13+$0x6868] =	vst v1  }
0x10a: {  	[tilespmem:s13+$0x6878] =	vst v1  }
0x10b: {  	[tilespmem:s13+$0x6888] =	vst v1  }
0x10c: {  	[tilespmem:s13+$0x6898] =	vst v1  }
0x10d: {  	[tilespmem:s13+$0x68A8] =	vst v1  }
0x10e: {  	[tilespmem:s13+$0x68B8] =	vst v1  }
0x10f: {  	[tilespmem:s13+$0x68C8] =	vst v1  }
0x110: {  	[tilespmem:s13+$0x68D8] =	vst v1  }
0x111: {  	[tilespmem:s13+$0x68E8] =	vst v1  }
0x112: {  	[tilespmem:s13+$0x68F8] =	vst v1  }
0x113: {  	[tilespmem:s13+$0x6908] =	vst v1  }
0x114: {  	[tilespmem:s13+$0x6918] =	vst v1  }
0x115: {  	[tilespmem:s13+$0x6928] =	vst v1  }
0x116: {  	[tilespmem:s13+$0x6938] =	vst v1  }
0x117: {  	[tilespmem:s13+$0x6948] =	vst v1  }
0x118: {  	[tilespmem:s13+$0x6958] =	vst v1  }
0x119: {  	[tilespmem:s13+$0x6968] =	vst v1  }
0x11a: {  	[tilespmem:s13+$0x6978] =	vst v1  }
0x11b: {  	v4 =	vld [tilespmem:$0x0]  }
0x11c: {  	v5 =	vld [tilespmem:$0xA];
	_ =	sdelay $0x3  }
0x11d: {  	v4 =	vadd.s32 v0, v4  }
0x11e: {  	v5 =	vadd.s32 v3, v5;
	_ =	sdelay $0x3  }
0x11f: {  	[tilespmem:v4+s8+$0x0] =	vst.idx.msk $0xffff, v2  }
0x120: {  	s14 =	rddreg [dreg:$0x4];
	[tilespmem:v5+s8+$0x0] =	vst.idx.msk $0xffff, v2  }
0x121: {  	[hbm4b:s14+s2] =	stream.linear.scatter [tilespmem:s8], [sflag:$0x1], $0x6590, $0x38;
	[tilespmem:$0xCF20] =	vst v63  }
0x122: {  	v4 =	vld [tilespmem:$0x20]  }
0x123: {  	v5 =	vld [tilespmem:$0x2A];
	_ =	sdelay $0x3  }
0x124: {  	v4 =	vadd.s32 v0, v4  }
0x125: {  	v5 =	vadd.s32 v3, v5;
	_ =	sdelay $0x3  }
0x126: {  	[tilespmem:v4+s9+$0x0] =	vst.idx.msk $0xffff, v2  }
0x127: {  	s14 =	rddreg [dreg:$0x5];
	[tilespmem:v5+s9+$0x0] =	vst.idx.msk $0xffff, v2  }
0x128: {  	[hbm4b:s14+s2] =	stream.linear.scatter [tilespmem:s9], [sflag:$0x2], $0x6590, $0x38;
	[tilespmem:$0xCF20] =	vst v63  }
0x129: {  	_ =	swait.ge [sflag:s10], $0x6590  }
0x12a: {  	[sflag:s10] =	ssyncset.done $0x0  }
0x12b: {  	[sflag:s10] =	ssyncadd.s32 $0xFFFF9A70  }
0x12c: {  	v4 =	vld [tilespmem:$0x0]  }
0x12d: {  	v5 =	vld [tilespmem:$0xA];
	_ =	sdelay $0x3  }
0x12e: {  	v4 =	vadd.s32 v0, v4  }
0x12f: {  	v5 =	vadd.s32 v3, v5;
	_ =	sdelay $0x3  }
0x130: {  	[tilespmem:v4+s8+$0x0] =	vst.idx.msk $0xffff, v1  }
0x131: {  	[tilespmem:v5+s8+$0x0] =	vst.idx.msk $0xffff, v1  }
0x132: {  	v4 =	vld [tilespmem:$0x40]  }
0x133: {  	v5 =	vld [tilespmem:$0x4A];
	_ =	sdelay $0x3  }
0x134: {  	v4 =	vadd.s32 v0, v4  }
0x135: {  	v5 =	vadd.s32 v3, v5;
	_ =	sdelay $0x3  }
0x136: {  	[tilespmem:v4+s8+$0x0] =	vst.idx.msk $0xffff, v2  }
0x137: {  	s14 =	rddreg [dreg:$0x6];
	[tilespmem:v5+s8+$0x0] =	vst.idx.msk $0xffff, v2  }
0x138: {  	[hbm4b:s14+s2] =	stream.linear.scatter [tilespmem:s8], [sflag:$0x1], $0x6590, $0x38;
	[tilespmem:$0xCF20] =	vst v63  }
0x139: {  	_ =	swait.ge [sflag:s11], $0x6590  }
0x13a: {  	[sflag:s11] =	ssyncset.done $0x0  }
0x13b: {  	[sflag:s11] =	ssyncadd.s32 $0xFFFF9A70  }
0x13c: {  	v4 =	vld [tilespmem:$0x20]  }
0x13d: {  	v5 =	vld [tilespmem:$0x2A];
	_ =	sdelay $0x3  }
0x13e: {  	v4 =	vadd.s32 v0, v4  }
0x13f: {  	v5 =	vadd.s32 v3, v5;
	_ =	sdelay $0x3  }
0x140: {  	[tilespmem:v4+s9+$0x0] =	vst.idx.msk $0xffff, v1  }
0x141: {  	[tilespmem:v5+s9+$0x0] =	vst.idx.msk $0xffff, v1  }
0x142: {  	v4 =	vld [tilespmem:$0x60]  }
0x143: {  	v5 =	vld [tilespmem:$0x6A];
	_ =	sdelay $0x3  }
0x144: {  	v4 =	vadd.s32 v0, v4  }
0x145: {  	v5 =	vadd.s32 v3, v5;
	_ =	sdelay $0x3  }
0x146: {  	[tilespmem:v4+s9+$0x0] =	vst.idx.msk $0xffff, v2  }
0x147: {  	s14 =	rddreg [dreg:$0x7];
	[tilespmem:v5+s9+$0x0] =	vst.idx.msk $0xffff, v2  }
0x148: {  	[hbm4b:s14+s2] =	stream.linear.scatter [tilespmem:s9], [sflag:$0x2], $0x6590, $0x38;
	[tilespmem:$0xCF20] =	vst v63  }
0x149: {  	_ =	swait.ge [sflag:s10], $0x6590  }
0x14a: {  	[sflag:s10] =	ssyncset.done $0x0  }
0x14b: {  	[sflag:s10] =	ssyncadd.s32 $0xFFFF9A70  }
0x14c: {  	v4 =	vld [tilespmem:$0x40]  }
0x14d: {  	v5 =	vld [tilespmem:$0x4A];
	_ =	sdelay $0x3  }
0x14e: {  	v4 =	vadd.s32 v0, v4  }
0x14f: {  	v5 =	vadd.s32 v3, v5;
	_ =	sdelay $0x3  }
0x150: {  	[tilespmem:v4+s8+$0x0] =	vst.idx.msk $0xffff, v1  }
0x151: {  	[tilespmem:v5+s8+$0x0] =	vst.idx.msk $0xffff, v1  }
0x152: {  	v4 =	vld [tilespmem:$0x80]  }
0x153: {  	v5 =	vld [tilespmem:$0x8A];
	_ =	sdelay $0x3  }
0x154: {  	v4 =	vadd.s32 v0, v4  }
0x155: {  	v5 =	vadd.s32 v3, v5;
	_ =	sdelay $0x3  }
0x156: {  	[tilespmem:v4+s8+$0x0] =	vst.idx.msk $0xffff, v2  }
0x157: {  	s14 =	rddreg [dreg:$0x8];
	[tilespmem:v5+s8+$0x0] =	vst.idx.msk $0xffff, v2  }
0x158: {  	[hbm4b:s14+s2] =	stream.linear.scatter [tilespmem:s8], [sflag:$0x1], $0x6590, $0x38;
	[tilespmem:$0xCF20] =	vst v63  }
0x159: {  	_ =	swait.ge [sflag:s11], $0x6590  }
0x15a: {  	[sflag:s11] =	ssyncset.done $0x0  }
0x15b: {  	[sflag:s11] =	ssyncadd.s32 $0xFFFF9A70  }
0x15c: {  	v4 =	vld [tilespmem:$0x60]  }
0x15d: {  	v5 =	vld [tilespmem:$0x6A];
	_ =	sdelay $0x3  }
0x15e: {  	v4 =	vadd.s32 v0, v4  }
0x15f: {  	v5 =	vadd.s32 v3, v5;
	_ =	sdelay $0x3  }
0x160: {  	[tilespmem:v4+s9+$0x0] =	vst.idx.msk $0xffff, v1  }
0x161: {  	[tilespmem:v5+s9+$0x0] =	vst.idx.msk $0xffff, v1  }
0x162: {  	v4 =	vld [tilespmem:$0xA0]  }
0x163: {  	v5 =	vld [tilespmem:$0xAA];
	_ =	sdelay $0x3  }
0x164: {  	v4 =	vadd.s32 v0, v4  }
0x165: {  	v5 =	vadd.s32 v3, v5;
	_ =	sdelay $0x3  }
0x166: {  	[tilespmem:v4+s9+$0x0] =	vst.idx.msk $0xffff, v2  }
0x167: {  	s14 =	rddreg [dreg:$0x9];
	[tilespmem:v5+s9+$0x0] =	vst.idx.msk $0xffff, v2  }
0x168: {  	[hbm4b:s14+s2] =	stream.linear.scatter [tilespmem:s9], [sflag:$0x2], $0x6590, $0x38;
	[tilespmem:$0xCF20] =	vst v63  }
0x169: {  	_ =	swait.ge [sflag:s10], $0x6590  }
0x16a: {  	[sflag:s10] =	ssyncset.done $0x0  }
0x16b: {  	[sflag:s10] =	ssyncadd.s32 $0xFFFF9A70  }
0x16c: {  	v4 =	vld [tilespmem:$0x80]  }
0x16d: {  	v5 =	vld [tilespmem:$0x8A];
	_ =	sdelay $0x3  }
0x16e: {  	v4 =	vadd.s32 v0, v4  }
0x16f: {  	v5 =	vadd.s32 v3, v5;
	_ =	sdelay $0x3  }
0x170: {  	[tilespmem:v4+s8+$0x0] =	vst.idx.msk $0xffff, v1  }
0x171: {  	[tilespmem:v5+s8+$0x0] =	vst.idx.msk $0xffff, v1  }
0x172: {  	v4 =	vld [tilespmem:$0xC0]  }
0x173: {  	v5 =	vld [tilespmem:$0xCA];
	_ =	sdelay $0x3  }
0x174: {  	v4 =	vadd.s32 v0, v4  }
0x175: {  	v5 =	vadd.s32 v3, v5;
	_ =	sdelay $0x3  }
0x176: {  	[tilespmem:v4+s8+$0x0] =	vst.idx.msk $0xffff, v2  }
0x177: {  	s14 =	rddreg [dreg:$0xa];
	[tilespmem:v5+s8+$0x0] =	vst.idx.msk $0xffff, v2  }
0x178: {  	[hbm4b:s14+s2] =	stream.linear.scatter [tilespmem:s8], [sflag:$0x1], $0x6590, $0x38;
	[tilespmem:$0xCF20] =	vst v63  }
0x179: {  	_ =	swait.ge [sflag:s11], $0x6590  }
0x17a: {  	[sflag:s11] =	ssyncset.done $0x0  }
0x17b: {  	[sflag:s11] =	ssyncadd.s32 $0xFFFF9A70  }
0x17c: {  	v4 =	vld [tilespmem:$0xA0]  }
0x17d: {  	v5 =	vld [tilespmem:$0xAA];
	_ =	sdelay $0x3  }
0x17e: {  	v4 =	vadd.s32 v0, v4  }
0x17f: {  	v5 =	vadd.s32 v3, v5;
	_ =	sdelay $0x3  }
0x180: {  	[tilespmem:v4+s9+$0x0] =	vst.idx.msk $0xffff, v1  }
0x181: {  	[tilespmem:v5+s9+$0x0] =	vst.idx.msk $0xffff, v1  }
0x182: {  	v4 =	vld [tilespmem:$0xE0]  }
0x183: {  	v5 =	vld [tilespmem:$0xEA];
	_ =	sdelay $0x3  }
0x184: {  	v4 =	vadd.s32 v0, v4  }
0x185: {  	v5 =	vadd.s32 v3, v5;
	_ =	sdelay $0x3  }
0x186: {  	[tilespmem:v4+s9+$0x0] =	vst.idx.msk $0xffff, v2  }
0x187: {  	s14 =	rddreg [dreg:$0xb];
	[tilespmem:v5+s9+$0x0] =	vst.idx.msk $0xffff, v2  }
0x188: {  	[hbm4b:s14+s2] =	stream.linear.scatter [tilespmem:s9], [sflag:$0x2], $0x6590, $0x38;
	[tilespmem:$0xCF20] =	vst v63  }
0x189: {  	_ =	swait.ge [sflag:s10], $0x6590  }
0x18a: {  	[sflag:s10] =	ssyncset.done $0x0  }
0x18b: {  	[sflag:s10] =	ssyncadd.s32 $0xFFFF9A70  }
0x18c: {  	v4 =	vld [tilespmem:$0xC0]  }
0x18d: {  	v5 =	vld [tilespmem:$0xCA];
	_ =	sdelay $0x3  }
0x18e: {  	v4 =	vadd.s32 v0, v4  }
0x18f: {  	v5 =	vadd.s32 v3, v5;
	_ =	sdelay $0x3  }
0x190: {  	[tilespmem:v4+s8+$0x0] =	vst.idx.msk $0xffff, v1  }
0x191: {  	[tilespmem:v5+s8+$0x0] =	vst.idx.msk $0xffff, v1  }
0x192: {  	v4 =	vld [tilespmem:$0x100]  }
0x193: {  	v5 =	vld [tilespmem:$0x10A];
	_ =	sdelay $0x3  }
0x194: {  	v4 =	vadd.s32 v0, v4  }
0x195: {  	v5 =	vadd.s32 v3, v5;
	_ =	sdelay $0x3  }
0x196: {  	[tilespmem:v4+s8+$0x0] =	vst.idx.msk $0xffff, v2  }
0x197: {  	s14 =	rddreg [dreg:$0xc];
	[tilespmem:v5+s8+$0x0] =	vst.idx.msk $0xffff, v2  }
0x198: {  	[hbm4b:s14+s2] =	stream.linear.scatter [tilespmem:s8], [sflag:$0x1], $0x6590, $0x38;
	[tilespmem:$0xCF20] =	vst v63  }
0x199: {  	_ =	swait.ge [sflag:s11], $0x6590  }
0x19a: {  	[sflag:s11] =	ssyncset.done $0x0  }
0x19b: {  	[sflag:s11] =	ssyncadd.s32 $0xFFFF9A70  }
0x19c: {  	v4 =	vld [tilespmem:$0xE0]  }
0x19d: {  	v5 =	vld [tilespmem:$0xEA];
	_ =	sdelay $0x3  }
0x19e: {  	v4 =	vadd.s32 v0, v4  }
0x19f: {  	v5 =	vadd.s32 v3, v5;
	_ =	sdelay $0x3  }
0x1a0: {  	[tilespmem:v4+s9+$0x0] =	vst.idx.msk $0xffff, v1  }
0x1a1: {  	[tilespmem:v5+s9+$0x0] =	vst.idx.msk $0xffff, v1  }
0x1a2: {  	v4 =	vld [tilespmem:$0x120]  }
0x1a3: {  	v5 =	vld [tilespmem:$0x12A];
	_ =	sdelay $0x3  }
0x1a4: {  	v4 =	vadd.s32 v0, v4  }
0x1a5: {  	v5 =	vadd.s32 v3, v5;
	_ =	sdelay $0x3  }
0x1a6: {  	[tilespmem:v4+s9+$0x0] =	vst.idx.msk $0xffff, v2  }
0x1a7: {  	s14 =	rddreg [dreg:$0xd];
	[tilespmem:v5+s9+$0x0] =	vst.idx.msk $0xffff, v2  }
0x1a8: {  	[hbm4b:s14+s2] =	stream.linear.scatter [tilespmem:s9], [sflag:$0x2], $0x6590, $0x38;
	[tilespmem:$0xCF20] =	vst v63  }
0x1a9: {  	_ =	swait.ge [sflag:s10], $0x6590  }
0x1aa: {  	[sflag:s10] =	ssyncset.done $0x0  }
0x1ab: {  	[sflag:s10] =	ssyncadd.s32 $0xFFFF9A70  }
0x1ac: {  	v4 =	vld [tilespmem:$0x100]  }
0x1ad: {  	v5 =	vld [tilespmem:$0x10A];
	_ =	sdelay $0x3  }
0x1ae: {  	v4 =	vadd.s32 v0, v4  }
0x1af: {  	v5 =	vadd.s32 v3, v5;
	_ =	sdelay $0x3  }
0x1b0: {  	[tilespmem:v4+s8+$0x0] =	vst.idx.msk $0xffff, v1  }
0x1b1: {  	[tilespmem:v5+s8+$0x0] =	vst.idx.msk $0xffff, v1  }
0x1b2: {  	v4 =	vld [tilespmem:$0x140]  }
0x1b3: {  	v5 =	vld [tilespmem:$0x14A];
	_ =	sdelay $0x3  }
0x1b4: {  	v4 =	vadd.s32 v0, v4  }
0x1b5: {  	v5 =	vadd.s32 v3, v5;
	_ =	sdelay $0x3  }
0x1b6: {  	[tilespmem:v4+s8+$0x0] =	vst.idx.msk $0xffff, v2  }
0x1b7: {  	s14 =	rddreg [dreg:$0xe];
	[tilespmem:v5+s8+$0x0] =	vst.idx.msk $0xffff, v2  }
0x1b8: {  	[hbm4b:s14+s2] =	stream.linear.scatter [tilespmem:s8], [sflag:$0x1], $0x6590, $0x38;
	[tilespmem:$0xCF20] =	vst v63  }
0x1b9: {  	_ =	swait.ge [sflag:s11], $0x6590  }
0x1ba: {  	[sflag:s11] =	ssyncset.done $0x0  }
0x1bb: {  	[sflag:s11] =	ssyncadd.s32 $0xFFFF9A70  }
0x1bc: {  	v4 =	vld [tilespmem:$0x120]  }
0x1bd: {  	v5 =	vld [tilespmem:$0x12A];
	_ =	sdelay $0x3  }
0x1be: {  	v4 =	vadd.s32 v0, v4  }
0x1bf: {  	v5 =	vadd.s32 v3, v5;
	_ =	sdelay $0x3  }
0x1c0: {  	[tilespmem:v4+s9+$0x0] =	vst.idx.msk $0xffff, v1  }
0x1c1: {  	[tilespmem:v5+s9+$0x0] =	vst.idx.msk $0xffff, v1  }
0x1c2: {  	v4 =	vld [tilespmem:$0x160]  }
0x1c3: {  	v5 =	vld [tilespmem:$0x16A];
	_ =	sdelay $0x3  }
0x1c4: {  	v4 =	vadd.s32 v0, v4  }
0x1c5: {  	v5 =	vadd.s32 v3, v5;
	_ =	sdelay $0x3  }
0x1c6: {  	[tilespmem:v4+s9+$0x0] =	vst.idx.msk $0xffff, v2  }
0x1c7: {  	[tilespmem:v5+s9+$0x0] =	vst.idx.msk $0xffff, v2  }
0x1c8: {  	[hbm4b:s15+s2] =	stream.linear.scatter [tilespmem:s9], [sflag:$0x2], $0x6590, $0x38;
	[tilespmem:$0xCF20] =	vst v63  }
0x1c9: {  	_ =	swait.ge [sflag:s10], $0x6590  }
0x1ca: {  	[sflag:s10] =	ssyncset.done $0x0  }
0x1cb: {  	[sflag:s10] =	ssyncadd.s32 $0xFFFF9A70  }
0x1cc: {  	v4 =	vld [tilespmem:$0x140]  }
0x1cd: {  	v5 =	vld [tilespmem:$0x14A];
	_ =	sdelay $0x3  }
0x1ce: {  	v4 =	vadd.s32 v0, v4  }
0x1cf: {  	v5 =	vadd.s32 v3, v5;
	_ =	sdelay $0x3  }
0x1d0: {  	[tilespmem:v4+s8+$0x0] =	vst.idx.msk $0xffff, v1  }
0x1d1: {  	[tilespmem:v5+s8+$0x0] =	vst.idx.msk $0xffff, v1  }
0x1d2: {  	v4 =	vld [tilespmem:$0x180]  }
0x1d3: {  	v5 =	vld [tilespmem:$0x18A];
	_ =	sdelay $0x3  }
0x1d4: {  	v4 =	vadd.s32 v0, v4  }
0x1d5: {  	v5 =	vadd.s32 v3, v5;
	_ =	sdelay $0x3  }
0x1d6: {  	[tilespmem:v4+s8+$0x0] =	vst.idx.msk $0xffff, v2  }
0x1d7: {  	[tilespmem:v5+s8+$0x0] =	vst.idx.msk $0xffff, v2  }
0x1d8: {  	[hbm4b:s16+s2] =	stream.linear.scatter [tilespmem:s8], [sflag:$0x1], $0x6590, $0x38;
	[tilespmem:$0xCF20] =	vst v63  }
0x1d9: {  	_ =	swait.ge [sflag:s11], $0x6590  }
0x1da: {  	[sflag:s11] =	ssyncset.done $0x0  }
0x1db: {  	[sflag:s11] =	ssyncadd.s32 $0xFFFF9A70  }
0x1dc: {  	v4 =	vld [tilespmem:$0x160]  }
0x1dd: {  	v5 =	vld [tilespmem:$0x16A];
	_ =	sdelay $0x3  }
0x1de: {  	v4 =	vadd.s32 v0, v4  }
0x1df: {  	v5 =	vadd.s32 v3, v5;
	_ =	sdelay $0x3  }
0x1e0: {  	[tilespmem:v4+s9+$0x0] =	vst.idx.msk $0xffff, v1  }
0x1e1: {  	[tilespmem:v5+s9+$0x0] =	vst.idx.msk $0xffff, v1  }
0x1e2: {  	v4 =	vld [tilespmem:$0x1A0]  }
0x1e3: {  	v5 =	vld [tilespmem:$0x1AA];
	_ =	sdelay $0x3  }
0x1e4: {  	v4 =	vadd.s32 v0, v4  }
0x1e5: {  	v5 =	vadd.s32 v3, v5;
	_ =	sdelay $0x3  }
0x1e6: {  	[tilespmem:v4+s9+$0x0] =	vst.idx.msk $0xffff, v2  }
0x1e7: {  	[tilespmem:v5+s9+$0x0] =	vst.idx.msk $0xffff, v2  }
0x1e8: {  	[hbm4b:s17+s2] =	stream.linear.scatter [tilespmem:s9], [sflag:$0x2], $0x6590, $0x38;
	[tilespmem:$0xCF20] =	vst v63  }
0x1e9: {  	_ =	swait.ge [sflag:s10], $0x6590  }
0x1ea: {  	[sflag:s10] =	ssyncset.done $0x0  }
0x1eb: {  	[sflag:s10] =	ssyncadd.s32 $0xFFFF9A70  }
0x1ec: {  	v4 =	vld [tilespmem:$0x180]  }
0x1ed: {  	v5 =	vld [tilespmem:$0x18A];
	_ =	sdelay $0x3  }
0x1ee: {  	v4 =	vadd.s32 v0, v4  }
0x1ef: {  	v5 =	vadd.s32 v3, v5;
	_ =	sdelay $0x3  }
0x1f0: {  	[tilespmem:v4+s8+$0x0] =	vst.idx.msk $0xffff, v1  }
0x1f1: {  	[tilespmem:v5+s8+$0x0] =	vst.idx.msk $0xffff, v1  }
0x1f2: {  	v4 =	vld [tilespmem:$0x1C0]  }
0x1f3: {  	v5 =	vld [tilespmem:$0x1CA];
	_ =	sdelay $0x3  }
0x1f4: {  	v4 =	vadd.s32 v0, v4  }
0x1f5: {  	v5 =	vadd.s32 v3, v5;
	_ =	sdelay $0x3  }
0x1f6: {  	[tilespmem:v4+s8+$0x0] =	vst.idx.msk $0xffff, v2  }
0x1f7: {  	[tilespmem:v5+s8+$0x0] =	vst.idx.msk $0xffff, v2  }
0x1f8: {  	[hbm4b:s18+s2] =	stream.linear.scatter [tilespmem:s8], [sflag:$0x1], $0x6590, $0x38;
	[tilespmem:$0xCF20] =	vst v63  }
0x1f9: {  	_ =	swait.ge [sflag:s11], $0x6590  }
0x1fa: {  	[sflag:s11] =	ssyncset.done $0x0  }
0x1fb: {  	[sflag:s11] =	ssyncadd.s32 $0xFFFF9A70  }
0x1fc: {  	v4 =	vld [tilespmem:$0x1A0]  }
0x1fd: {  	v5 =	vld [tilespmem:$0x1AA];
	_ =	sdelay $0x3  }
0x1fe: {  	v4 =	vadd.s32 v0, v4  }
0x1ff: {  	v5 =	vadd.s32 v3, v5;
	_ =	sdelay $0x3  }
0x200: {  	[tilespmem:v4+s9+$0x0] =	vst.idx.msk $0xffff, v1  }
0x201: {  	[tilespmem:v5+s9+$0x0] =	vst.idx.msk $0xffff, v1  }
0x202: {  	v4 =	vld [tilespmem:$0x1E0]  }
0x203: {  	v5 =	vld [tilespmem:$0x1EA];
	_ =	sdelay $0x3  }
0x204: {  	v4 =	vadd.s32 v0, v4  }
0x205: {  	v5 =	vadd.s32 v3, v5;
	_ =	sdelay $0x3  }
0x206: {  	[tilespmem:v4+s9+$0x0] =	vst.idx.msk $0xffff, v2  }
0x207: {  	[tilespmem:v5+s9+$0x0] =	vst.idx.msk $0xffff, v2  }
0x208: {  	[hbm4b:s19+s2] =	stream.linear.scatter [tilespmem:s9], [sflag:$0x2], $0x6590, $0x38;
	[tilespmem:$0xCF20] =	vst v63  }
0x209: {  	_ =	swait.ge [sflag:s10], $0x6590  }
0x20a: {  	[sflag:s10] =	ssyncset.done $0x0  }
0x20b: {  	[sflag:s10] =	ssyncadd.s32 $0xFFFF9A70  }
0x20c: {  	v4 =	vld [tilespmem:$0x1C0]  }
0x20d: {  	v5 =	vld [tilespmem:$0x1CA];
	_ =	sdelay $0x3  }
0x20e: {  	v4 =	vadd.s32 v0, v4  }
0x20f: {  	v5 =	vadd.s32 v3, v5;
	_ =	sdelay $0x3  }
0x210: {  	[tilespmem:v4+s8+$0x0] =	vst.idx.msk $0xffff, v1  }
0x211: {  	[tilespmem:v5+s8+$0x0] =	vst.idx.msk $0xffff, v1  }
0x212: {  	v4 =	vld [tilespmem:$0x200]  }
0x213: {  	v5 =	vld [tilespmem:$0x20A];
	_ =	sdelay $0x3  }
0x214: {  	v4 =	vadd.s32 v0, v4  }
0x215: {  	v5 =	vadd.s32 v3, v5;
	_ =	sdelay $0x3  }
0x216: {  	[tilespmem:v4+s8+$0x0] =	vst.idx.msk $0xffff, v2  }
0x217: {  	[tilespmem:v5+s8+$0x0] =	vst.idx.msk $0xffff, v2  }
0x218: {  	[hbm4b:s20+s2] =	stream.linear.scatter [tilespmem:s8], [sflag:$0x1], $0x6590, $0x38;
	[tilespmem:$0xCF20] =	vst v63  }
0x219: {  	_ =	swait.ge [sflag:s11], $0x6590  }
0x21a: {  	[sflag:s11] =	ssyncset.done $0x0  }
0x21b: {  	[sflag:s11] =	ssyncadd.s32 $0xFFFF9A70  }
0x21c: {  	v4 =	vld [tilespmem:$0x1E0]  }
0x21d: {  	v5 =	vld [tilespmem:$0x1EA];
	_ =	sdelay $0x3  }
0x21e: {  	v4 =	vadd.s32 v0, v4  }
0x21f: {  	v5 =	vadd.s32 v3, v5;
	_ =	sdelay $0x3  }
0x220: {  	[tilespmem:v4+s9+$0x0] =	vst.idx.msk $0xffff, v1  }
0x221: {  	[tilespmem:v5+s9+$0x0] =	vst.idx.msk $0xffff, v1  }
0x222: {  	v4 =	vld [tilespmem:$0x220]  }
0x223: {  	v5 =	vld [tilespmem:$0x22A];
	_ =	sdelay $0x3  }
0x224: {  	v4 =	vadd.s32 v0, v4  }
0x225: {  	v5 =	vadd.s32 v3, v5;
	_ =	sdelay $0x3  }
0x226: {  	[tilespmem:v4+s9+$0x0] =	vst.idx.msk $0xffff, v2  }
0x227: {  	[tilespmem:v5+s9+$0x0] =	vst.idx.msk $0xffff, v2  }
0x228: {  	[hbm4b:s21+s2] =	stream.linear.scatter [tilespmem:s9], [sflag:$0x2], $0x6590, $0x38;
	[tilespmem:$0xCF20] =	vst v63  }
0x229: {  	_ =	swait.ge [sflag:s10], $0x6590  }
0x22a: {  	[sflag:s10] =	ssyncset.done $0x0  }
0x22b: {  	[sflag:s10] =	ssyncadd.s32 $0xFFFF9A70  }
0x22c: {  	v4 =	vld [tilespmem:$0x200]  }
0x22d: {  	v5 =	vld [tilespmem:$0x20A];
	_ =	sdelay $0x3  }
0x22e: {  	v4 =	vadd.s32 v0, v4  }
0x22f: {  	v5 =	vadd.s32 v3, v5;
	_ =	sdelay $0x3  }
0x230: {  	[tilespmem:v4+s8+$0x0] =	vst.idx.msk $0xffff, v1  }
0x231: {  	[tilespmem:v5+s8+$0x0] =	vst.idx.msk $0xffff, v1  }
0x232: {  	v4 =	vld [tilespmem:$0x240]  }
0x233: {  	v5 =	vld [tilespmem:$0x24A];
	_ =	sdelay $0x3  }
0x234: {  	v4 =	vadd.s32 v0, v4  }
0x235: {  	v5 =	vadd.s32 v3, v5;
	_ =	sdelay $0x3  }
0x236: {  	[tilespmem:v4+s8+$0x0] =	vst.idx.msk $0xffff, v2  }
0x237: {  	[tilespmem:v5+s8+$0x0] =	vst.idx.msk $0xffff, v2  }
0x238: {  	[hbm4b:s22+s2] =	stream.linear.scatter [tilespmem:s8], [sflag:$0x1], $0x6590, $0x38;
	[tilespmem:$0xCF20] =	vst v63  }
0x239: {  	_ =	swait.ge [sflag:s11], $0x6590  }
0x23a: {  	[sflag:s11] =	ssyncset.done $0x0  }
0x23b: {  	[sflag:s11] =	ssyncadd.s32 $0xFFFF9A70  }
0x23c: {  	v4 =	vld [tilespmem:$0x220]  }
0x23d: {  	v5 =	vld [tilespmem:$0x22A];
	_ =	sdelay $0x3  }
0x23e: {  	v4 =	vadd.s32 v0, v4  }
0x23f: {  	v5 =	vadd.s32 v3, v5;
	_ =	sdelay $0x3  }
0x240: {  	[tilespmem:v4+s9+$0x0] =	vst.idx.msk $0xffff, v1  }
0x241: {  	[tilespmem:v5+s9+$0x0] =	vst.idx.msk $0xffff, v1  }
0x242: {  	v4 =	vld [tilespmem:$0x260]  }
0x243: {  	v5 =	vld [tilespmem:$0x26A];
	_ =	sdelay $0x3  }
0x244: {  	v4 =	vadd.s32 v0, v4  }
0x245: {  	v5 =	vadd.s32 v3, v5;
	_ =	sdelay $0x3  }
0x246: {  	[tilespmem:v4+s9+$0x0] =	vst.idx.msk $0xffff, v2  }
0x247: {  	[tilespmem:v5+s9+$0x0] =	vst.idx.msk $0xffff, v2  }
0x248: {  	[hbm4b:s23+s2] =	stream.linear.scatter [tilespmem:s9], [sflag:$0x2], $0x6590, $0x38;
	[tilespmem:$0xCF20] =	vst v63  }
0x249: {  	_ =	swait.ge [sflag:s10], $0x6590  }
0x24a: {  	[sflag:s10] =	ssyncset.done $0x0  }
0x24b: {  	[sflag:s10] =	ssyncadd.s32 $0xFFFF9A70  }
0x24c: {  	v4 =	vld [tilespmem:$0x240]  }
0x24d: {  	v5 =	vld [tilespmem:$0x24A];
	_ =	sdelay $0x3  }
0x24e: {  	v4 =	vadd.s32 v0, v4  }
0x24f: {  	v5 =	vadd.s32 v3, v5;
	_ =	sdelay $0x3  }
0x250: {  	[tilespmem:v4+s8+$0x0] =	vst.idx.msk $0xffff, v1  }
0x251: {  	[tilespmem:v5+s8+$0x0] =	vst.idx.msk $0xffff, v1  }
0x252: {  	v4 =	vld [tilespmem:$0x280]  }
0x253: {  	v5 =	vld [tilespmem:$0x28A];
	_ =	sdelay $0x3  }
0x254: {  	v4 =	vadd.s32 v0, v4  }
0x255: {  	v5 =	vadd.s32 v3, v5;
	_ =	sdelay $0x3  }
0x256: {  	[tilespmem:v4+s8+$0x0] =	vst.idx.msk $0xffff, v2  }
0x257: {  	[tilespmem:v5+s8+$0x0] =	vst.idx.msk $0xffff, v2  }
0x258: {  	[hbm4b:s24+s2] =	stream.linear.scatter [tilespmem:s8], [sflag:$0x1], $0x6590, $0x38;
	[tilespmem:$0xCF20] =	vst v63  }
0x259: {  	_ =	swait.ge [sflag:s11], $0x6590  }
0x25a: {  	[sflag:s11] =	ssyncset.done $0x0  }
0x25b: {  	[sflag:s11] =	ssyncadd.s32 $0xFFFF9A70  }
0x25c: {  	v4 =	vld [tilespmem:$0x260]  }
0x25d: {  	v5 =	vld [tilespmem:$0x26A];
	_ =	sdelay $0x3  }
0x25e: {  	v4 =	vadd.s32 v0, v4  }
0x25f: {  	v5 =	vadd.s32 v3, v5;
	_ =	sdelay $0x3  }
0x260: {  	[tilespmem:v4+s9+$0x0] =	vst.idx.msk $0xffff, v1  }
0x261: {  	[tilespmem:v5+s9+$0x0] =	vst.idx.msk $0xffff, v1  }
0x262: {  	v4 =	vld [tilespmem:$0x2A0]  }
0x263: {  	v5 =	vld [tilespmem:$0x2AA];
	_ =	sdelay $0x3  }
0x264: {  	v4 =	vadd.s32 v0, v4  }
0x265: {  	v5 =	vadd.s32 v3, v5;
	_ =	sdelay $0x3  }
0x266: {  	[tilespmem:v4+s9+$0x0] =	vst.idx.msk $0xffff, v2  }
0x267: {  	[tilespmem:v5+s9+$0x0] =	vst.idx.msk $0xffff, v2  }
0x268: {  	[hbm4b:s25+s2] =	stream.linear.scatter [tilespmem:s9], [sflag:$0x2], $0x6590, $0x38;
	[tilespmem:$0xCF20] =	vst v63  }
0x269: {  	_ =	swait.ge [sflag:s10], $0x6590  }
0x26a: {  	[sflag:s10] =	ssyncset.done $0x0  }
0x26b: {  	[sflag:s10] =	ssyncadd.s32 $0xFFFF9A70  }
0x26c: {  	v4 =	vld [tilespmem:$0x280]  }
0x26d: {  	v5 =	vld [tilespmem:$0x28A];
	_ =	sdelay $0x3  }
0x26e: {  	v4 =	vadd.s32 v0, v4  }
0x26f: {  	v5 =	vadd.s32 v3, v5;
	_ =	sdelay $0x3  }
0x270: {  	[tilespmem:v4+s8+$0x0] =	vst.idx.msk $0xffff, v1  }
0x271: {  	[tilespmem:v5+s8+$0x0] =	vst.idx.msk $0xffff, v1  }
0x272: {  	v4 =	vld [tilespmem:$0x2C0]  }
0x273: {  	v5 =	vld [tilespmem:$0x2CA];
	_ =	sdelay $0x3  }
0x274: {  	v4 =	vadd.s32 v0, v4  }
0x275: {  	v5 =	vadd.s32 v3, v5;
	_ =	sdelay $0x3  }
0x276: {  	[tilespmem:v4+s8+$0x0] =	vst.idx.msk $0xffff, v2  }
0x277: {  	[tilespmem:v5+s8+$0x0] =	vst.idx.msk $0xffff, v2  }
0x278: {  	[hbm4b:s26+s2] =	stream.linear.scatter [tilespmem:s8], [sflag:$0x1], $0x6590, $0x38;
	[tilespmem:$0xCF20] =	vst v63  }
0x279: {  	_ =	swait.ge [sflag:s11], $0x6590  }
0x27a: {  	[sflag:s11] =	ssyncset.done $0x0  }
0x27b: {  	[sflag:s11] =	ssyncadd.s32 $0xFFFF9A70  }
0x27c: {  	v4 =	vld [tilespmem:$0x2A0]  }
0x27d: {  	v5 =	vld [tilespmem:$0x2AA];
	_ =	sdelay $0x3  }
0x27e: {  	v4 =	vadd.s32 v0, v4  }
0x27f: {  	v5 =	vadd.s32 v3, v5;
	_ =	sdelay $0x3  }
0x280: {  	[tilespmem:v4+s9+$0x0] =	vst.idx.msk $0xffff, v1  }
0x281: {  	[tilespmem:v5+s9+$0x0] =	vst.idx.msk $0xffff, v1  }
0x282: {  	v4 =	vld [tilespmem:$0x2E0]  }
0x283: {  	v5 =	vld [tilespmem:$0x2EA];
	_ =	sdelay $0x3  }
0x284: {  	v4 =	vadd.s32 v0, v4  }
0x285: {  	v5 =	vadd.s32 v3, v5;
	_ =	sdelay $0x3  }
0x286: {  	[tilespmem:v4+s9+$0x0] =	vst.idx.msk $0xffff, v2  }
0x287: {  	[tilespmem:v5+s9+$0x0] =	vst.idx.msk $0xffff, v2  }
0x288: {  	[hbm4b:s28+s2] =	stream.linear.scatter [tilespmem:s9], [sflag:$0x2], $0x6590, $0x38;
	[tilespmem:$0xCF20] =	vst v63  }
0x289: {  	_ =	swait.ge [sflag:s10], $0x6590  }
0x28a: {  	[sflag:s10] =	ssyncset.done $0x0  }
0x28b: {  	[sflag:s10] =	ssyncadd.s32 $0xFFFF9A70  }
0x28c: {  	v4 =	vld [tilespmem:$0x2C0]  }
0x28d: {  	v5 =	vld [tilespmem:$0x2CA];
	_ =	sdelay $0x3  }
0x28e: {  	v4 =	vadd.s32 v0, v4  }
0x28f: {  	v5 =	vadd.s32 v3, v5;
	_ =	sdelay $0x3  }
0x290: {  	[tilespmem:v4+s8+$0x0] =	vst.idx.msk $0xffff, v1  }
0x291: {  	[tilespmem:v5+s8+$0x0] =	vst.idx.msk $0xffff, v1  }
0x292: {  	v4 =	vld [tilespmem:$0x300]  }
0x293: {  	v5 =	vld [tilespmem:$0x30A];
	_ =	sdelay $0x3  }
0x294: {  	v4 =	vadd.s32 v0, v4  }
0x295: {  	v5 =	vadd.s32 v3, v5;
	_ =	sdelay $0x3  }
0x296: {  	[tilespmem:v4+s8+$0x0] =	vst.idx.msk $0xffff, v2  }
0x297: {  	[tilespmem:v5+s8+$0x0] =	vst.idx.msk $0xffff, v2  }
0x298: {  	[hbm4b:s29+s2] =	stream.linear.scatter [tilespmem:s8], [sflag:$0x1], $0x6590, $0x38;
	[tilespmem:$0xCF20] =	vst v63  }
0x299: {  	_ =	swait.ge [sflag:s11], $0x6590  }
0x29a: {  	[sflag:s11] =	ssyncset.done $0x0  }
0x29b: {  	[sflag:s11] =	ssyncadd.s32 $0xFFFF9A70  }
0x29c: {  	v4 =	vld [tilespmem:$0x2E0]  }
0x29d: {  	v5 =	vld [tilespmem:$0x2EA];
	_ =	sdelay $0x3  }
0x29e: {  	v4 =	vadd.s32 v0, v4  }
0x29f: {  	v5 =	vadd.s32 v3, v5;
	_ =	sdelay $0x3  }
0x2a0: {  	[tilespmem:v4+s9+$0x0] =	vst.idx.msk $0xffff, v1  }
0x2a1: {  	[tilespmem:v5+s9+$0x0] =	vst.idx.msk $0xffff, v1  }
0x2a2: {  	v4 =	vld [tilespmem:$0x320]  }
0x2a3: {  	v5 =	vld [tilespmem:$0x32A];
	_ =	sdelay $0x3  }
0x2a4: {  	v4 =	vadd.s32 v0, v4  }
0x2a5: {  	v5 =	vadd.s32 v3, v5;
	_ =	sdelay $0x3  }
0x2a6: {  	[tilespmem:v4+s9+$0x0] =	vst.idx.msk $0xffff, v2  }
0x2a7: {  	[tilespmem:v5+s9+$0x0] =	vst.idx.msk $0xffff, v2  }
0x2a8: {  	[hbm4b:s30+s2] =	stream.linear.scatter [tilespmem:s9], [sflag:$0x2], $0x6590, $0x38;
	[tilespmem:$0xCF20] =	vst v63  }
0x2a9: {  	_ =	swait.ge [sflag:s10], $0x6590  }
0x2aa: {  	[sflag:s10] =	ssyncset.done $0x0  }
0x2ab: {  	[sflag:s10] =	ssyncadd.s32 $0xFFFF9A70  }
0x2ac: {  	v4 =	vld [tilespmem:$0x300]  }
0x2ad: {  	v5 =	vld [tilespmem:$0x30A];
	_ =	sdelay $0x3  }
0x2ae: {  	v4 =	vadd.s32 v0, v4  }
0x2af: {  	v5 =	vadd.s32 v3, v5;
	_ =	sdelay $0x3  }
0x2b0: {  	[tilespmem:v4+s8+$0x0] =	vst.idx.msk $0xffff, v1  }
0x2b1: {  	[tilespmem:v5+s8+$0x0] =	vst.idx.msk $0xffff, v1  }
0x2b2: {  	v4 =	vld [tilespmem:$0x340]  }
0x2b3: {  	v5 =	vld [tilespmem:$0x34A];
	_ =	sdelay $0x3  }
0x2b4: {  	v4 =	vadd.s32 v0, v4  }
0x2b5: {  	v5 =	vadd.s32 v3, v5;
	_ =	sdelay $0x3  }
0x2b6: {  	[tilespmem:v4+s8+$0x0] =	vst.idx.msk $0xffff, v2  }
0x2b7: {  	[tilespmem:v5+s8+$0x0] =	vst.idx.msk $0xffff, v2  }
0x2b8: {  	[hbm4b:s31+s2] =	stream.linear.scatter [tilespmem:s8], [sflag:$0x1], $0x6590, $0x38;
	[tilespmem:$0xCF20] =	vst v63  }
0x2b9: {  	_ =	swait.ge [sflag:s11], $0x6590  }
0x2ba: {  	[sflag:s11] =	ssyncset.done $0x0  }
0x2bb: {  	[sflag:s11] =	ssyncadd.s32 $0xFFFF9A70  }
0x2bc: {  	v4 =	vld [tilespmem:$0x320]  }
0x2bd: {  	v5 =	vld [tilespmem:$0x32A];
	_ =	sdelay $0x3  }
0x2be: {  	v4 =	vadd.s32 v0, v4  }
0x2bf: {  	v5 =	vadd.s32 v3, v5;
	_ =	sdelay $0x3  }
0x2c0: {  	[tilespmem:v4+s9+$0x0] =	vst.idx.msk $0xffff, v1  }
0x2c1: {  	[tilespmem:v5+s9+$0x0] =	vst.idx.msk $0xffff, v1  }
0x2c2: {  	v4 =	vld [tilespmem:$0x360]  }
0x2c3: {  	v5 =	vld [tilespmem:$0x36A];
	_ =	sdelay $0x3  }
0x2c4: {  	v4 =	vadd.s32 v0, v4  }
0x2c5: {  	v5 =	vadd.s32 v3, v5;
	_ =	sdelay $0x3  }
0x2c6: {  	[tilespmem:v4+s9+$0x0] =	vst.idx.msk $0xffff, v2  }
0x2c7: {  	[tilespmem:v5+s9+$0x0] =	vst.idx.msk $0xffff, v2  }
0x2c8: {  	[hbm4b:s1+s2] =	stream.linear.scatter [tilespmem:s9], [sflag:$0x2], $0x6590, $0x38;
	[tilespmem:$0xCF20] =	vst v63  }
0x2c9: {  	_ =	swait.ge [sflag:s10], $0x6590  }
0x2ca: {  	[sflag:s10] =	ssyncset.done $0x0  }
0x2cb: {  	[sflag:s10] =	ssyncadd.s32 $0xFFFF9A70  }
0x2cc: {  	v4 =	vld [tilespmem:$0x340]  }
0x2cd: {  	v5 =	vld [tilespmem:$0x34A];
	_ =	sdelay $0x3  }
0x2ce: {  	v4 =	vadd.s32 v0, v4  }
0x2cf: {  	v5 =	vadd.s32 v3, v5;
	_ =	sdelay $0x3  }
0x2d0: {  	[tilespmem:v4+s8+$0x0] =	vst.idx.msk $0xffff, v1  }
0x2d1: {  	[tilespmem:v5+s8+$0x0] =	vst.idx.msk $0xffff, v1  }
0x2d2: {  	v4 =	vld [tilespmem:$0x380]  }
0x2d3: {  	v5 =	vld [tilespmem:$0x38A];
	_ =	sdelay $0x3  }
0x2d4: {  	v4 =	vadd.s32 v0, v4  }
0x2d5: {  	v5 =	vadd.s32 v3, v5;
	_ =	sdelay $0x3  }
0x2d6: {  	[tilespmem:v4+s8+$0x0] =	vst.idx.msk $0xffff, v2  }
0x2d7: {  	[tilespmem:v5+s8+$0x0] =	vst.idx.msk $0xffff, v2  }
0x2d8: {  	[hbm4b:s0+s2] =	stream.linear.scatter [tilespmem:s8], [sflag:$0x1], $0x6590, $0x38;
	[tilespmem:$0xCF20] =	vst v63  }
0x2d9: {  	_ =	swait.ge [sflag:s11], $0x6590  }
0x2da: {  	[sflag:s11] =	ssyncset.done $0x0  }
0x2db: {  	[sflag:s11] =	ssyncadd.s32 $0xFFFF9A70  }
0x2dc: {  	v4 =	vld [tilespmem:$0x360]  }
0x2dd: {  	v5 =	vld [tilespmem:$0x36A];
	_ =	sdelay $0x3  }
0x2de: {  	v4 =	vadd.s32 v0, v4  }
0x2df: {  	v5 =	vadd.s32 v3, v5;
	_ =	sdelay $0x3  }
0x2e0: {  	[tilespmem:v4+s9+$0x0] =	vst.idx.msk $0xffff, v1  }
0x2e1: {  	[tilespmem:v5+s9+$0x0] =	vst.idx.msk $0xffff, v1  }
0x2e2: {  	v4 =	vld [tilespmem:$0x3A0]  }
0x2e3: {  	v5 =	vld [tilespmem:$0x3AA];
	_ =	sdelay $0x3  }
0x2e4: {  	v4 =	vadd.s32 v0, v4  }
0x2e5: {  	v5 =	vadd.s32 v3, v5;
	_ =	sdelay $0x3  }
0x2e6: {  	[tilespmem:v4+s9+$0x0] =	vst.idx.msk $0xffff, v2  }
0x2e7: {  	[tilespmem:v5+s9+$0x0] =	vst.idx.msk $0xffff, v2  }
0x2e8: {  	[hbm4b:s3+s2] =	stream.linear.scatter [tilespmem:s9], [sflag:$0x2], $0x6590, $0x38;
	[tilespmem:$0xCF20] =	vst v63  }
0x2e9: {  	_ =	swait.ge [sflag:s10], $0x6590  }
0x2ea: {  	[sflag:s10] =	ssyncset.done $0x0  }
0x2eb: {  	[sflag:s10] =	ssyncadd.s32 $0xFFFF9A70  }
0x2ec: {  	v4 =	vld [tilespmem:$0x380]  }
0x2ed: {  	v5 =	vld [tilespmem:$0x38A];
	_ =	sdelay $0x3  }
0x2ee: {  	v4 =	vadd.s32 v0, v4  }
0x2ef: {  	v5 =	vadd.s32 v3, v5;
	_ =	sdelay $0x3  }
0x2f0: {  	[tilespmem:v4+s8+$0x0] =	vst.idx.msk $0xffff, v1  }
0x2f1: {  	[tilespmem:v5+s8+$0x0] =	vst.idx.msk $0xffff, v1  }
0x2f2: {  	v4 =	vld [tilespmem:$0x3C0]  }
0x2f3: {  	v5 =	vld [tilespmem:$0x3CA];
	_ =	sdelay $0x3  }
0x2f4: {  	v4 =	vadd.s32 v0, v4  }
0x2f5: {  	v5 =	vadd.s32 v3, v5;
	_ =	sdelay $0x3  }
0x2f6: {  	[tilespmem:v4+s8+$0x0] =	vst.idx.msk $0xffff, v2  }
0x2f7: {  	[tilespmem:v5+s8+$0x0] =	vst.idx.msk $0xffff, v2  }
0x2f8: {  	[hbm4b:s4+s2] =	stream.linear.scatter [tilespmem:s8], [sflag:$0x1], $0x6590, $0x38;
	[tilespmem:$0xCF20] =	vst v63  }
0x2f9: {  	_ =	swait.ge [sflag:s11], $0x6590  }
0x2fa: {  	[sflag:s11] =	ssyncset.done $0x0  }
0x2fb: {  	[sflag:s11] =	ssyncadd.s32 $0xFFFF9A70  }
0x2fc: {  	v4 =	vld [tilespmem:$0x3A0]  }
0x2fd: {  	v5 =	vld [tilespmem:$0x3AA];
	_ =	sdelay $0x3  }
0x2fe: {  	v4 =	vadd.s32 v0, v4  }
0x2ff: {  	v5 =	vadd.s32 v3, v5;
	_ =	sdelay $0x3  }
0x300: {  	[tilespmem:v4+s9+$0x0] =	vst.idx.msk $0xffff, v1  }
0x301: {  	[tilespmem:v5+s9+$0x0] =	vst.idx.msk $0xffff, v1  }
0x302: {  	v4 =	vld [tilespmem:$0x3E0]  }
0x303: {  	v5 =	vld [tilespmem:$0x3EA];
	_ =	sdelay $0x3  }
0x304: {  	v4 =	vadd.s32 v0, v4  }
0x305: {  	v5 =	vadd.s32 v3, v5;
	_ =	sdelay $0x3  }
0x306: {  	[tilespmem:v4+s9+$0x0] =	vst.idx.msk $0xffff, v2  }
0x307: {  	s12 =	sadd.s32 $0x1, s12;
	[tilespmem:v5+s9+$0x0] =	vst.idx.msk $0xffff, v2  }
0x308: {  	[hbm4b:s5+s2] =	stream.linear.scatter [tilespmem:s9], [sflag:$0x2], $0x6590, $0x38;
	[tilespmem:$0xCF20] =	vst v63  }
0x309: {  	p0 =	sne.s32 s12, s6;
	_ =	swait.ge [sflag:s10], $0x6590  }
.Ltmp1:
0x30a: {  	[sflag:s10] =	ssyncset.done $0x0;
	(pc) =	sbr.rel @p0 .LBB2_1-.Ltmp1, $4  }
0x30b: {  	[sflag:s10] =	ssyncadd.s32 $0xFFFF9A70  }
0x30c: {  	_ =	swait.ge [sflag:s11], $0x6590  }
0x30d: {  	[sflag:s11] =	ssyncset.done $0x0  }
0x30e: {  	[sflag:s11] =	ssyncadd.s32 $0xFFFF9A70  }
0x30f: {  	_ =	sfence.sel $0x180000  }
0x310: {  	[bflag:$0x0] =	sbarrier.arrive $0xFFFF  }
0x311: {  	_ =	strace $0x90000047  }
0x312: {  	s0 =	stileid.u32;
	[bflag:$0x2] =	sbarrier.arrive $0xFFFF  }
0x313: {  	p0 =	sne.s32 s0, $0x0;
	s0 =	rddreg [dreg:$0x2]  }
0x314: {  	s0 =	sadd.s32 @!p0 $0x100000, s0  }
0x315: {  	[sflag:s0] =	ssyncadd.tile.s32 @!p0 $0x1;
	_ =	shalt  }
.Lfunc_end2:
_tile_overlayer_lowered:
.L_overlay_start_2:
0x316: {  	(tag) =	ssettag $0x2  }
0x317: {  	s0 =	rddreg [dreg:$0x0];
	s2 =	stileid.u32  }
0x318: {  	s1 =	rddreg [dreg:$0x1];
	p0 =	sne.s32 s2, $0x0  }
0x319: {  	s3 =	rddreg [dreg:$0x2];
	[bflag:$0x3] =	sbarrier.arrive $0xFFFF;
	s2 =	simm.s32 @!p0 $0x1C03  }
0x31a: {  	[timem:s3], [sflag:s2] =	dma.local @!p0 [hbm:s0], s1  }
0x31b: {  	s0 =	simm.s32 @!p0 $0x3  }
0x31c: {  	_ =	swait.ge @!p0 [sflag:s0], s1  }
0x31d: {  	s1 =	ssub.s32 @!p0 $0x0, s1;
	[sflag:s0] =	ssyncset.done @!p0 $0x0  }
0x31e: {  	[sflag:s0] =	ssyncadd.s32 @!p0 s1  }
0x31f: {  	[bflag:$0x3] =	sbarrier.arrive $0xFFFF  }
0x320: {  	_ =	shalt  }

// kernel: sparse-core-data-format-call.cloned.1.call-start
scs
called_computation_lowered:
.L_overlay_start_0:
0x0: {  	s2 =	sld [smem:$0x3FD9]  }
0x1: {  	s3 =	sld [smem:$0x3FFE];
	_ =	sdelay $0x1  }
0x2: {  	s1 =	srdreg.scid  }
0x3: {  	s0 =	sand.u32 $0x1, s1  }
0x4: {  	s18 =	sshll.u32 s0, $0xA;
	s2 =	sadd.s32 s3, s2  }
0x5: {  	s2 =	sadd.s32 s2, s18  }
0x6: {  	[smem:$0x3FC7] =	sst s2  }
0x7: {  	_ = 	snop  }
0x8: {  	s2 =	sld [smem:$0x3FD0];
	(tm) =	ssettm $0x1  }
0x9: {  	s19 =	sld [smem:$0x3FFB];
	_ =	sdelay $0x3  }
0xa: {  	_ =	strace s19  }
0xb: {  	s3 =	sld [smem:$0x3FFC];
	_ =	sdelay $0x3  }
0xc: {  	_ =	strace s3  }
0xd: {  	s3 =	sld [smem:$0x3FFD];
	_ =	sdelay $0x3  }
0xe: {  	_ =	strace s3  }
0xf: {  	_ =	strace $0x8FFFFFFF  }
0x10: {  	s20 =	sld [smem:$0x3FDB];
	_ =	sdelay $0x1  }
0x11: {  	s4 =	simm.s32 $_scs_section_size  }
0x12: {  	s5 =	simm.s32 $_size__tile_overlayer_lowered;
	s6 =	simm.s32 $_tile_overlayer_lowered  }
0x13: {  	s23 =	simm.s32 $0x1BFF;
	s22 =	sshll.u32 s6, $0x1;
	s3 =	sadd.s32 s4, s20  }
0x14: {  	s7 =	simm.s32 $0x0;
	s21 =	sshll.u32 s5, $0x1;
	s5 =	sadd.s32 s22, s3  }
0x15: {  	[timem:s7], [sflag:s23] =	dma.local [hbm:s5], s21  }
0x16: {  	_ =	swait.ge [sflag:s23], s21  }
0x17: {  	s4 =	ssub.s32 $0x0, s21;
	[sflag:s23] =	ssyncset.done $0x0  }
0x18: {  	[sflag:s23] =	ssyncadd.s32 s4;
	_ =	sdelay $0x1  }
0x19: {  	s24 =	simm.s32 $0x1B8B  }
0x1a: {  	_ =	swait.ge [sflag:s24], $0x1  }
0x1b: {  	[sflag:s24] =	ssyncset.done $0x0  }
0x1c: {  	s26 =	simm.s32 $0x1B8E;
	s25 =	sld [smem:$0x3FFE];
	[sflag:s24] =	ssyncadd.s32 $0xFFFFFFFF  }
0x1d: {  	s27 =	simm.s32 $execute0_lowered;
	[smem:$0x3FD2] =	sst s26  }
0x1e: {  	s5 =	sshll.u32 s27, $0x1;
	_ =	strace $0x80000049;
	[dreg:$0x1] =	wrdreg $0xFFFFFFFF  }
0x1f: {  	s28 =	simm.s32 $_size_execute0_lowered;
	s3 =	sadd.s32 s3, s5;
	[dreg:$0x0] =	wrdreg $0x0  }
0x20: {  	s5 =	sshll.u32 s28, $0x1;
	[dreg:$0x2] =	wrdreg s3  }
0x21: {  	[dreg:$0x3] =	wrdreg s5  }
0x22: {  	[dreg:$0x4] =	wrdreg $0xC0  }
0x23: {  	_ =	task [dreg:s7], $0x5FFFF  }
0x24: {  	[dreg:$0x1] =	wrdreg $0xFFFFFFFF  }
0x25: {  	[dreg:$0x0] =	wrdreg $0x60  }
0x26: {  	[dreg:$0x2] =	wrdreg s25  }
0x27: {  	[dreg:$0x3] =	wrdreg s2  }
0x28: {  	[dreg:$0x4] =	wrdreg $0x9  }
0x29: {  	_ =	task.clear_ibuf [dreg:s7], $0x5FFFF;
	_ =	strace $0x90000049  }
0x2a: {  	s29 =	simm.s32 $0x9;
	_ =	strace $0x8000004B  }
0x2b: {  	_ =	swait.ge [sflag:s29], $0x1  }
0x2c: {  	[sflag:s29] =	ssyncadd.s32 $0xFFFFFFFF  }
0x2d: {  	_ =	strace $0x9000004B  }
0x2e: {  	_ =	sfence  }
0x2f: {  	s30 =	sld [smem:$0x0];
	_ =	sdelay $0x2  }
0x30: {  	s31 =	sshll.u32 s1, $0xD;
	s1 =	sshrl.u32 s1, $0x2  }
0x31: {  	s3 =	sand.u32 $0x4000, s31;
	s1 =	sadd.s32 s1, s30  }
0x32: {  	s0 =	sor.u32 s3, s0;
	s1 =	sshll.u32 s1, $0x11  }
0x33: {  	s0 =	sor.u32 s1, s0  }
0x34: {  	s0 =	sadd.s32 $0x8F2B, s0  }
0x35: {  	[sflag:s0] =	ssyncadd.remote.s32 $0x1  }
0x36: {  	_ =	sfence.sel $0xFFFF  }
0x37: {  	[dreg:$0x0] =	wrdreg $0xFFFFFFFF;
	(pc) =	sbr.abs _section_cstart, $3  }
0x38: {  	[dreg:$0x1] =	wrdreg $0xFFFFFFFF  }
0x39: {  	_ =	task.clear_ibuf [dreg:s7], $0x2FFFF;
	_ =	strace $0x9FFFFFFF  }
0x3a: {  	(tm) =	ssettm $0x7FFFFFFF  }
0x3b: {  	_ =	shalt  }
tec
execute0_lowered:
.L_overlay_start_1:
0x0: {  	(tag) =	ssettag $0x1  }
0x1: {  	s4 =	rddreg [dreg:$0x0]  }
0x2: {  	s0 =	stileid.u32;
	s2 =	rddreg [dreg:$0x1]  }
0x3: {  	s7 =	srdreg.scid;
	s31 =	simm.s32 $0x2;
	s17 =	simm.s32 $0x0  }
0x4: {  	s9 =	simm.s32 $0x2000;
	s19 =	simm.s32 $0x0;
	s18 =	simm.s32 $0x0  }
0x5: {  	s10 =	simm.s32 $0x0;
	s11 =	simm.s32 $0x0;
	s1 =	sshll.u32 s0, $0x7  }
0x6: {  	s12 =	simm.s32 $0x0;
	s14 =	simm.s32 $0x0;
	s3 =	sand.u32 $0x380, s1  }
0x7: {  	s16 =	simm.s32 $0x0;
	s4 =	sadd.s32 $0x800, s4;
	s5 =	ssub.s32 $0x400, s3  }
0x8: {  	s8 =	sshll.u32 s0, $0x4;
	s7 =	sshll.u32 s7, $0x8;
	s6 =	sand.u32 $0x380, s5  }
0x9: {  	s1 =	rddreg [dreg:$0x2];
	p0 =	sne.s32 s6, $0x0;
	s6 =	simm.s32 $0x1  }
.Ltmp0:
0xa: {  	s5 =	sshrl.u32 s5, $0xA;
	s6 =	simm.s32 @!p0 $0x0;
	(pc) =	sbr.rel .LBB1_1-.Ltmp0, $4  }
0xb: {  	_ =	strace $0x8000004A;
	s7 =	sor.u32 s8, s7;
	s6 =	sadd.s32 s6, s5  }
0xc: {  	s7 =	sand.u32 $0x180, s7;
	s5 =	simm.s32 $0x1;
	s6 =	smul.u32 $0x34, s6  }
0xd: {  	s15 =	smov.u32 s3;
	s13 =	smov.u32 s7;
	[sflag:s5] =	ssyncpa.u1 $0x0  }
0xe: {  	p0 =	por $0x0, $0x0;
	[sflag:s31] =	ssyncpa.u1 $0x0;
	s8 =	sor.u32 $0x1, s6  }
.LBB1_4:
0xf: {  	s25 =	sshll.u32 s10, $0xA;
	s24 =	sshra.s32 s24, $0x2;
	s26 =	sshll.u32 s12, $0x3  }
0x10: {  	p1 =	sgt.s32 s11, $0x19;
	s27 =	smov.u32 s11;
	s28 =	sshra.s32 s11, $0x1F  }
0x11: {  	p2 =	sgt.s32 s12, $0x380;
	s31 =	sshra.s32 s12, $0x1F;
	s25 =	sand.u32 $0xFFFFE000, s25  }
0x12: {  	s26 =	sand.u32 $0xFFFFFC00, s26;
	s27 =	simm.s32 @!p1 $0x19;
	s28 =	sand.u32 s28, s11  }
0x13: {  	[tilespmem:s22+$0x2040 ss:$0x81] =	vst.msk $0xffff, v4;
	s23 =	sadd.s32 s24, s23;
	s29 =	sadd.s32 s26, s25;
	s25 =	ssub.s32 s27, s28  }
0x14: {  	[tilespmem:s22+$0x2850 ss:$0x81] =	vst.msk $0xffff, v3;
	s27 =	smov.u32 s12;
	s28 =	smov.u32 s10;
	s26 =	sand.u32 s31, s12  }
0x15: {  	[tilespmem:s22+$0x3060 ss:$0x81] =	vst.msk $0xffff, v2;
	s24 =	sshrl.u32 s29, $0xA;
	s30 =	sadd.s32 $0xFFFFFFE7, s25;
	s27 =	simm.s32 @!p2 $0x380  }
0x16: {  	v5 =	vld [tilespmem:s21+$0xFFFFFFD0];
	[tilespmem:s22+$0x0 ss:$0x81] =	vst.msk $0xffff, v1;
	p2 =	sgt.s32 s10, $0x368;
	s29 =	sshra.s32 s10, $0x1F;
	s22 =	ssub.s32 $0x1A, s25  }
0x17: {  	v58 =	vld [tilespmem:s21+$0xFFFFFFE0];
	p1 =	sgt.s32 s30, $0x0;
	s28 =	simm.s32 @!p2 $0x368;
	s29 =	sand.u32 s29, s10  }
0x18: {  	v59 =	vld [tilespmem:s21+$0xFFFFFFF0];
	s26 =	ssub.s32 s27, s26;
	s27 =	smulhi.u32 $0x418938, s24;
	s28 =	ssub.s32 s28, s29  }
0x19: {  	v60 =	vld [tilespmem:s21+$0x0];
	s30 =	sadd.s32 $0xFFFFFC80, s26;
	s25 =	ssub.s32 $0x400, s26;
	s22 =	simm.s32 @p1 $0x0  }
0x1a: {  	v61 =	vld [tilespmem:s21+$0x10];
	[tilespmem:s23+$0x3870 ss:$0x81] =	vst.msk $0xffff, v0;
	s29 =	sand.u32 $0x78, s12;
	p2 =	sgt.s32 s30, $0x7F;
	s31 =	sadd.s32 $0xFFFFFC98, s28  }
0x1b: {  	v62 =	vld [tilespmem:s21+$0x20];
	[tilespmem:s23+$0x810 ss:$0x81] =	vst.msk $0xffff, v5;
	s27 =	smul.u32 $0x3E8, s27;
	s30 =	sshll.u32 s10, $0x7;
	s28 =	ssub.s32 $0x3E8, s28  }
0x1c: {  	v63 =	vld [tilespmem:s21+$0xFFFFFFC0];
	[tilespmem:s23+$0x1020 ss:$0x81] =	vst.msk $0xffff, v58;
	s25 =	simm.s32 @p2 $0x0;
	p1 =	sgt.s32 s31, $0x7F;
	s31 =	smul.u32 $0x1F400, s11  }
0x1d: {  	[tilespmem:s23+$0x1830 ss:$0x81] =	vst.msk $0xffff, v59;
	s21 =	sand.u32 $0x380, s30;
	s22 =	smul.u32 s25, s22;
	s28 =	simm.s32 @p1 $0x0  }
0x1e: {  	[tilespmem:s23+$0x2040 ss:$0x81] =	vst.msk $0xffff, v60;
	s21 =	sor.u32 s29, s21;
	s24 =	ssub.s32 s24, s27;
	s29 =	sand.u32 $0x7, s12  }
0x1f: {  	[tilespmem:s23+$0x2850 ss:$0x81] =	vst.msk $0xffff, v61;
	s21 =	sshrl.u32 s21, $0x3;
	s25 =	sadd.s32 s2, s31;
	s22 =	smul.u32 s28, s22  }
0x20: {  	[tilespmem:s23+$0x3060 ss:$0x81] =	vst.msk $0xffff, v62;
	s24 =	sshll.u32 s24, $0x7;
	s30 =	sshll.u32 s29, $0x12;
	s21 =	sadd.s32 s21, s25  }
0x21: {  	[tilespmem:s23+$0x0 ss:$0x81] =	vst.msk $0xffff, v63;
	s31 =	sor.u32 $0x400, s30;
	s21 =	sadd.s32 s24, s21;
	s22 =	sand.u32 $0x3FFFFFFF, s22  }
0x22: {  	[hbm4b:s21+s31] =	stream.strided.scatter [tilespmem:s20], [sflag:$0x2], s22, s9, s31, $0x20;
	[tilespmem:$0x10100] =	vst v63  }
.LBB1_5:
0x23: {  	p1 =	slt.u32 s16, $0x2  }
0x24: {  	p2 =	sgt.s32 @!p1 s19, $0x19  }
0x25: {  	s20 =	smov.u32 s19;
	s21 =	sshra.s32 @!p1 s19, $0x1F;
	p2 =	por !p2, p1  }
0x26: {  	s19 =	sand.u32 @!p1 s21, s19;
	s20 =	simm.s32 @p2 $0x19  }
0x27: {  	p3 =	sgt.s32 @!p1 s17, $0x368;
	s19 =	ssub.s32 @!p1 s20, s19  }
0x28: {  	p4 =	sgt.s32 @!p1 s18, $0x380;
	s22 =	sshra.s32 @!p1 s18, $0x1F;
	s20 =	sadd.s32 @!p1 $0xFFFFFFE7, s19  }
0x29: {  	s21 =	smov.u32 s17;
	p2 =	sgt.s32 @!p1 s20, $0x0;
	s20 =	sshra.s32 @!p1 s17, $0x1F  }
0x2a: {  	p4 =	por !p4, p1;
	s17 =	sand.u32 @!p1 s20, s17;
	s20 =	smov.u32 s18  }
0x2b: {  	p3 =	por !p3, p1;
	s18 =	sand.u32 @!p1 s22, s18;
	s20 =	simm.s32 @p4 $0x380  }
0x2c: {  	s21 =	simm.s32 @p3 $0x368;
	s19 =	ssub.s32 @!p1 $0x1A, s19;
	s18 =	ssub.s32 @!p1 s20, s18  }
0x2d: {  	p2 =	por !p2, p1;
	s17 =	ssub.s32 @!p1 s21, s17;
	s21 =	sadd.s32 @!p1 $0xFFFFFC80, s18  }
0x2e: {  	s19 =	simm.s32 @!p2 $0x0;
	p3 =	sgt.s32 @!p1 s21, $0x7F  }
0x2f: {  	s20 =	sadd.s32 @!p1 $0xFFFFFC98, s17;
	s18 =	ssub.s32 @!p1 $0x400, s18;
	p3 =	por !p3, p1  }
0x30: {  	p2 =	sgt.s32 @!p1 s20, $0x7F;
	s20 =	sadd.s32 $0x200, s13;
	s18 =	simm.s32 @!p3 $0x0  }
0x31: {  	p3 =	sgt.s32 s20, $0x3E7;
	s18 =	smul.u32 @!p1 s18, s19;
	s19 =	simm.s32 $0x1  }
0x32: {  	s17 =	ssub.s32 @!p1 $0x3E8, s17;
	p2 =	por !p2, p1;
	s19 =	simm.s32 @!p3 $0x0  }
0x33: {  	s22 =	smov.u32 s15;
	s17 =	simm.s32 @!p2 $0x0;
	s21 =	sadd.s32 s19, s14  }
0x34: {  	s17 =	smul.u32 @!p1 s17, s18;
	s18 =	sadd.s32 $0x400, s15;
	p2 =	sgt.s32 s21, $0x19  }
0x35: {  	p0 =	por !p0, !p0;
	s23 =	simm.s32 @!p1 $0x2;
	s22 =	smov.u32 @p2 s18  }
0x36: {  	s20 =	smov.u32 @p3 s7;
	s21 =	simm.s32 @p2 $0x0;
	p2 =	sgt.s32 s22, $0x3FF  }
0x37: {  	s19 =	smov.u32 s11;
	s22 =	smov.u32 @p2 s3;
	p2 =	sne.s32 s16, s8  }
.Ltmp1:
0x38: {  	s11 =	smov.u32 s14;
	s17 =	sand.u32 @!p1 $0x3FFFFFFF, s17;
	(pc) =	sbr.rel @!p2 .LBB1_6-.Ltmp1, $4  }
0x39: {  	s18 =	smov.u32 s12;
	s12 =	smov.u32 s15;
	_ =	swait.ge @!p1 [sflag:s23], s17  }
0x3a: {  	s24 =	ssub.s32 @!p1 $0x0, s17;
	s17 =	smov.u32 s10;
	s10 =	smov.u32 s13  }
0x3b: {  	s13 =	smov.u32 s20;
	s14 =	smov.u32 s21;
	[sflag:s23] =	ssyncset.done @!p1 $0x0  }
0x3c: {  	s16 =	sadd.s32 $0x1, s16;
	[sflag:s23] =	ssyncadd.s32 @!p1 s24;
	s15 =	smov.u32 s22  }
.LBB1_1:
0x3d: {  	p1 =	sge.u32 s16, s6  }
0x3e: {  	s31 =	sadd.s32 $0xFFFFFFFF, s16;
	s20 =	sshll.u32 @!p1 s14, $0x7  }
0x3f: {  	s21 =	sxor.u32 @!p1 $0xFFFFFFFF, s16;
	s22 =	sand.u32 @!p1 $0x78, s13;
	s23 =	sand.u32 @!p1 $0x380, s20  }
0x40: {  	s21 =	sshll.u32 @!p1 s21, $0xE;
	s22 =	sor.u32 @!p1 s22, s23;
	s23 =	sshll.u32 @!p1 s15, $0xC  }
0x41: {  	s20 =	sand.u32 @!p1 $0xC00, s20;
	s22 =	sshrl.u32 @!p1 s22, $0x3;
	s23 =	sadd.s32 @!p1 s4, s23  }
0x42: {  	s20 =	sadd.s32 @!p1 s13, s20;
	s22 =	sadd.s32 @!p1 s22, s23;
	s23 =	sand.u32 @!p1 $0x7, s13  }
0x43: {  	s21 =	sand.u32 @!p1 $0x4000, s21;
	s20 =	sand.u32 @!p1 $0xF80, s20;
	s23 =	sshll.u32 @!p1 s23, $0x12  }
0x44: {  	s20 =	sadd.s32 @!p1 s20, s22;
	s22 =	sor.u32 @!p1 $0x80, s23;
	s23 =	simm.s32 @!p1 $0x8000  }
0x45: {  	[tilespmem:s21], [sflag:$0x1] =	stream.strided.gather @!p1 [hbm4b:s20+s22], $0x4000, s23, s22, $0x38;
	[tilespmem:$0x10100] =	vst v63  }
0x46: {  	p1 =	sge.u32 s31, s6  }
.Ltmp2:
0x47: {  	_ = 	snop;
	(pc) =	sbr.rel @p1 .LBB1_5-.Ltmp2, $1  }
0x48: {  	_ =	sdelay $0x3  }
0x49: {  	s20 =	simm.s32 $0x1  }
0x4a: {  	_ =	swait.ge [sflag:s5], $0x4000;
	s20 =	simm.s32 @!p0 $0x0  }
0x4b: {  	[sflag:s5] =	ssyncset.done $0x0;
	s21 =	sshll.u32 s20, $0xE  }
0x4c: {  	[sflag:s5] =	ssyncadd.s32 $0xFFFFC000;
	s21 =	sor.u32 $0x40, s21  }
0x4d: {  	s20 =	smul.u32 $0x10200, s20;
	v0 =	vld [tilespmem:s21+$0x30]  }
0x4e: {  	v1 =	vld [tilespmem:s21+$0xFFFFFFD0]  }
0x4f: {  	s20 =	sshrl.u32 s20, $0x2;
	v5 =	vld [tilespmem:s21+$0xFFFFFFE0]  }
0x50: {  	v6 =	vld [tilespmem:s21+$0xFFFFFFF0];
	s23 =	sor.u32 $0x8000, s20  }
0x51: {  	s31 =	sand.u32 $0x1, s16;
	v4 =	vld [tilespmem:s21+$0x0];
	s22 =	sadd.s32 $0x0, s23  }
0x52: {  	v3 =	vld [tilespmem:s21+$0x10];
	s20 =	smul.u32 $0x10200, s31;
	[tilespmem:s22+$0x3870 ss:$0x81] =	vst.msk $0xffff, v0  }
0x53: {  	v2 =	vld [tilespmem:s21+$0x20];
	[tilespmem:s22+$0x810 ss:$0x81] =	vst.msk $0xffff, v1  }
0x54: {  	s20 =	sshrl.u32 s20, $0x2;
	v1 =	vld [tilespmem:s21+$0xFFFFFFC0];
	[tilespmem:s22+$0x1020 ss:$0x81] =	vst.msk $0xffff, v5;
	s21 =	sadd.s32 $0x80, s21  }
0x55: {  	s24 =	simm.s32 $0x4;
	s25 =	simm.s32 $0x8;
	s20 =	sor.u32 $0x8000, s20;
	[tilespmem:s22+$0x1830 ss:$0x81] =	vst.msk $0xffff, v6;
	v0 =	vld [tilespmem:s21+$0x30]  }
.LBB1_3:
0x56: {  	p1 =	sne.s32 s25, $0x1FC;
	v5 =	vld [tilespmem:s21+$0xFFFFFFD0];
	[tilespmem:s22+$0x2040 ss:$0x81] =	vst.msk $0xffff, v4  }
0x57: {  	v6 =	vld [tilespmem:s21+$0xFFFFFFE0];
	[tilespmem:s22+$0x2850 ss:$0x81] =	vst.msk $0xffff, v3  }
0x58: {  	s26 =	sshra.s32 s24, $0x2;
	s24 =	smov.u32 s25;
	v7 =	vld [tilespmem:s21+$0xFFFFFFF0];
	[tilespmem:s22+$0x3060 ss:$0x81] =	vst.msk $0xffff, v2  }
.Ltmp3:
0x59: {  	v4 =	vld [tilespmem:s21+$0x0];
	[tilespmem:s22+$0x0 ss:$0x81] =	vst.msk $0xffff, v1;
	s22 =	sadd.s32 s26, s23;
	(pc) =	sbr.rel @p1 .LBB1_3-.Ltmp3, $4  }
0x5a: {  	v3 =	vld [tilespmem:s21+$0x10];
	[tilespmem:s22+$0x3870 ss:$0x81] =	vst.msk $0xffff, v0  }
0x5b: {  	[tilespmem:s22+$0x810 ss:$0x81] =	vst.msk $0xffff, v5;
	v2 =	vld [tilespmem:s21+$0x20]  }
0x5c: {  	v1 =	vld [tilespmem:s21+$0xFFFFFFC0];
	[tilespmem:s22+$0x1020 ss:$0x81] =	vst.msk $0xffff, v6;
	s21 =	sadd.s32 $0x80, s21  }
0x5d: {  	s25 =	sadd.s32 $0x4, s25;
	v0 =	vld [tilespmem:s21+$0x30];
	[tilespmem:s22+$0x1830 ss:$0x81] =	vst.msk $0xffff, v7  }
.Ltmp4:
0x5e: {  	_ = 	snop;
	(pc) =	sbr.rel .LBB1_4-.Ltmp4, $1  }
0x5f: {  	_ =	sdelay $0x3  }
.LBB1_6:
0x60: {  	_ =	sfence.sel $0x180000  }
0x61: {  	s2 =	simm.s32 $0x1;
	[bflag:$0x0] =	sbarrier.arrive $0xFFFF  }
0x62: {  	s31 =	simm.s32 $0x2;
	[sflag:s2] =	ssyncpa.u1 $0x1  }
0x63: {  	[sflag:s31] =	ssyncpa.u1 $0x1  }
0x64: {  	p0 =	sne.s32 s0, $0x0;
	_ =	strace $0x9000004A  }
0x65: {  	s0 =	sadd.s32 @!p0 $0x100000, s1;
	[bflag:$0x2] =	sbarrier.arrive $0xFFFF  }
0x66: {  	[sflag:s0] =	ssyncadd.tile.s32 @!p0 $0x1;
	_ =	shalt  }
.Lfunc_end1:
_tile_overlayer_lowered:
.L_overlay_start_2:
0x67: {  	(tag) =	ssettag $0x2  }
0x68: {  	s0 =	rddreg [dreg:$0x0];
	s2 =	stileid.u32  }
0x69: {  	s1 =	rddreg [dreg:$0x1];
	p0 =	sne.s32 s2, $0x0  }
0x6a: {  	s3 =	rddreg [dreg:$0x2];
	[bflag:$0x3] =	sbarrier.arrive $0xFFFF;
	s2 =	simm.s32 @!p0 $0x1C01  }
0x6b: {  	[timem:s3], [sflag:s2] =	dma.local @!p0 [hbm:s0], s1  }
0x6c: {  	s0 =	simm.s32 @!p0 $0x1  }
0x6d: {  	_ =	swait.ge @!p0 [sflag:s0], s1  }
0x6e: {  	s1 =	ssub.s32 @!p0 $0x0, s1;
	[sflag:s0] =	ssyncset.done @!p0 $0x0  }
0x6f: {  	[sflag:s0] =	ssyncadd.s32 @!p0 s1  }
0x70: {  	[bflag:$0x3] =	sbarrier.arrive $0xFFFF  }
0x71: {  	_ =	shalt  }

</sc_bundles>
